<compile_context>
chip_gen: v7x
topology: tpu7x:2x2x1
jax: 0.10.2.dev20260603
libtpu: 0.0.44.dev20260713+nightly
codegen_flags: <defaults>
</compile_context>

<pallas_src>
import functools

import jax
import jax.numpy as jnp
from jax import lax
from jax.experimental import pallas as pl
from jax.experimental.pallas import tpu as pltpu
from jax.experimental.pallas import tpu_sc as plsc

_D = 768
_MAX_REL = 125
_VOCAB = 2 * _MAX_REL + 1
_BLK = 1024
_S = 2048
_NW = 32
_JB = _S // (_NW // 2)
_DH = _D // 2
_CH = 32
_NCH = _JB // _CH
_NV = _DH // 16


def _sc_body(table_hbm, out_hbm, tbl_v, out_v):
    c = lax.axis_index("c")
    s = lax.axis_index("s")
    wid = s * 2 + c
    jb = wid // 2
    h = wid % 2
    j0 = jb * _JB
    h0 = h * _DH
    pltpu.sync_copy(table_hbm.at[:, pl.ds(h0, _DH)], tbl_v)

    coef0 = jnp.maximum(0, (_S - _MAX_REL) - j0).astype(jnp.float32)
    coef1 = jnp.maximum(0, j0 - (_MAX_REL - 1)).astype(jnp.float32)
    kmin = jnp.maximum(1, j0 - (_S - _MAX_REL - 1))
    kmax = jnp.minimum(_VOCAB - 2, j0 + _MAX_REL)

    accs = [coef0 * tbl_v[0, pl.ds(ci * 16, 16)]
            + coef1 * tbl_v[_VOCAB - 1, pl.ds(ci * 16, 16)]
            for ci in range(_NV)]

    def base_body(k, accs):
        return [a + tbl_v[k, pl.ds(ci * 16, 16)] for ci, a in enumerate(accs)]

    accs = lax.fori_loop(kmin, kmax + 1, base_body, accs)

    for ch in range(_NCH):
        def j_body(jj, accs):
            for ci in range(_NV):
                out_v[jj, pl.ds(ci * 16, 16)] = accs[ci]
            j = j0 + ch * _CH + jj
            kadd = jnp.minimum(_VOCAB - 1, j + _MAX_REL + 1)
            ksub = jnp.maximum(0, j - (_S - _MAX_REL - 1))
            return [a + tbl_v[kadd, pl.ds(ci * 16, 16)]
                    - tbl_v[ksub, pl.ds(ci * 16, 16)]
                    for ci, a in enumerate(accs)]

        accs = lax.fori_loop(0, _CH, j_body, accs)
        pltpu.sync_copy(out_v,
                        out_hbm.at[pl.ds(j0 + ch * _CH, _CH), pl.ds(h0, _DH)])


def _pooled_raw_sc(table):
    mesh = plsc.VectorSubcoreMesh(core_axis_name="c", subcore_axis_name="s")
    k = functools.partial(
        pl.kernel,
        mesh=mesh,
        out_type=jax.ShapeDtypeStruct((_S, _D), jnp.float32),
        scratch_types=[
            pltpu.VMEM((_VOCAB, _DH), jnp.float32),
            pltpu.VMEM((_CH, _DH), jnp.float32),
        ],
    )(_sc_body)
    return k(table)


def _tc_add_body(x_ref, pooled_ref, out_ref, *, S):
    out_ref[...] = x_ref[...] + pooled_ref[...][None, :, :] * (1.0 / S)


def kernel(x, table):
    B, S, d = x.shape
    pooled_raw = _pooled_raw_sc(table)
    grid = (S // _BLK,)
    body = functools.partial(_tc_add_body, S=S)
    return pl.pallas_call(
        body,
        grid=grid,
        in_specs=[
            pl.BlockSpec((B, _BLK, d), lambda s: (0, s, 0)),
            pl.BlockSpec((_BLK, d), lambda s: (s, 0)),
        ],
        out_specs=pl.BlockSpec((B, _BLK, d), lambda s: (0, s, 0)),
        out_shape=jax.ShapeDtypeStruct((B, S, d), x.dtype),
    )(x, pooled_raw)

# --- scband reference (transcript-rebuilt; emitter-appended) ---
"""Pipeline reference for scband-positional-encoding-68461778698414 (READ-ONLY COPY).

The authoritative reference and input builder live on the scoring server;
editing this copy changes nothing except your own understanding.
"""

import jax, jax.numpy as jnp
import numpy as np

D_MODEL = 768
MAX_REL = 125
VOCAB = 2 * MAX_REL + 1
BATCH = 2
SEQ = 2048


def setup_inputs(seed: int = 0) -> dict:
    key = jax.random.key(seed)
    k1, k2 = jax.random.split(key)
    x = jax.random.normal(k1, (BATCH, SEQ, D_MODEL), dtype=jnp.float32)
    # learned parameter: relative position embedding table (nn.Embedding weight)
    table = jax.random.normal(k2, (VOCAB, D_MODEL), dtype=jnp.float32)
    return {"x": x, "table": table}


def reference(x, table):
    B, S, d = x.shape
    range_vec = jnp.arange(S)
    range_mat = jnp.tile(range_vec[None, :], (S, 1))
    distance_mat = range_mat - range_mat.T
    distance_mat_clipped = jnp.clip(distance_mat + MAX_REL, 0, 2 * MAX_REL)
    # rel_embeddings = table[distance_mat_clipped]  -> [S, S, d]; mean over dim 0.
    # Computed as a row-wise scan (identical sum, O(S*d) memory instead of O(S^2*d)).
    def step(acc, row_idx):
        return acc + jnp.take(table, row_idx, axis=0), None
    total, _ = jax.lax.scan(step, jnp.zeros((S, d), dtype=table.dtype), distance_mat_clipped)
    rel_embeddings_pooled = total / S
    rel_embeddings_expanded = jnp.broadcast_to(rel_embeddings_pooled[None, :, :], (B, S, d))
    # dropout is identity in eval mode
    return x + rel_embeddings_expanded

if __name__ == "__main__":
    import jax
    _d = setup_inputs()
    print(jax.jit(kernel)(*tuple(_d.values())))

</pallas_src>

<mosaic_0001>
#map = affine_map<(d0, d1) -> (0, 0)>
module attributes {stable_mosaic.version = 14 : i64} {
  func.func @_sc_body(%arg0: i32, %arg1: i32, %arg2: memref<251x768xf32, #tpu.memory_space<hbm>>, %arg3: memref<2048x768xf32, #tpu.memory_space<hbm>>, %arg4: memref<251x384xf32, #tpu.memory_space<vmem>>, %arg5: memref<32x384xf32, #tpu.memory_space<vmem>>) attributes {dimension_semantics = [#tpu.dimension_semantics<core_parallel>, #tpu.dimension_semantics<subcore_parallel>], iteration_bounds = array<i64: 2, 16>, scalar_prefetch = 0 : i64, scratch_operands = 2 : i64, tpu.core_type = #tpu.core_type<sc_vector_subcore>, window_params = [{transform_indices = #map}, {transform_indices = #map}]} {
    %mul3A = arith.constant 2 : i32
    %mul3A_0 = arith.muli %arg1, %mul3A : i32
    %add3A = arith.addi %mul3A_0, %arg0 : i32
    %jit3A = arith.constant 2 : i32
    %div3A = arith.divsi %add3A, %jit3A : i32
    %sign3A = arith.constant 0 : i32
    %sign3A_1 = arith.cmpi sgt, %add3A, %sign3A : i32
    %sign3A_2 = arith.extui %sign3A_1 : i1 to i32
    %sign3A_3 = arith.constant 0 : i32
    %sign3A_4 = arith.cmpi slt, %add3A, %sign3A_3 : i32
    %sign3A_5 = arith.extui %sign3A_4 : i1 to i32
    %sign3A_6 = arith.subi %sign3A_2, %sign3A_5 : i32
    %sign3A_7 = arith.constant 0 : i32
    %sign3A_8 = arith.cmpi sgt, %jit3A, %sign3A_7 : i32
    %sign3A_9 = arith.extui %sign3A_8 : i1 to i32
    %sign3A_10 = arith.constant 0 : i32
    %sign3A_11 = arith.cmpi slt, %jit3A, %sign3A_10 : i32
    %sign3A_12 = arith.extui %sign3A_11 : i1 to i32
    %sign3A_13 = arith.subi %sign3A_9, %sign3A_12 : i32
    %ne3A = arith.cmpi ne, %sign3A_6, %sign3A_13 : i32
    %rem3A = arith.remsi %add3A, %jit3A : i32
    %ne3A_14 = arith.constant 0 : i32
    %ne3A_15 = arith.cmpi ne, %rem3A, %ne3A_14 : i32
    %and3A = arith.andi %ne3A, %ne3A_15 : i1
    %sub3A = arith.constant 1 : i32
    %sub3A_16 = arith.subi %div3A, %sub3A : i32
    %select_n3A = arith.select %and3A, %sub3A_16, %div3A : i32
    %jit3A_17 = arith.constant 2 : i32
    %eq3A = arith.constant 0 : i32
    %eq3A_18 = arith.cmpi eq, %jit3A_17, %eq3A : i32
    %jit3A_19 = arith.constant 1 : i32
    %select_n3A_20 = arith.select %eq3A_18, %jit3A_19, %jit3A_17 : i32
    %rem3A_21 = arith.remsi %add3A, %select_n3A_20 : i32
    %ne3A_22 = arith.constant 0 : i32
    %ne3A_23 = arith.cmpi ne, %rem3A_21, %ne3A_22 : i32
    %lt3A = arith.constant 0 : i32
    %lt3A_24 = arith.cmpi slt, %rem3A_21, %lt3A : i32
    %lt3A_25 = arith.constant 0 : i32
    %lt3A_26 = arith.cmpi slt, %select_n3A_20, %lt3A_25 : i32
    %ne3A_27 = arith.xori %lt3A_24, %lt3A_26 : i1
    %and3A_28 = arith.andi %ne3A_27, %ne3A_23 : i1
    %add3A_29 = arith.addi %rem3A_21, %select_n3A_20 : i32
    %select_n3A_30 = arith.select %and3A_28, %add3A_29, %rem3A_21 : i32
    %mul3A_31 = arith.constant 128 : i32
    %mul3A_32 = arith.muli %select_n3A, %mul3A_31 : i32
    %mul3A_33 = arith.constant 384 : i32
    %mul3A_34 = arith.muli %select_n3A_30, %mul3A_33 : i32
    "tpu.region"() ({
      %run_scoped3A = tpu.sem_alloc : memref<!tpu.dma_semaphore, #tpu.memory_space<semaphore_mem>>
      %dma_start3A = arith.constant 0 : i32
      %dma_start3A_451 = tpu.memref_slice %arg2[%dma_start3A, %mul3A_34] : memref<251x768xf32, #tpu.memory_space<hbm>> -> memref<251x384xf32, #tpu.memory_space<hbm>>
      %dma_start3A_452 = arith.constant 0 : i32
      %dma_start3A_453 = tpu.memref_slice %arg2[%dma_start3A_452, %mul3A_34] : memref<251x768xf32, #tpu.memory_space<hbm>> -> memref<251x384xf32, #tpu.memory_space<hbm>>
      tpu.enqueue_dma source(%dma_start3A_453 : memref<251x384xf32, #tpu.memory_space<hbm>>) target(%arg4 : memref<251x384xf32, #tpu.memory_space<vmem>>) target_semaphore(%run_scoped3A : memref<!tpu.dma_semaphore, #tpu.memory_space<semaphore_mem>>)
      %dma_wait3A = arith.constant 0 : i32
      %dma_wait3A_454 = tpu.memref_slice %arg2[%dma_wait3A, %mul3A_34] : memref<251x768xf32, #tpu.memory_space<hbm>> -> memref<251x384xf32, #tpu.memory_space<hbm>>
      %dma_wait3A_455 = arith.constant 0 : i32
      %dma_wait3A_456 = tpu.memref_slice %arg2[%dma_wait3A_455, %mul3A_34] : memref<251x768xf32, #tpu.memory_space<hbm>> -> memref<251x384xf32, #tpu.memory_space<hbm>>
      tpu.wait_dma2 semaphore(%run_scoped3A : memref<!tpu.dma_semaphore, #tpu.memory_space<semaphore_mem>>) src(%dma_wait3A_456 : memref<251x384xf32, #tpu.memory_space<hbm>>) dst(%arg4 : memref<251x384xf32, #tpu.memory_space<vmem>>)
      tpu.yield
    }) : () -> ()
    %sub3A_35 = arith.constant 1923 : i32
    %sub3A_36 = arith.subi %sub3A_35, %mul3A_32 : i32
    %max3A = arith.constant 0 : i32
    %max3A_37 = arith.maxsi %max3A, %sub3A_36 : i32
    %convert_element_type3A = arith.sitofp %max3A_37 : i32 to f32
    %sub3A_38 = arith.constant 124 : i32
    %sub3A_39 = arith.subi %mul3A_32, %sub3A_38 : i32
    %max3A_40 = arith.constant 0 : i32
    %max3A_41 = arith.maxsi %max3A_40, %sub3A_39 : i32
    %convert_element_type3A_42 = arith.sitofp %max3A_41 : i32 to f32
    %sub3A_43 = arith.constant 1922 : i32
    %sub3A_44 = arith.subi %mul3A_32, %sub3A_43 : i32
    %max3A_45 = arith.constant 1 : i32
    %max3A_46 = arith.maxsi %max3A_45, %sub3A_44 : i32
    %add3A_47 = arith.constant 125 : i32
    %add3A_48 = arith.addi %mul3A_32, %add3A_47 : i32
    %min3A = arith.constant 249 : i32
    %min3A_49 = arith.minsi %min3A, %add3A_48 : i32
    %get3A = arith.constant 0 : i32
    %get3A_50 = arith.index_cast %get3A : i32 to index
    %get3A_51 = arith.constant 0 : index
    %get3A_52 = tpu.vector_load %arg4[%get3A_50, %get3A_51] {strides = array<i32>} : memref<251x384xf32, #tpu.memory_space<vmem>>, vector<1x16xf32>,
    %get3A_53 = vector.shape_cast %get3A_52 : vector<1x16xf32> to vector<16xf32>
    %mul3A_54 = vector.broadcast %convert_element_type3A : f32 to vector<16xf32>
    %mul3A_55 = arith.mulf %mul3A_54, %get3A_53 : vector<16xf32>
    %get3A_56 = arith.constant 250 : i32
    %get3A_57 = arith.index_cast %get3A_56 : i32 to index
    %get3A_58 = arith.constant 0 : index
    %get3A_59 = tpu.vector_load %arg4[%get3A_57, %get3A_58] {strides = array<i32>} : memref<251x384xf32, #tpu.memory_space<vmem>>, vector<1x16xf32>,
    %get3A_60 = vector.shape_cast %get3A_59 : vector<1x16xf32> to vector<16xf32>
    %mul3A_61 = vector.broadcast %convert_element_type3A_42 : f32 to vector<16xf32>
    %mul3A_62 = arith.mulf %mul3A_61, %get3A_60 : vector<16xf32>
    %add3A_63 = arith.addf %mul3A_55, %mul3A_62 : vector<16xf32>
    %get3A_64 = arith.constant 0 : i32
    %get3A_65 = arith.index_cast %get3A_64 : i32 to index
    %get3A_66 = arith.constant 16 : index
    %get3A_67 = tpu.vector_load %arg4[%get3A_65, %get3A_66] {strides = array<i32>} : memref<251x384xf32, #tpu.memory_space<vmem>>, vector<1x16xf32>,
    %get3A_68 = vector.shape_cast %get3A_67 : vector<1x16xf32> to vector<16xf32>
    %mul3A_69 = vector.broadcast %convert_element_type3A : f32 to vector<16xf32>
    %mul3A_70 = arith.mulf %mul3A_69, %get3A_68 : vector<16xf32>
    %get3A_71 = arith.constant 250 : i32
    %get3A_72 = arith.index_cast %get3A_71 : i32 to index
    %get3A_73 = arith.constant 16 : index
    %get3A_74 = tpu.vector_load %arg4[%get3A_72, %get3A_73] {strides = array<i32>} : memref<251x384xf32, #tpu.memory_space<vmem>>, vector<1x16xf32>,
    %get3A_75 = vector.shape_cast %get3A_74 : vector<1x16xf32> to vector<16xf32>
    %mul3A_76 = vector.broadcast %convert_element_type3A_42 : f32 to vector<16xf32>
    %mul3A_77 = arith.mulf %mul3A_76, %get3A_75 : vector<16xf32>
    %add3A_78 = arith.addf %mul3A_70, %mul3A_77 : vector<16xf32>
    %get3A_79 = arith.constant 0 : i32
    %get3A_80 = arith.index_cast %get3A_79 : i32 to index
    %get3A_81 = arith.constant 32 : index
    %get3A_82 = tpu.vector_load %arg4[%get3A_80, %get3A_81] {strides = array<i32>} : memref<251x384xf32, #tpu.memory_space<vmem>>, vector<1x16xf32>,
    %get3A_83 = vector.shape_cast %get3A_82 : vector<1x16xf32> to vector<16xf32>
    %mul3A_84 = vector.broadcast %convert_element_type3A : f32 to vector<16xf32>
    %mul3A_85 = arith.mulf %mul3A_84, %get3A_83 : vector<16xf32>
    %get3A_86 = arith.constant 250 : i32
    %get3A_87 = arith.index_cast %get3A_86 : i32 to index
    %get3A_88 = arith.constant 32 : index
    %get3A_89 = tpu.vector_load %arg4[%get3A_87, %get3A_88] {strides = array<i32>} : memref<251x384xf32, #tpu.memory_space<vmem>>, vector<1x16xf32>,
    %get3A_90 = vector.shape_cast %get3A_89 : vector<1x16xf32> to vector<16xf32>
    %mul3A_91 = vector.broadcast %convert_element_type3A_42 : f32 to vector<16xf32>
    %mul3A_92 = arith.mulf %mul3A_91, %get3A_90 : vector<16xf32>
    %add3A_93 = arith.addf %mul3A_85, %mul3A_92 : vector<16xf32>
    %get3A_94 = arith.constant 0 : i32
    %get3A_95 = arith.index_cast %get3A_94 : i32 to index
    %get3A_96 = arith.constant 48 : index
    %get3A_97 = tpu.vector_load %arg4[%get3A_95, %get3A_96] {strides = array<i32>} : memref<251x384xf32, #tpu.memory_space<vmem>>, vector<1x16xf32>,
    %get3A_98 = vector.shape_cast %get3A_97 : vector<1x16xf32> to vector<16xf32>
    %mul3A_99 = vector.broadcast %convert_element_type3A : f32 to vector<16xf32>
    %mul3A_100 = arith.mulf %mul3A_99, %get3A_98 : vector<16xf32>
    %get3A_101 = arith.constant 250 : i32
    %get3A_102 = arith.index_cast %get3A_101 : i32 to index
    %get3A_103 = arith.constant 48 : index
    %get3A_104 = tpu.vector_load %arg4[%get3A_102, %get3A_103] {strides = array<i32>} : memref<251x384xf32, #tpu.memory_space<vmem>>, vector<1x16xf32>,
    %get3A_105 = vector.shape_cast %get3A_104 : vector<1x16xf32> to vector<16xf32>
    %mul3A_106 = vector.broadcast %convert_element_type3A_42 : f32 to vector<16xf32>
    %mul3A_107 = arith.mulf %mul3A_106, %get3A_105 : vector<16xf32>
    %add3A_108 = arith.addf %mul3A_100, %mul3A_107 : vector<16xf32>
    %get3A_109 = arith.constant 0 : i32
    %get3A_110 = arith.index_cast %get3A_109 : i32 to index
    %get3A_111 = arith.constant 64 : index
    %get3A_112 = tpu.vector_load %arg4[%get3A_110, %get3A_111] {strides = array<i32>} : memref<251x384xf32, #tpu.memory_space<vmem>>, vector<1x16xf32>,
    %get3A_113 = vector.shape_cast %get3A_112 : vector<1x16xf32> to vector<16xf32>
    %mul3A_114 = vector.broadcast %convert_element_type3A : f32 to vector<16xf32>
    %mul3A_115 = arith.mulf %mul3A_114, %get3A_113 : vector<16xf32>
    %get3A_116 = arith.constant 250 : i32
    %get3A_117 = arith.index_cast %get3A_116 : i32 to index
    %get3A_118 = arith.constant 64 : index
    %get3A_119 = tpu.vector_load %arg4[%get3A_117, %get3A_118] {strides = array<i32>} : memref<251x384xf32, #tpu.memory_space<vmem>>, vector<1x16xf32>,
    %get3A_120 = vector.shape_cast %get3A_119 : vector<1x16xf32> to vector<16xf32>
    %mul3A_121 = vector.broadcast %convert_element_type3A_42 : f32 to vector<16xf32>
    %mul3A_122 = arith.mulf %mul3A_121, %get3A_120 : vector<16xf32>
    %add3A_123 = arith.addf %mul3A_115, %mul3A_122 : vector<16xf32>
    %get3A_124 = arith.constant 0 : i32
    %get3A_125 = arith.index_cast %get3A_124 : i32 to index
    %get3A_126 = arith.constant 80 : index
    %get3A_127 = tpu.vector_load %arg4[%get3A_125, %get3A_126] {strides = array<i32>} : memref<251x384xf32, #tpu.memory_space<vmem>>, vector<1x16xf32>,
    %get3A_128 = vector.shape_cast %get3A_127 : vector<1x16xf32> to vector<16xf32>
    %mul3A_129 = vector.broadcast %convert_element_type3A : f32 to vector<16xf32>
    %mul3A_130 = arith.mulf %mul3A_129, %get3A_128 : vector<16xf32>
    %get3A_131 = arith.constant 250 : i32
    %get3A_132 = arith.index_cast %get3A_131 : i32 to index
    %get3A_133 = arith.constant 80 : index
    %get3A_134 = tpu.vector_load %arg4[%get3A_132, %get3A_133] {strides = array<i32>} : memref<251x384xf32, #tpu.memory_space<vmem>>, vector<1x16xf32>,
    %get3A_135 = vector.shape_cast %get3A_134 : vector<1x16xf32> to vector<16xf32>
    %mul3A_136 = vector.broadcast %convert_element_type3A_42 : f32 to vector<16xf32>
    %mul3A_137 = arith.mulf %mul3A_136, %get3A_135 : vector<16xf32>
    %add3A_138 = arith.addf %mul3A_130, %mul3A_137 : vector<16xf32>
    %get3A_139 = arith.constant 0 : i32
    %get3A_140 = arith.index_cast %get3A_139 : i32 to index
    %get3A_141 = arith.constant 96 : index
    %get3A_142 = tpu.vector_load %arg4[%get3A_140, %get3A_141] {strides = array<i32>} : memref<251x384xf32, #tpu.memory_space<vmem>>, vector<1x16xf32>,
    %get3A_143 = vector.shape_cast %get3A_142 : vector<1x16xf32> to vector<16xf32>
    %mul3A_144 = vector.broadcast %convert_element_type3A : f32 to vector<16xf32>
    %mul3A_145 = arith.mulf %mul3A_144, %get3A_143 : vector<16xf32>
    %get3A_146 = arith.constant 250 : i32
    %get3A_147 = arith.index_cast %get3A_146 : i32 to index
    %get3A_148 = arith.constant 96 : index
    %get3A_149 = tpu.vector_load %arg4[%get3A_147, %get3A_148] {strides = array<i32>} : memref<251x384xf32, #tpu.memory_space<vmem>>, vector<1x16xf32>,
    %get3A_150 = vector.shape_cast %get3A_149 : vector<1x16xf32> to vector<16xf32>
    %mul3A_151 = vector.broadcast %convert_element_type3A_42 : f32 to vector<16xf32>
    %mul3A_152 = arith.mulf %mul3A_151, %get3A_150 : vector<16xf32>
    %add3A_153 = arith.addf %mul3A_145, %mul3A_152 : vector<16xf32>
    %get3A_154 = arith.constant 0 : i32
    %get3A_155 = arith.index_cast %get3A_154 : i32 to index
    %get3A_156 = arith.constant 112 : index
    %get3A_157 = tpu.vector_load %arg4[%get3A_155, %get3A_156] {strides = array<i32>} : memref<251x384xf32, #tpu.memory_space<vmem>>, vector<1x16xf32>,
    %get3A_158 = vector.shape_cast %get3A_157 : vector<1x16xf32> to vector<16xf32>
    %mul3A_159 = vector.broadcast %convert_element_type3A : f32 to vector<16xf32>
    %mul3A_160 = arith.mulf %mul3A_159, %get3A_158 : vector<16xf32>
    %get3A_161 = arith.constant 250 : i32
    %get3A_162 = arith.index_cast %get3A_161 : i32 to index
    %get3A_163 = arith.constant 112 : index
    %get3A_164 = tpu.vector_load %arg4[%get3A_162, %get3A_163] {strides = array<i32>} : memref<251x384xf32, #tpu.memory_space<vmem>>, vector<1x16xf32>,
    %get3A_165 = vector.shape_cast %get3A_164 : vector<1x16xf32> to vector<16xf32>
    %mul3A_166 = vector.broadcast %convert_element_type3A_42 : f32 to vector<16xf32>
    %mul3A_167 = arith.mulf %mul3A_166, %get3A_165 : vector<16xf32>
    %add3A_168 = arith.addf %mul3A_160, %mul3A_167 : vector<16xf32>
    %get3A_169 = arith.constant 0 : i32
    %get3A_170 = arith.index_cast %get3A_169 : i32 to index
    %get3A_171 = arith.constant 128 : index
    %get3A_172 = tpu.vector_load %arg4[%get3A_170, %get3A_171] {strides = array<i32>} : memref<251x384xf32, #tpu.memory_space<vmem>>, vector<1x16xf32>,
    %get3A_173 = vector.shape_cast %get3A_172 : vector<1x16xf32> to vector<16xf32>
    %mul3A_174 = vector.broadcast %convert_element_type3A : f32 to vector<16xf32>
    %mul3A_175 = arith.mulf %mul3A_174, %get3A_173 : vector<16xf32>
    %get3A_176 = arith.constant 250 : i32
    %get3A_177 = arith.index_cast %get3A_176 : i32 to index
    %get3A_178 = arith.constant 128 : index
    %get3A_179 = tpu.vector_load %arg4[%get3A_177, %get3A_178] {strides = array<i32>} : memref<251x384xf32, #tpu.memory_space<vmem>>, vector<1x16xf32>,
    %get3A_180 = vector.shape_cast %get3A_179 : vector<1x16xf32> to vector<16xf32>
    %mul3A_181 = vector.broadcast %convert_element_type3A_42 : f32 to vector<16xf32>
    %mul3A_182 = arith.mulf %mul3A_181, %get3A_180 : vector<16xf32>
    %add3A_183 = arith.addf %mul3A_175, %mul3A_182 : vector<16xf32>
    %get3A_184 = arith.constant 0 : i32
    %get3A_185 = arith.index_cast %get3A_184 : i32 to index
    %get3A_186 = arith.constant 144 : index
    %get3A_187 = tpu.vector_load %arg4[%get3A_185, %get3A_186] {strides = array<i32>} : memref<251x384xf32, #tpu.memory_space<vmem>>, vector<1x16xf32>,
    %get3A_188 = vector.shape_cast %get3A_187 : vector<1x16xf32> to vector<16xf32>
    %mul3A_189 = vector.broadcast %convert_element_type3A : f32 to vector<16xf32>
    %mul3A_190 = arith.mulf %mul3A_189, %get3A_188 : vector<16xf32>
    %get3A_191 = arith.constant 250 : i32
    %get3A_192 = arith.index_cast %get3A_191 : i32 to index
    %get3A_193 = arith.constant 144 : index
    %get3A_194 = tpu.vector_load %arg4[%get3A_192, %get3A_193] {strides = array<i32>} : memref<251x384xf32, #tpu.memory_space<vmem>>, vector<1x16xf32>,
    %get3A_195 = vector.shape_cast %get3A_194 : vector<1x16xf32> to vector<16xf32>
    %mul3A_196 = vector.broadcast %convert_element_type3A_42 : f32 to vector<16xf32>
    %mul3A_197 = arith.mulf %mul3A_196, %get3A_195 : vector<16xf32>
    %add3A_198 = arith.addf %mul3A_190, %mul3A_197 : vector<16xf32>
    %get3A_199 = arith.constant 0 : i32
    %get3A_200 = arith.index_cast %get3A_199 : i32 to index
    %get3A_201 = arith.constant 160 : index
    %get3A_202 = tpu.vector_load %arg4[%get3A_200, %get3A_201] {strides = array<i32>} : memref<251x384xf32, #tpu.memory_space<vmem>>, vector<1x16xf32>,
    %get3A_203 = vector.shape_cast %get3A_202 : vector<1x16xf32> to vector<16xf32>
    %mul3A_204 = vector.broadcast %convert_element_type3A : f32 to vector<16xf32>
    %mul3A_205 = arith.mulf %mul3A_204, %get3A_203 : vector<16xf32>
    %get3A_206 = arith.constant 250 : i32
    %get3A_207 = arith.index_cast %get3A_206 : i32 to index
    %get3A_208 = arith.constant 160 : index
    %get3A_209 = tpu.vector_load %arg4[%get3A_207, %get3A_208] {strides = array<i32>} : memref<251x384xf32, #tpu.memory_space<vmem>>, vector<1x16xf32>,
    %get3A_210 = vector.shape_cast %get3A_209 : vector<1x16xf32> to vector<16xf32>
    %mul3A_211 = vector.broadcast %convert_element_type3A_42 : f32 to vector<16xf32>
    %mul3A_212 = arith.mulf %mul3A_211, %get3A_210 : vector<16xf32>
    %add3A_213 = arith.addf %mul3A_205, %mul3A_212 : vector<16xf32>
    %get3A_214 = arith.constant 0 : i32
    %get3A_215 = arith.index_cast %get3A_214 : i32 to index
    %get3A_216 = arith.constant 176 : index
    %get3A_217 = tpu.vector_load %arg4[%get3A_215, %get3A_216] {strides = array<i32>} : memref<251x384xf32, #tpu.memory_space<vmem>>, vector<1x16xf32>,
    %get3A_218 = vector.shape_cast %get3A_217 : vector<1x16xf32> to vector<16xf32>
    %mul3A_219 = vector.broadcast %convert_element_type3A : f32 to vector<16xf32>
    %mul3A_220 = arith.mulf %mul3A_219, %get3A_218 : vector<16xf32>
    %get3A_221 = arith.constant 250 : i32
    %get3A_222 = arith.index_cast %get3A_221 : i32 to index
    %get3A_223 = arith.constant 176 : index
    %get3A_224 = tpu.vector_load %arg4[%get3A_222, %get3A_223] {strides = array<i32>} : memref<251x384xf32, #tpu.memory_space<vmem>>, vector<1x16xf32>,
    %get3A_225 = vector.shape_cast %get3A_224 : vector<1x16xf32> to vector<16xf32>
    %mul3A_226 = vector.broadcast %convert_element_type3A_42 : f32 to vector<16xf32>
    %mul3A_227 = arith.mulf %mul3A_226, %get3A_225 : vector<16xf32>
    %add3A_228 = arith.addf %mul3A_220, %mul3A_227 : vector<16xf32>
    %get3A_229 = arith.constant 0 : i32
    %get3A_230 = arith.index_cast %get3A_229 : i32 to index
    %get3A_231 = arith.constant 192 : index
    %get3A_232 = tpu.vector_load %arg4[%get3A_230, %get3A_231] {strides = array<i32>} : memref<251x384xf32, #tpu.memory_space<vmem>>, vector<1x16xf32>,
    %get3A_233 = vector.shape_cast %get3A_232 : vector<1x16xf32> to vector<16xf32>
    %mul3A_234 = vector.broadcast %convert_element_type3A : f32 to vector<16xf32>
    %mul3A_235 = arith.mulf %mul3A_234, %get3A_233 : vector<16xf32>
    %get3A_236 = arith.constant 250 : i32
    %get3A_237 = arith.index_cast %get3A_236 : i32 to index
    %get3A_238 = arith.constant 192 : index
    %get3A_239 = tpu.vector_load %arg4[%get3A_237, %get3A_238] {strides = array<i32>} : memref<251x384xf32, #tpu.memory_space<vmem>>, vector<1x16xf32>,
    %get3A_240 = vector.shape_cast %get3A_239 : vector<1x16xf32> to vector<16xf32>
    %mul3A_241 = vector.broadcast %convert_element_type3A_42 : f32 to vector<16xf32>
    %mul3A_242 = arith.mulf %mul3A_241, %get3A_240 : vector<16xf32>
    %add3A_243 = arith.addf %mul3A_235, %mul3A_242 : vector<16xf32>
    %get3A_244 = arith.constant 0 : i32
    %get3A_245 = arith.index_cast %get3A_244 : i32 to index
    %get3A_246 = arith.constant 208 : index
    %get3A_247 = tpu.vector_load %arg4[%get3A_245, %get3A_246] {strides = array<i32>} : memref<251x384xf32, #tpu.memory_space<vmem>>, vector<1x16xf32>,
    %get3A_248 = vector.shape_cast %get3A_247 : vector<1x16xf32> to vector<16xf32>
    %mul3A_249 = vector.broadcast %convert_element_type3A : f32 to vector<16xf32>
    %mul3A_250 = arith.mulf %mul3A_249, %get3A_248 : vector<16xf32>
    %get3A_251 = arith.constant 250 : i32
    %get3A_252 = arith.index_cast %get3A_251 : i32 to index
    %get3A_253 = arith.constant 208 : index
    %get3A_254 = tpu.vector_load %arg4[%get3A_252, %get3A_253] {strides = array<i32>} : memref<251x384xf32, #tpu.memory_space<vmem>>, vector<1x16xf32>,
    %get3A_255 = vector.shape_cast %get3A_254 : vector<1x16xf32> to vector<16xf32>
    %mul3A_256 = vector.broadcast %convert_element_type3A_42 : f32 to vector<16xf32>
    %mul3A_257 = arith.mulf %mul3A_256, %get3A_255 : vector<16xf32>
    %add3A_258 = arith.addf %mul3A_250, %mul3A_257 : vector<16xf32>
    %get3A_259 = arith.constant 0 : i32
    %get3A_260 = arith.index_cast %get3A_259 : i32 to index
    %get3A_261 = arith.constant 224 : index
    %get3A_262 = tpu.vector_load %arg4[%get3A_260, %get3A_261] {strides = array<i32>} : memref<251x384xf32, #tpu.memory_space<vmem>>, vector<1x16xf32>,
    %get3A_263 = vector.shape_cast %get3A_262 : vector<1x16xf32> to vector<16xf32>
    %mul3A_264 = vector.broadcast %convert_element_type3A : f32 to vector<16xf32>
    %mul3A_265 = arith.mulf %mul3A_264, %get3A_263 : vector<16xf32>
    %get3A_266 = arith.constant 250 : i32
    %get3A_267 = arith.index_cast %get3A_266 : i32 to index
    %get3A_268 = arith.constant 224 : index
    %get3A_269 = tpu.vector_load %arg4[%get3A_267, %get3A_268] {strides = array<i32>} : memref<251x384xf32, #tpu.memory_space<vmem>>, vector<1x16xf32>,
    %get3A_270 = vector.shape_cast %get3A_269 : vector<1x16xf32> to vector<16xf32>
    %mul3A_271 = vector.broadcast %convert_element_type3A_42 : f32 to vector<16xf32>
    %mul3A_272 = arith.mulf %mul3A_271, %get3A_270 : vector<16xf32>
    %add3A_273 = arith.addf %mul3A_265, %mul3A_272 : vector<16xf32>
    %get3A_274 = arith.constant 0 : i32
    %get3A_275 = arith.index_cast %get3A_274 : i32 to index
    %get3A_276 = arith.constant 240 : index
    %get3A_277 = tpu.vector_load %arg4[%get3A_275, %get3A_276] {strides = array<i32>} : memref<251x384xf32, #tpu.memory_space<vmem>>, vector<1x16xf32>,
    %get3A_278 = vector.shape_cast %get3A_277 : vector<1x16xf32> to vector<16xf32>
    %mul3A_279 = vector.broadcast %convert_element_type3A : f32 to vector<16xf32>
    %mul3A_280 = arith.mulf %mul3A_279, %get3A_278 : vector<16xf32>
    %get3A_281 = arith.constant 250 : i32
    %get3A_282 = arith.index_cast %get3A_281 : i32 to index
    %get3A_283 = arith.constant 240 : index
    %get3A_284 = tpu.vector_load %arg4[%get3A_282, %get3A_283] {strides = array<i32>} : memref<251x384xf32, #tpu.memory_space<vmem>>, vector<1x16xf32>,
    %get3A_285 = vector.shape_cast %get3A_284 : vector<1x16xf32> to vector<16xf32>
    %mul3A_286 = vector.broadcast %convert_element_type3A_42 : f32 to vector<16xf32>
    %mul3A_287 = arith.mulf %mul3A_286, %get3A_285 : vector<16xf32>
    %add3A_288 = arith.addf %mul3A_280, %mul3A_287 : vector<16xf32>
    %get3A_289 = arith.constant 0 : i32
    %get3A_290 = arith.index_cast %get3A_289 : i32 to index
    %get3A_291 = arith.constant 256 : index
    %get3A_292 = tpu.vector_load %arg4[%get3A_290, %get3A_291] {strides = array<i32>} : memref<251x384xf32, #tpu.memory_space<vmem>>, vector<1x16xf32>,
    %get3A_293 = vector.shape_cast %get3A_292 : vector<1x16xf32> to vector<16xf32>
    %mul3A_294 = vector.broadcast %convert_element_type3A : f32 to vector<16xf32>
    %mul3A_295 = arith.mulf %mul3A_294, %get3A_293 : vector<16xf32>
    %get3A_296 = arith.constant 250 : i32
    %get3A_297 = arith.index_cast %get3A_296 : i32 to index
    %get3A_298 = arith.constant 256 : index
    %get3A_299 = tpu.vector_load %arg4[%get3A_297, %get3A_298] {strides = array<i32>} : memref<251x384xf32, #tpu.memory_space<vmem>>, vector<1x16xf32>,
    %get3A_300 = vector.shape_cast %get3A_299 : vector<1x16xf32> to vector<16xf32>
    %mul3A_301 = vector.broadcast %convert_element_type3A_42 : f32 to vector<16xf32>
    %mul3A_302 = arith.mulf %mul3A_301, %get3A_300 : vector<16xf32>
    %add3A_303 = arith.addf %mul3A_295, %mul3A_302 : vector<16xf32>
    %get3A_304 = arith.constant 0 : i32
    %get3A_305 = arith.index_cast %get3A_304 : i32 to index
    %get3A_306 = arith.constant 272 : index
    %get3A_307 = tpu.vector_load %arg4[%get3A_305, %get3A_306] {strides = array<i32>} : memref<251x384xf32, #tpu.memory_space<vmem>>, vector<1x16xf32>,
    %get3A_308 = vector.shape_cast %get3A_307 : vector<1x16xf32> to vector<16xf32>
    %mul3A_309 = vector.broadcast %convert_element_type3A : f32 to vector<16xf32>
    %mul3A_310 = arith.mulf %mul3A_309, %get3A_308 : vector<16xf32>
    %get3A_311 = arith.constant 250 : i32
    %get3A_312 = arith.index_cast %get3A_311 : i32 to index
    %get3A_313 = arith.constant 272 : index
    %get3A_314 = tpu.vector_load %arg4[%get3A_312, %get3A_313] {strides = array<i32>} : memref<251x384xf32, #tpu.memory_space<vmem>>, vector<1x16xf32>,
    %get3A_315 = vector.shape_cast %get3A_314 : vector<1x16xf32> to vector<16xf32>
    %mul3A_316 = vector.broadcast %convert_element_type3A_42 : f32 to vector<16xf32>
    %mul3A_317 = arith.mulf %mul3A_316, %get3A_315 : vector<16xf32>
    %add3A_318 = arith.addf %mul3A_310, %mul3A_317 : vector<16xf32>
    %get3A_319 = arith.constant 0 : i32
    %get3A_320 = arith.index_cast %get3A_319 : i32 to index
    %get3A_321 = arith.constant 288 : index
    %get3A_322 = tpu.vector_load %arg4[%get3A_320, %get3A_321] {strides = array<i32>} : memref<251x384xf32, #tpu.memory_space<vmem>>, vector<1x16xf32>,
    %get3A_323 = vector.shape_cast %get3A_322 : vector<1x16xf32> to vector<16xf32>
    %mul3A_324 = vector.broadcast %convert_element_type3A : f32 to vector<16xf32>
    %mul3A_325 = arith.mulf %mul3A_324, %get3A_323 : vector<16xf32>
    %get3A_326 = arith.constant 250 : i32
    %get3A_327 = arith.index_cast %get3A_326 : i32 to index
    %get3A_328 = arith.constant 288 : index
    %get3A_329 = tpu.vector_load %arg4[%get3A_327, %get3A_328] {strides = array<i32>} : memref<251x384xf32, #tpu.memory_space<vmem>>, vector<1x16xf32>,
    %get3A_330 = vector.shape_cast %get3A_329 : vector<1x16xf32> to vector<16xf32>
    %mul3A_331 = vector.broadcast %convert_element_type3A_42 : f32 to vector<16xf32>
    %mul3A_332 = arith.mulf %mul3A_331, %get3A_330 : vector<16xf32>
    %add3A_333 = arith.addf %mul3A_325, %mul3A_332 : vector<16xf32>
    %get3A_334 = arith.constant 0 : i32
    %get3A_335 = arith.index_cast %get3A_334 : i32 to index
    %get3A_336 = arith.constant 304 : index
    %get3A_337 = tpu.vector_load %arg4[%get3A_335, %get3A_336] {strides = array<i32>} : memref<251x384xf32, #tpu.memory_space<vmem>>, vector<1x16xf32>,
    %get3A_338 = vector.shape_cast %get3A_337 : vector<1x16xf32> to vector<16xf32>
    %mul3A_339 = vector.broadcast %convert_element_type3A : f32 to vector<16xf32>
    %mul3A_340 = arith.mulf %mul3A_339, %get3A_338 : vector<16xf32>
    %get3A_341 = arith.constant 250 : i32
    %get3A_342 = arith.index_cast %get3A_341 : i32 to index
    %get3A_343 = arith.constant 304 : index
    %get3A_344 = tpu.vector_load %arg4[%get3A_342, %get3A_343] {strides = array<i32>} : memref<251x384xf32, #tpu.memory_space<vmem>>, vector<1x16xf32>,
    %get3A_345 = vector.shape_cast %get3A_344 : vector<1x16xf32> to vector<16xf32>
    %mul3A_346 = vector.broadcast %convert_element_type3A_42 : f32 to vector<16xf32>
    %mul3A_347 = arith.mulf %mul3A_346, %get3A_345 : vector<16xf32>
    %add3A_348 = arith.addf %mul3A_340, %mul3A_347 : vector<16xf32>
    %get3A_349 = arith.constant 0 : i32
    %get3A_350 = arith.index_cast %get3A_349 : i32 to index
    %get3A_351 = arith.constant 320 : index
    %get3A_352 = tpu.vector_load %arg4[%get3A_350, %get3A_351] {strides = array<i32>} : memref<251x384xf32, #tpu.memory_space<vmem>>, vector<1x16xf32>,
    %get3A_353 = vector.shape_cast %get3A_352 : vector<1x16xf32> to vector<16xf32>
    %mul3A_354 = vector.broadcast %convert_element_type3A : f32 to vector<16xf32>
    %mul3A_355 = arith.mulf %mul3A_354, %get3A_353 : vector<16xf32>
    %get3A_356 = arith.constant 250 : i32
    %get3A_357 = arith.index_cast %get3A_356 : i32 to index
    %get3A_358 = arith.constant 320 : index
    %get3A_359 = tpu.vector_load %arg4[%get3A_357, %get3A_358] {strides = array<i32>} : memref<251x384xf32, #tpu.memory_space<vmem>>, vector<1x16xf32>,
    %get3A_360 = vector.shape_cast %get3A_359 : vector<1x16xf32> to vector<16xf32>
    %mul3A_361 = vector.broadcast %convert_element_type3A_42 : f32 to vector<16xf32>
    %mul3A_362 = arith.mulf %mul3A_361, %get3A_360 : vector<16xf32>
    %add3A_363 = arith.addf %mul3A_355, %mul3A_362 : vector<16xf32>
    %get3A_364 = arith.constant 0 : i32
    %get3A_365 = arith.index_cast %get3A_364 : i32 to index
    %get3A_366 = arith.constant 336 : index
    %get3A_367 = tpu.vector_load %arg4[%get3A_365, %get3A_366] {strides = array<i32>} : memref<251x384xf32, #tpu.memory_space<vmem>>, vector<1x16xf32>,
    %get3A_368 = vector.shape_cast %get3A_367 : vector<1x16xf32> to vector<16xf32>
    %mul3A_369 = vector.broadcast %convert_element_type3A : f32 to vector<16xf32>
    %mul3A_370 = arith.mulf %mul3A_369, %get3A_368 : vector<16xf32>
    %get3A_371 = arith.constant 250 : i32
    %get3A_372 = arith.index_cast %get3A_371 : i32 to index
    %get3A_373 = arith.constant 336 : index
    %get3A_374 = tpu.vector_load %arg4[%get3A_372, %get3A_373] {strides = array<i32>} : memref<251x384xf32, #tpu.memory_space<vmem>>, vector<1x16xf32>,
    %get3A_375 = vector.shape_cast %get3A_374 : vector<1x16xf32> to vector<16xf32>
    %mul3A_376 = vector.broadcast %convert_element_type3A_42 : f32 to vector<16xf32>
    %mul3A_377 = arith.mulf %mul3A_376, %get3A_375 : vector<16xf32>
    %add3A_378 = arith.addf %mul3A_370, %mul3A_377 : vector<16xf32>
    %get3A_379 = arith.constant 0 : i32
    %get3A_380 = arith.index_cast %get3A_379 : i32 to index
    %get3A_381 = arith.constant 352 : index
    %get3A_382 = tpu.vector_load %arg4[%get3A_380, %get3A_381] {strides = array<i32>} : memref<251x384xf32, #tpu.memory_space<vmem>>, vector<1x16xf32>,
    %get3A_383 = vector.shape_cast %get3A_382 : vector<1x16xf32> to vector<16xf32>
    %mul3A_384 = vector.broadcast %convert_element_type3A : f32 to vector<16xf32>
    %mul3A_385 = arith.mulf %mul3A_384, %get3A_383 : vector<16xf32>
    %get3A_386 = arith.constant 250 : i32
    %get3A_387 = arith.index_cast %get3A_386 : i32 to index
    %get3A_388 = arith.constant 352 : index
    %get3A_389 = tpu.vector_load %arg4[%get3A_387, %get3A_388] {strides = array<i32>} : memref<251x384xf32, #tpu.memory_space<vmem>>, vector<1x16xf32>,
    %get3A_390 = vector.shape_cast %get3A_389 : vector<1x16xf32> to vector<16xf32>
    %mul3A_391 = vector.broadcast %convert_element_type3A_42 : f32 to vector<16xf32>
    %mul3A_392 = arith.mulf %mul3A_391, %get3A_390 : vector<16xf32>
    %add3A_393 = arith.addf %mul3A_385, %mul3A_392 : vector<16xf32>
    %get3A_394 = arith.constant 0 : i32
    %get3A_395 = arith.index_cast %get3A_394 : i32 to index
    %get3A_396 = arith.constant 368 : index
    %get3A_397 = tpu.vector_load %arg4[%get3A_395, %get3A_396] {strides = array<i32>} : memref<251x384xf32, #tpu.memory_space<vmem>>, vector<1x16xf32>,
    %get3A_398 = vector.shape_cast %get3A_397 : vector<1x16xf32> to vector<16xf32>
    %mul3A_399 = vector.broadcast %convert_element_type3A : f32 to vector<16xf32>
    %mul3A_400 = arith.mulf %mul3A_399, %get3A_398 : vector<16xf32>
    %get3A_401 = arith.constant 250 : i32
    %get3A_402 = arith.index_cast %get3A_401 : i32 to index
    %get3A_403 = arith.constant 368 : index
    %get3A_404 = tpu.vector_load %arg4[%get3A_402, %get3A_403] {strides = array<i32>} : memref<251x384xf32, #tpu.memory_space<vmem>>, vector<1x16xf32>,
    %get3A_405 = vector.shape_cast %get3A_404 : vector<1x16xf32> to vector<16xf32>
    %mul3A_406 = vector.broadcast %convert_element_type3A_42 : f32 to vector<16xf32>
    %mul3A_407 = arith.mulf %mul3A_406, %get3A_405 : vector<16xf32>
    %add3A_408 = arith.addf %mul3A_400, %mul3A_407 : vector<16xf32>
    %add3A_409 = arith.constant 1 : i32
    %add3A_410 = arith.addi %min3A_49, %add3A_409 : i32
    %while3A = arith.subi %add3A_410, %max3A_46 : i32
    %while3A_411 = arith.addi %max3A_46, %while3A : i32
    %while3A_412 = arith.constant 1 : i32
    %while3A_413 = arith.divsi %while3A, %while3A_412 : i32
    %while3A_414 = arith.muli %while3A_413, %while3A_412 : i32
    %while3A_415 = arith.addi %max3A_46, %while3A_414 : i32
    %while3A_416 = arith.constant 1 : i32
    %while3A_417:24 = scf.for %while3A_451 = %max3A_46 to %while3A_415 step %while3A_416 iter_args(%while3A_452 = %add3A_63, %while3A_453 = %add3A_78, %while3A_454 = %add3A_93, %while3A_455 = %add3A_108, %while3A_456 = %add3A_123, %while3A_457 = %add3A_138, %while3A_458 = %add3A_153, %while3A_459 = %add3A_168, %while3A_460 = %add3A_183, %while3A_461 = %add3A_198, %while3A_462 = %add3A_213, %while3A_463 = %add3A_228, %while3A_464 = %add3A_243, %while3A_465 = %add3A_258, %while3A_466 = %add3A_273, %while3A_467 = %add3A_288, %while3A_468 = %add3A_303, %while3A_469 = %add3A_318, %while3A_470 = %add3A_333, %while3A_471 = %add3A_348, %while3A_472 = %add3A_363, %while3A_473 = %add3A_378, %while3A_474 = %add3A_393, %while3A_475 = %add3A_408) -> (vector<16xf32>, vector<16xf32>, vector<16xf32>, vector<16xf32>, vector<16xf32>, vector<16xf32>, vector<16xf32>, vector<16xf32>, vector<16xf32>, vector<16xf32>, vector<16xf32>, vector<16xf32>, vector<16xf32>, vector<16xf32>, vector<16xf32>, vector<16xf32>, vector<16xf32>, vector<16xf32>, vector<16xf32>, vector<16xf32>, vector<16xf32>, vector<16xf32>, vector<16xf32>, vector<16xf32>)  : i32 {
      %get3A_476 = arith.index_cast %while3A_451 : i32 to index
      %get3A_477 = arith.constant 0 : index
      %get3A_478 = tpu.vector_load %arg4[%get3A_476, %get3A_477] {strides = array<i32>} : memref<251x384xf32, #tpu.memory_space<vmem>>, vector<1x16xf32>,
      %get3A_479 = vector.shape_cast %get3A_478 : vector<1x16xf32> to vector<16xf32>
      %add3A_480 = arith.addf %while3A_452, %get3A_479 : vector<16xf32>
      %get3A_481 = arith.index_cast %while3A_451 : i32 to index
      %get3A_482 = arith.constant 16 : index
      %get3A_483 = tpu.vector_load %arg4[%get3A_481, %get3A_482] {strides = array<i32>} : memref<251x384xf32, #tpu.memory_space<vmem>>, vector<1x16xf32>,
      %get3A_484 = vector.shape_cast %get3A_483 : vector<1x16xf32> to vector<16xf32>
      %add3A_485 = arith.addf %while3A_453, %get3A_484 : vector<16xf32>
      %get3A_486 = arith.index_cast %while3A_451 : i32 to index
      %get3A_487 = arith.constant 32 : index
      %get3A_488 = tpu.vector_load %arg4[%get3A_486, %get3A_487] {strides = array<i32>} : memref<251x384xf32, #tpu.memory_space<vmem>>, vector<1x16xf32>,
      %get3A_489 = vector.shape_cast %get3A_488 : vector<1x16xf32> to vector<16xf32>
      %add3A_490 = arith.addf %while3A_454, %get3A_489 : vector<16xf32>
      %get3A_491 = arith.index_cast %while3A_451 : i32 to index
      %get3A_492 = arith.constant 48 : index
      %get3A_493 = tpu.vector_load %arg4[%get3A_491, %get3A_492] {strides = array<i32>} : memref<251x384xf32, #tpu.memory_space<vmem>>, vector<1x16xf32>,
      %get3A_494 = vector.shape_cast %get3A_493 : vector<1x16xf32> to vector<16xf32>
      %add3A_495 = arith.addf %while3A_455, %get3A_494 : vector<16xf32>
      %get3A_496 = arith.index_cast %while3A_451 : i32 to index
      %get3A_497 = arith.constant 64 : index
      %get3A_498 = tpu.vector_load %arg4[%get3A_496, %get3A_497] {strides = array<i32>} : memref<251x384xf32, #tpu.memory_space<vmem>>, vector<1x16xf32>,
      %get3A_499 = vector.shape_cast %get3A_498 : vector<1x16xf32> to vector<16xf32>
      %add3A_500 = arith.addf %while3A_456, %get3A_499 : vector<16xf32>
      %get3A_501 = arith.index_cast %while3A_451 : i32 to index
      %get3A_502 = arith.constant 80 : index
      %get3A_503 = tpu.vector_load %arg4[%get3A_501, %get3A_502] {strides = array<i32>} : memref<251x384xf32, #tpu.memory_space<vmem>>, vector<1x16xf32>,
      %get3A_504 = vector.shape_cast %get3A_503 : vector<1x16xf32> to vector<16xf32>
      %add3A_505 = arith.addf %while3A_457, %get3A_504 : vector<16xf32>
      %get3A_506 = arith.index_cast %while3A_451 : i32 to index
      %get3A_507 = arith.constant 96 : index
      %get3A_508 = tpu.vector_load %arg4[%get3A_506, %get3A_507] {strides = array<i32>} : memref<251x384xf32, #tpu.memory_space<vmem>>, vector<1x16xf32>,
      %get3A_509 = vector.shape_cast %get3A_508 : vector<1x16xf32> to vector<16xf32>
      %add3A_510 = arith.addf %while3A_458, %get3A_509 : vector<16xf32>
      %get3A_511 = arith.index_cast %while3A_451 : i32 to index
      %get3A_512 = arith.constant 112 : index
      %get3A_513 = tpu.vector_load %arg4[%get3A_511, %get3A_512] {strides = array<i32>} : memref<251x384xf32, #tpu.memory_space<vmem>>, vector<1x16xf32>,
      %get3A_514 = vector.shape_cast %get3A_513 : vector<1x16xf32> to vector<16xf32>
      %add3A_515 = arith.addf %while3A_459, %get3A_514 : vector<16xf32>
      %get3A_516 = arith.index_cast %while3A_451 : i32 to index
      %get3A_517 = arith.constant 128 : index
      %get3A_518 = tpu.vector_load %arg4[%get3A_516, %get3A_517] {strides = array<i32>} : memref<251x384xf32, #tpu.memory_space<vmem>>, vector<1x16xf32>,
      %get3A_519 = vector.shape_cast %get3A_518 : vector<1x16xf32> to vector<16xf32>
      %add3A_520 = arith.addf %while3A_460, %get3A_519 : vector<16xf32>
      %get3A_521 = arith.index_cast %while3A_451 : i32 to index
      %get3A_522 = arith.constant 144 : index
      %get3A_523 = tpu.vector_load %arg4[%get3A_521, %get3A_522] {strides = array<i32>} : memref<251x384xf32, #tpu.memory_space<vmem>>, vector<1x16xf32>,
      %get3A_524 = vector.shape_cast %get3A_523 : vector<1x16xf32> to vector<16xf32>
      %add3A_525 = arith.addf %while3A_461, %get3A_524 : vector<16xf32>
      %get3A_526 = arith.index_cast %while3A_451 : i32 to index
      %get3A_527 = arith.constant 160 : index
      %get3A_528 = tpu.vector_load %arg4[%get3A_526, %get3A_527] {strides = array<i32>} : memref<251x384xf32, #tpu.memory_space<vmem>>, vector<1x16xf32>,
      %get3A_529 = vector.shape_cast %get3A_528 : vector<1x16xf32> to vector<16xf32>
      %add3A_530 = arith.addf %while3A_462, %get3A_529 : vector<16xf32>
      %get3A_531 = arith.index_cast %while3A_451 : i32 to index
      %get3A_532 = arith.constant 176 : index
      %get3A_533 = tpu.vector_load %arg4[%get3A_531, %get3A_532] {strides = array<i32>} : memref<251x384xf32, #tpu.memory_space<vmem>>, vector<1x16xf32>,
      %get3A_534 = vector.shape_cast %get3A_533 : vector<1x16xf32> to vector<16xf32>
      %add3A_535 = arith.addf %while3A_463, %get3A_534 : vector<16xf32>
      %get3A_536 = arith.index_cast %while3A_451 : i32 to index
      %get3A_537 = arith.constant 192 : index
      %get3A_538 = tpu.vector_load %arg4[%get3A_536, %get3A_537] {strides = array<i32>} : memref<251x384xf32, #tpu.memory_space<vmem>>, vector<1x16xf32>,
      %get3A_539 = vector.shape_cast %get3A_538 : vector<1x16xf32> to vector<16xf32>
      %add3A_540 = arith.addf %while3A_464, %get3A_539 : vector<16xf32>
      %get3A_541 = arith.index_cast %while3A_451 : i32 to index
      %get3A_542 = arith.constant 208 : index
      %get3A_543 = tpu.vector_load %arg4[%get3A_541, %get3A_542] {strides = array<i32>} : memref<251x384xf32, #tpu.memory_space<vmem>>, vector<1x16xf32>,
      %get3A_544 = vector.shape_cast %get3A_543 : vector<1x16xf32> to vector<16xf32>
      %add3A_545 = arith.addf %while3A_465, %get3A_544 : vector<16xf32>
      %get3A_546 = arith.index_cast %while3A_451 : i32 to index
      %get3A_547 = arith.constant 224 : index
      %get3A_548 = tpu.vector_load %arg4[%get3A_546, %get3A_547] {strides = array<i32>} : memref<251x384xf32, #tpu.memory_space<vmem>>, vector<1x16xf32>,
      %get3A_549 = vector.shape_cast %get3A_548 : vector<1x16xf32> to vector<16xf32>
      %add3A_550 = arith.addf %while3A_466, %get3A_549 : vector<16xf32>
      %get3A_551 = arith.index_cast %while3A_451 : i32 to index
      %get3A_552 = arith.constant 240 : index
      %get3A_553 = tpu.vector_load %arg4[%get3A_551, %get3A_552] {strides = array<i32>} : memref<251x384xf32, #tpu.memory_space<vmem>>, vector<1x16xf32>,
      %get3A_554 = vector.shape_cast %get3A_553 : vector<1x16xf32> to vector<16xf32>
      %add3A_555 = arith.addf %while3A_467, %get3A_554 : vector<16xf32>
      %get3A_556 = arith.index_cast %while3A_451 : i32 to index
      %get3A_557 = arith.constant 256 : index
      %get3A_558 = tpu.vector_load %arg4[%get3A_556, %get3A_557] {strides = array<i32>} : memref<251x384xf32, #tpu.memory_space<vmem>>, vector<1x16xf32>,
      %get3A_559 = vector.shape_cast %get3A_558 : vector<1x16xf32> to vector<16xf32>
      %add3A_560 = arith.addf %while3A_468, %get3A_559 : vector<16xf32>
      %get3A_561 = arith.index_cast %while3A_451 : i32 to index
      %get3A_562 = arith.constant 272 : index
      %get3A_563 = tpu.vector_load %arg4[%get3A_561, %get3A_562] {strides = array<i32>} : memref<251x384xf32, #tpu.memory_space<vmem>>, vector<1x16xf32>,
      %get3A_564 = vector.shape_cast %get3A_563 : vector<1x16xf32> to vector<16xf32>
      %add3A_565 = arith.addf %while3A_469, %get3A_564 : vector<16xf32>
      %get3A_566 = arith.index_cast %while3A_451 : i32 to index
      %get3A_567 = arith.constant 288 : index
      %get3A_568 = tpu.vector_load %arg4[%get3A_566, %get3A_567] {strides = array<i32>} : memref<251x384xf32, #tpu.memory_space<vmem>>, vector<1x16xf32>,
      %get3A_569 = vector.shape_cast %get3A_568 : vector<1x16xf32> to vector<16xf32>
      %add3A_570 = arith.addf %while3A_470, %get3A_569 : vector<16xf32>
      %get3A_571 = arith.index_cast %while3A_451 : i32 to index
      %get3A_572 = arith.constant 304 : index
      %get3A_573 = tpu.vector_load %arg4[%get3A_571, %get3A_572] {strides = array<i32>} : memref<251x384xf32, #tpu.memory_space<vmem>>, vector<1x16xf32>,
      %get3A_574 = vector.shape_cast %get3A_573 : vector<1x16xf32> to vector<16xf32>
      %add3A_575 = arith.addf %while3A_471, %get3A_574 : vector<16xf32>
      %get3A_576 = arith.index_cast %while3A_451 : i32 to index
      %get3A_577 = arith.constant 320 : index
      %get3A_578 = tpu.vector_load %arg4[%get3A_576, %get3A_577] {strides = array<i32>} : memref<251x384xf32, #tpu.memory_space<vmem>>, vector<1x16xf32>,
      %get3A_579 = vector.shape_cast %get3A_578 : vector<1x16xf32> to vector<16xf32>
      %add3A_580 = arith.addf %while3A_472, %get3A_579 : vector<16xf32>
      %get3A_581 = arith.index_cast %while3A_451 : i32 to index
      %get3A_582 = arith.constant 336 : index
      %get3A_583 = tpu.vector_load %arg4[%get3A_581, %get3A_582] {strides = array<i32>} : memref<251x384xf32, #tpu.memory_space<vmem>>, vector<1x16xf32>,
      %get3A_584 = vector.shape_cast %get3A_583 : vector<1x16xf32> to vector<16xf32>
      %add3A_585 = arith.addf %while3A_473, %get3A_584 : vector<16xf32>
      %get3A_586 = arith.index_cast %while3A_451 : i32 to index
      %get3A_587 = arith.constant 352 : index
      %get3A_588 = tpu.vector_load %arg4[%get3A_586, %get3A_587] {strides = array<i32>} : memref<251x384xf32, #tpu.memory_space<vmem>>, vector<1x16xf32>,
      %get3A_589 = vector.shape_cast %get3A_588 : vector<1x16xf32> to vector<16xf32>
      %add3A_590 = arith.addf %while3A_474, %get3A_589 : vector<16xf32>
      %get3A_591 = arith.index_cast %while3A_451 : i32 to index
      %get3A_592 = arith.constant 368 : index
      %get3A_593 = tpu.vector_load %arg4[%get3A_591, %get3A_592] {strides = array<i32>} : memref<251x384xf32, #tpu.memory_space<vmem>>, vector<1x16xf32>,
      %get3A_594 = vector.shape_cast %get3A_593 : vector<1x16xf32> to vector<16xf32>
      %add3A_595 = arith.addf %while3A_475, %get3A_594 : vector<16xf32>
      scf.yield %add3A_480, %add3A_485, %add3A_490, %add3A_495, %add3A_500, %add3A_505, %add3A_510, %add3A_515, %add3A_520, %add3A_525, %add3A_530, %add3A_535, %add3A_540, %add3A_545, %add3A_550, %add3A_555, %add3A_560, %add3A_565, %add3A_570, %add3A_575, %add3A_580, %add3A_585, %add3A_590, %add3A_595 : vector<16xf32>, vector<16xf32>, vector<16xf32>, vector<16xf32>, vector<16xf32>, vector<16xf32>, vector<16xf32>, vector<16xf32>, vector<16xf32>, vector<16xf32>, vector<16xf32>, vector<16xf32>, vector<16xf32>, vector<16xf32>, vector<16xf32>, vector<16xf32>, vector<16xf32>, vector<16xf32>, vector<16xf32>, vector<16xf32>, vector<16xf32>, vector<16xf32>, vector<16xf32>, vector<16xf32>
    }
    %while3A_418 = arith.constant 1 : i32
    %while3A_419:24 = scf.for %while3A_451 = %while3A_415 to %while3A_411 step %while3A_418 iter_args(%while3A_452 = %while3A_417#0, %while3A_453 = %while3A_417#1, %while3A_454 = %while3A_417#2, %while3A_455 = %while3A_417#3, %while3A_456 = %while3A_417#4, %while3A_457 = %while3A_417#5, %while3A_458 = %while3A_417#6, %while3A_459 = %while3A_417#7, %while3A_460 = %while3A_417#8, %while3A_461 = %while3A_417#9, %while3A_462 = %while3A_417#10, %while3A_463 = %while3A_417#11, %while3A_464 = %while3A_417#12, %while3A_465 = %while3A_417#13, %while3A_466 = %while3A_417#14, %while3A_467 = %while3A_417#15, %while3A_468 = %while3A_417#16, %while3A_469 = %while3A_417#17, %while3A_470 = %while3A_417#18, %while3A_471 = %while3A_417#19, %while3A_472 = %while3A_417#20, %while3A_473 = %while3A_417#21, %while3A_474 = %while3A_417#22, %while3A_475 = %while3A_417#23) -> (vector<16xf32>, vector<16xf32>, vector<16xf32>, vector<16xf32>, vector<16xf32>, vector<16xf32>, vector<16xf32>, vector<16xf32>, vector<16xf32>, vector<16xf32>, vector<16xf32>, vector<16xf32>, vector<16xf32>, vector<16xf32>, vector<16xf32>, vector<16xf32>, vector<16xf32>, vector<16xf32>, vector<16xf32>, vector<16xf32>, vector<16xf32>, vector<16xf32>, vector<16xf32>, vector<16xf32>)  : i32 {
      %get3A_476 = arith.index_cast %while3A_451 : i32 to index
      %get3A_477 = arith.constant 0 : index
      %get3A_478 = tpu.vector_load %arg4[%get3A_476, %get3A_477] {strides = array<i32>} : memref<251x384xf32, #tpu.memory_space<vmem>>, vector<1x16xf32>,
      %get3A_479 = vector.shape_cast %get3A_478 : vector<1x16xf32> to vector<16xf32>
      %add3A_480 = arith.addf %while3A_452, %get3A_479 : vector<16xf32>
      %get3A_481 = arith.index_cast %while3A_451 : i32 to index
      %get3A_482 = arith.constant 16 : index
      %get3A_483 = tpu.vector_load %arg4[%get3A_481, %get3A_482] {strides = array<i32>} : memref<251x384xf32, #tpu.memory_space<vmem>>, vector<1x16xf32>,
      %get3A_484 = vector.shape_cast %get3A_483 : vector<1x16xf32> to vector<16xf32>
      %add3A_485 = arith.addf %while3A_453, %get3A_484 : vector<16xf32>
      %get3A_486 = arith.index_cast %while3A_451 : i32 to index
      %get3A_487 = arith.constant 32 : index
      %get3A_488 = tpu.vector_load %arg4[%get3A_486, %get3A_487] {strides = array<i32>} : memref<251x384xf32, #tpu.memory_space<vmem>>, vector<1x16xf32>,
      %get3A_489 = vector.shape_cast %get3A_488 : vector<1x16xf32> to vector<16xf32>
      %add3A_490 = arith.addf %while3A_454, %get3A_489 : vector<16xf32>
      %get3A_491 = arith.index_cast %while3A_451 : i32 to index
      %get3A_492 = arith.constant 48 : index
      %get3A_493 = tpu.vector_load %arg4[%get3A_491, %get3A_492] {strides = array<i32>} : memref<251x384xf32, #tpu.memory_space<vmem>>, vector<1x16xf32>,
      %get3A_494 = vector.shape_cast %get3A_493 : vector<1x16xf32> to vector<16xf32>
      %add3A_495 = arith.addf %while3A_455, %get3A_494 : vector<16xf32>
      %get3A_496 = arith.index_cast %while3A_451 : i32 to index
      %get3A_497 = arith.constant 64 : index
      %get3A_498 = tpu.vector_load %arg4[%get3A_496, %get3A_497] {strides = array<i32>} : memref<251x384xf32, #tpu.memory_space<vmem>>, vector<1x16xf32>,
      %get3A_499 = vector.shape_cast %get3A_498 : vector<1x16xf32> to vector<16xf32>
      %add3A_500 = arith.addf %while3A_456, %get3A_499 : vector<16xf32>
      %get3A_501 = arith.index_cast %while3A_451 : i32 to index
      %get3A_502 = arith.constant 80 : index
      %get3A_503 = tpu.vector_load %arg4[%get3A_501, %get3A_502] {strides = array<i32>} : memref<251x384xf32, #tpu.memory_space<vmem>>, vector<1x16xf32>,
      %get3A_504 = vector.shape_cast %get3A_503 : vector<1x16xf32> to vector<16xf32>
      %add3A_505 = arith.addf %while3A_457, %get3A_504 : vector<16xf32>
      %get3A_506 = arith.index_cast %while3A_451 : i32 to index
      %get3A_507 = arith.constant 96 : index
      %get3A_508 = tpu.vector_load %arg4[%get3A_506, %get3A_507] {strides = array<i32>} : memref<251x384xf32, #tpu.memory_space<vmem>>, vector<1x16xf32>,
      %get3A_509 = vector.shape_cast %get3A_508 : vector<1x16xf32> to vector<16xf32>
      %add3A_510 = arith.addf %while3A_458, %get3A_509 : vector<16xf32>
      %get3A_511 = arith.index_cast %while3A_451 : i32 to index
      %get3A_512 = arith.constant 112 : index
      %get3A_513 = tpu.vector_load %arg4[%get3A_511, %get3A_512] {strides = array<i32>} : memref<251x384xf32, #tpu.memory_space<vmem>>, vector<1x16xf32>,
      %get3A_514 = vector.shape_cast %get3A_513 : vector<1x16xf32> to vector<16xf32>
      %add3A_515 = arith.addf %while3A_459, %get3A_514 : vector<16xf32>
      %get3A_516 = arith.index_cast %while3A_451 : i32 to index
      %get3A_517 = arith.constant 128 : index
      %get3A_518 = tpu.vector_load %arg4[%get3A_516, %get3A_517] {strides = array<i32>} : memref<251x384xf32, #tpu.memory_space<vmem>>, vector<1x16xf32>,
      %get3A_519 = vector.shape_cast %get3A_518 : vector<1x16xf32> to vector<16xf32>
      %add3A_520 = arith.addf %while3A_460, %get3A_519 : vector<16xf32>
      %get3A_521 = arith.index_cast %while3A_451 : i32 to index
      %get3A_522 = arith.constant 144 : index
      %get3A_523 = tpu.vector_load %arg4[%get3A_521, %get3A_522] {strides = array<i32>} : memref<251x384xf32, #tpu.memory_space<vmem>>, vector<1x16xf32>,
      %get3A_524 = vector.shape_cast %get3A_523 : vector<1x16xf32> to vector<16xf32>
      %add3A_525 = arith.addf %while3A_461, %get3A_524 : vector<16xf32>
      %get3A_526 = arith.index_cast %while3A_451 : i32 to index
      %get3A_527 = arith.constant 160 : index
      %get3A_528 = tpu.vector_load %arg4[%get3A_526, %get3A_527] {strides = array<i32>} : memref<251x384xf32, #tpu.memory_space<vmem>>, vector<1x16xf32>,
      %get3A_529 = vector.shape_cast %get3A_528 : vector<1x16xf32> to vector<16xf32>
      %add3A_530 = arith.addf %while3A_462, %get3A_529 : vector<16xf32>
      %get3A_531 = arith.index_cast %while3A_451 : i32 to index
      %get3A_532 = arith.constant 176 : index
      %get3A_533 = tpu.vector_load %arg4[%get3A_531, %get3A_532] {strides = array<i32>} : memref<251x384xf32, #tpu.memory_space<vmem>>, vector<1x16xf32>,
      %get3A_534 = vector.shape_cast %get3A_533 : vector<1x16xf32> to vector<16xf32>
      %add3A_535 = arith.addf %while3A_463, %get3A_534 : vector<16xf32>
      %get3A_536 = arith.index_cast %while3A_451 : i32 to index
      %get3A_537 = arith.constant 192 : index
      %get3A_538 = tpu.vector_load %arg4[%get3A_536, %get3A_537] {strides = array<i32>} : memref<251x384xf32, #tpu.memory_space<vmem>>, vector<1x16xf32>,
      %get3A_539 = vector.shape_cast %get3A_538 : vector<1x16xf32> to vector<16xf32>
      %add3A_540 = arith.addf %while3A_464, %get3A_539 : vector<16xf32>
      %get3A_541 = arith.index_cast %while3A_451 : i32 to index
      %get3A_542 = arith.constant 208 : index
      %get3A_543 = tpu.vector_load %arg4[%get3A_541, %get3A_542] {strides = array<i32>} : memref<251x384xf32, #tpu.memory_space<vmem>>, vector<1x16xf32>,
      %get3A_544 = vector.shape_cast %get3A_543 : vector<1x16xf32> to vector<16xf32>
      %add3A_545 = arith.addf %while3A_465, %get3A_544 : vector<16xf32>
      %get3A_546 = arith.index_cast %while3A_451 : i32 to index
      %get3A_547 = arith.constant 224 : index
      %get3A_548 = tpu.vector_load %arg4[%get3A_546, %get3A_547] {strides = array<i32>} : memref<251x384xf32, #tpu.memory_space<vmem>>, vector<1x16xf32>,
      %get3A_549 = vector.shape_cast %get3A_548 : vector<1x16xf32> to vector<16xf32>
      %add3A_550 = arith.addf %while3A_466, %get3A_549 : vector<16xf32>
      %get3A_551 = arith.index_cast %while3A_451 : i32 to index
      %get3A_552 = arith.constant 240 : index
      %get3A_553 = tpu.vector_load %arg4[%get3A_551, %get3A_552] {strides = array<i32>} : memref<251x384xf32, #tpu.memory_space<vmem>>, vector<1x16xf32>,
      %get3A_554 = vector.shape_cast %get3A_553 : vector<1x16xf32> to vector<16xf32>
      %add3A_555 = arith.addf %while3A_467, %get3A_554 : vector<16xf32>
      %get3A_556 = arith.index_cast %while3A_451 : i32 to index
      %get3A_557 = arith.constant 256 : index
      %get3A_558 = tpu.vector_load %arg4[%get3A_556, %get3A_557] {strides = array<i32>} : memref<251x384xf32, #tpu.memory_space<vmem>>, vector<1x16xf32>,
      %get3A_559 = vector.shape_cast %get3A_558 : vector<1x16xf32> to vector<16xf32>
      %add3A_560 = arith.addf %while3A_468, %get3A_559 : vector<16xf32>
      %get3A_561 = arith.index_cast %while3A_451 : i32 to index
      %get3A_562 = arith.constant 272 : index
      %get3A_563 = tpu.vector_load %arg4[%get3A_561, %get3A_562] {strides = array<i32>} : memref<251x384xf32, #tpu.memory_space<vmem>>, vector<1x16xf32>,
      %get3A_564 = vector.shape_cast %get3A_563 : vector<1x16xf32> to vector<16xf32>
      %add3A_565 = arith.addf %while3A_469, %get3A_564 : vector<16xf32>
      %get3A_566 = arith.index_cast %while3A_451 : i32 to index
      %get3A_567 = arith.constant 288 : index
      %get3A_568 = tpu.vector_load %arg4[%get3A_566, %get3A_567] {strides = array<i32>} : memref<251x384xf32, #tpu.memory_space<vmem>>, vector<1x16xf32>,
      %get3A_569 = vector.shape_cast %get3A_568 : vector<1x16xf32> to vector<16xf32>
      %add3A_570 = arith.addf %while3A_470, %get3A_569 : vector<16xf32>
      %get3A_571 = arith.index_cast %while3A_451 : i32 to index
      %get3A_572 = arith.constant 304 : index
      %get3A_573 = tpu.vector_load %arg4[%get3A_571, %get3A_572] {strides = array<i32>} : memref<251x384xf32, #tpu.memory_space<vmem>>, vector<1x16xf32>,
      %get3A_574 = vector.shape_cast %get3A_573 : vector<1x16xf32> to vector<16xf32>
      %add3A_575 = arith.addf %while3A_471, %get3A_574 : vector<16xf32>
      %get3A_576 = arith.index_cast %while3A_451 : i32 to index
      %get3A_577 = arith.constant 320 : index
      %get3A_578 = tpu.vector_load %arg4[%get3A_576, %get3A_577] {strides = array<i32>} : memref<251x384xf32, #tpu.memory_space<vmem>>, vector<1x16xf32>,
      %get3A_579 = vector.shape_cast %get3A_578 : vector<1x16xf32> to vector<16xf32>
      %add3A_580 = arith.addf %while3A_472, %get3A_579 : vector<16xf32>
      %get3A_581 = arith.index_cast %while3A_451 : i32 to index
      %get3A_582 = arith.constant 336 : index
      %get3A_583 = tpu.vector_load %arg4[%get3A_581, %get3A_582] {strides = array<i32>} : memref<251x384xf32, #tpu.memory_space<vmem>>, vector<1x16xf32>,
      %get3A_584 = vector.shape_cast %get3A_583 : vector<1x16xf32> to vector<16xf32>
      %add3A_585 = arith.addf %while3A_473, %get3A_584 : vector<16xf32>
      %get3A_586 = arith.index_cast %while3A_451 : i32 to index
      %get3A_587 = arith.constant 352 : index
      %get3A_588 = tpu.vector_load %arg4[%get3A_586, %get3A_587] {strides = array<i32>} : memref<251x384xf32, #tpu.memory_space<vmem>>, vector<1x16xf32>,
      %get3A_589 = vector.shape_cast %get3A_588 : vector<1x16xf32> to vector<16xf32>
      %add3A_590 = arith.addf %while3A_474, %get3A_589 : vector<16xf32>
      %get3A_591 = arith.index_cast %while3A_451 : i32 to index
      %get3A_592 = arith.constant 368 : index
      %get3A_593 = tpu.vector_load %arg4[%get3A_591, %get3A_592] {strides = array<i32>} : memref<251x384xf32, #tpu.memory_space<vmem>>, vector<1x16xf32>,
      %get3A_594 = vector.shape_cast %get3A_593 : vector<1x16xf32> to vector<16xf32>
      %add3A_595 = arith.addf %while3A_475, %get3A_594 : vector<16xf32>
      scf.yield %add3A_480, %add3A_485, %add3A_490, %add3A_495, %add3A_500, %add3A_505, %add3A_510, %add3A_515, %add3A_520, %add3A_525, %add3A_530, %add3A_535, %add3A_540, %add3A_545, %add3A_550, %add3A_555, %add3A_560, %add3A_565, %add3A_570, %add3A_575, %add3A_580, %add3A_585, %add3A_590, %add3A_595 : vector<16xf32>, vector<16xf32>, vector<16xf32>, vector<16xf32>, vector<16xf32>, vector<16xf32>, vector<16xf32>, vector<16xf32>, vector<16xf32>, vector<16xf32>, vector<16xf32>, vector<16xf32>, vector<16xf32>, vector<16xf32>, vector<16xf32>, vector<16xf32>, vector<16xf32>, vector<16xf32>, vector<16xf32>, vector<16xf32>, vector<16xf32>, vector<16xf32>, vector<16xf32>, vector<16xf32>
    }
    %scan3A = arith.constant 0 : i32
    %scan3A_420 = arith.constant 32 : i32
    %scan3A_421 = arith.addi %scan3A, %scan3A_420 : i32
    %scan3A_422 = arith.constant 1 : i32
    %scan3A_423:24 = scf.for %scan3A_451 = %scan3A to %scan3A_421 step %scan3A_422 iter_args(%scan3A_452 = %while3A_419#0, %scan3A_453 = %while3A_419#1, %scan3A_454 = %while3A_419#2, %scan3A_455 = %while3A_419#3, %scan3A_456 = %while3A_419#4, %scan3A_457 = %while3A_419#5, %scan3A_458 = %while3A_419#6, %scan3A_459 = %while3A_419#7, %scan3A_460 = %while3A_419#8, %scan3A_461 = %while3A_419#9, %scan3A_462 = %while3A_419#10, %scan3A_463 = %while3A_419#11, %scan3A_464 = %while3A_419#12, %scan3A_465 = %while3A_419#13, %scan3A_466 = %while3A_419#14, %scan3A_467 = %while3A_419#15, %scan3A_468 = %while3A_419#16, %scan3A_469 = %while3A_419#17, %scan3A_470 = %while3A_419#18, %scan3A_471 = %while3A_419#19, %scan3A_472 = %while3A_419#20, %scan3A_473 = %while3A_419#21, %scan3A_474 = %while3A_419#22, %scan3A_475 = %while3A_419#23) -> (vector<16xf32>, vector<16xf32>, vector<16xf32>, vector<16xf32>, vector<16xf32>, vector<16xf32>, vector<16xf32>, vector<16xf32>, vector<16xf32>, vector<16xf32>, vector<16xf32>, vector<16xf32>, vector<16xf32>, vector<16xf32>, vector<16xf32>, vector<16xf32>, vector<16xf32>, vector<16xf32>, vector<16xf32>, vector<16xf32>, vector<16xf32>, vector<16xf32>, vector<16xf32>, vector<16xf32>)  : i32 {
      %swap3A = arith.index_cast %scan3A_451 : i32 to index
      %swap3A_476 = arith.constant 0 : index
      %swap3A_477 = tpu.vector_load %arg5[%swap3A, %swap3A_476] {strides = array<i32>} : memref<32x384xf32, #tpu.memory_space<vmem>>, vector<1x16xf32>,
      %swap3A_478 = vector.shape_cast %swap3A_477 : vector<1x16xf32> to vector<16xf32>
      %swap3A_479 = vector.shape_cast %scan3A_452 : vector<16xf32> to vector<1x16xf32>
      tpu.vector_store %arg5[%swap3A, %swap3A_476], %swap3A_479 {strides = array<i32>} : memref<32x384xf32, #tpu.memory_space<vmem>>, vector<1x16xf32>,
      %swap3A_480 = arith.index_cast %scan3A_451 : i32 to index
      %swap3A_481 = arith.constant 16 : index
      %swap3A_482 = tpu.vector_load %arg5[%swap3A_480, %swap3A_481] {strides = array<i32>} : memref<32x384xf32, #tpu.memory_space<vmem>>, vector<1x16xf32>,
      %swap3A_483 = vector.shape_cast %swap3A_482 : vector<1x16xf32> to vector<16xf32>
      %swap3A_484 = vector.shape_cast %scan3A_453 : vector<16xf32> to vector<1x16xf32>
      tpu.vector_store %arg5[%swap3A_480, %swap3A_481], %swap3A_484 {strides = array<i32>} : memref<32x384xf32, #tpu.memory_space<vmem>>, vector<1x16xf32>,
      %swap3A_485 = arith.index_cast %scan3A_451 : i32 to index
      %swap3A_486 = arith.constant 32 : index
      %swap3A_487 = tpu.vector_load %arg5[%swap3A_485, %swap3A_486] {strides = array<i32>} : memref<32x384xf32, #tpu.memory_space<vmem>>, vector<1x16xf32>,
      %swap3A_488 = vector.shape_cast %swap3A_487 : vector<1x16xf32> to vector<16xf32>
      %swap3A_489 = vector.shape_cast %scan3A_454 : vector<16xf32> to vector<1x16xf32>
      tpu.vector_store %arg5[%swap3A_485, %swap3A_486], %swap3A_489 {strides = array<i32>} : memref<32x384xf32, #tpu.memory_space<vmem>>, vector<1x16xf32>,
      %swap3A_490 = arith.index_cast %scan3A_451 : i32 to index
      %swap3A_491 = arith.constant 48 : index
      %swap3A_492 = tpu.vector_load %arg5[%swap3A_490, %swap3A_491] {strides = array<i32>} : memref<32x384xf32, #tpu.memory_space<vmem>>, vector<1x16xf32>,
      %swap3A_493 = vector.shape_cast %swap3A_492 : vector<1x16xf32> to vector<16xf32>
      %swap3A_494 = vector.shape_cast %scan3A_455 : vector<16xf32> to vector<1x16xf32>
      tpu.vector_store %arg5[%swap3A_490, %swap3A_491], %swap3A_494 {strides = array<i32>} : memref<32x384xf32, #tpu.memory_space<vmem>>, vector<1x16xf32>,
      %swap3A_495 = arith.index_cast %scan3A_451 : i32 to index
      %swap3A_496 = arith.constant 64 : index
      %swap3A_497 = tpu.vector_load %arg5[%swap3A_495, %swap3A_496] {strides = array<i32>} : memref<32x384xf32, #tpu.memory_space<vmem>>, vector<1x16xf32>,
      %swap3A_498 = vector.shape_cast %swap3A_497 : vector<1x16xf32> to vector<16xf32>
      %swap3A_499 = vector.shape_cast %scan3A_456 : vector<16xf32> to vector<1x16xf32>
      tpu.vector_store %arg5[%swap3A_495, %swap3A_496], %swap3A_499 {strides = array<i32>} : memref<32x384xf32, #tpu.memory_space<vmem>>, vector<1x16xf32>,
      %swap3A_500 = arith.index_cast %scan3A_451 : i32 to index
      %swap3A_501 = arith.constant 80 : index
      %swap3A_502 = tpu.vector_load %arg5[%swap3A_500, %swap3A_501] {strides = array<i32>} : memref<32x384xf32, #tpu.memory_space<vmem>>, vector<1x16xf32>,
      %swap3A_503 = vector.shape_cast %swap3A_502 : vector<1x16xf32> to vector<16xf32>
      %swap3A_504 = vector.shape_cast %scan3A_457 : vector<16xf32> to vector<1x16xf32>
      tpu.vector_store %arg5[%swap3A_500, %swap3A_501], %swap3A_504 {strides = array<i32>} : memref<32x384xf32, #tpu.memory_space<vmem>>, vector<1x16xf32>,
      %swap3A_505 = arith.index_cast %scan3A_451 : i32 to index
      %swap3A_506 = arith.constant 96 : index
      %swap3A_507 = tpu.vector_load %arg5[%swap3A_505, %swap3A_506] {strides = array<i32>} : memref<32x384xf32, #tpu.memory_space<vmem>>, vector<1x16xf32>,
      %swap3A_508 = vector.shape_cast %swap3A_507 : vector<1x16xf32> to vector<16xf32>
      %swap3A_509 = vector.shape_cast %scan3A_458 : vector<16xf32> to vector<1x16xf32>
      tpu.vector_store %arg5[%swap3A_505, %swap3A_506], %swap3A_509 {strides = array<i32>} : memref<32x384xf32, #tpu.memory_space<vmem>>, vector<1x16xf32>,
      %swap3A_510 = arith.index_cast %scan3A_451 : i32 to index
      %swap3A_511 = arith.constant 112 : index
      %swap3A_512 = tpu.vector_load %arg5[%swap3A_510, %swap3A_511] {strides = array<i32>} : memref<32x384xf32, #tpu.memory_space<vmem>>, vector<1x16xf32>,
      %swap3A_513 = vector.shape_cast %swap3A_512 : vector<1x16xf32> to vector<16xf32>
      %swap3A_514 = vector.shape_cast %scan3A_459 : vector<16xf32> to vector<1x16xf32>
      tpu.vector_store %arg5[%swap3A_510, %swap3A_511], %swap3A_514 {strides = array<i32>} : memref<32x384xf32, #tpu.memory_space<vmem>>, vector<1x16xf32>,
      %swap3A_515 = arith.index_cast %scan3A_451 : i32 to index
      %swap3A_516 = arith.constant 128 : index
      %swap3A_517 = tpu.vector_load %arg5[%swap3A_515, %swap3A_516] {strides = array<i32>} : memref<32x384xf32, #tpu.memory_space<vmem>>, vector<1x16xf32>,
      %swap3A_518 = vector.shape_cast %swap3A_517 : vector<1x16xf32> to vector<16xf32>
      %swap3A_519 = vector.shape_cast %scan3A_460 : vector<16xf32> to vector<1x16xf32>
      tpu.vector_store %arg5[%swap3A_515, %swap3A_516], %swap3A_519 {strides = array<i32>} : memref<32x384xf32, #tpu.memory_space<vmem>>, vector<1x16xf32>,
      %swap3A_520 = arith.index_cast %scan3A_451 : i32 to index
      %swap3A_521 = arith.constant 144 : index
      %swap3A_522 = tpu.vector_load %arg5[%swap3A_520, %swap3A_521] {strides = array<i32>} : memref<32x384xf32, #tpu.memory_space<vmem>>, vector<1x16xf32>,
      %swap3A_523 = vector.shape_cast %swap3A_522 : vector<1x16xf32> to vector<16xf32>
      %swap3A_524 = vector.shape_cast %scan3A_461 : vector<16xf32> to vector<1x16xf32>
      tpu.vector_store %arg5[%swap3A_520, %swap3A_521], %swap3A_524 {strides = array<i32>} : memref<32x384xf32, #tpu.memory_space<vmem>>, vector<1x16xf32>,
      %swap3A_525 = arith.index_cast %scan3A_451 : i32 to index
      %swap3A_526 = arith.constant 160 : index
      %swap3A_527 = tpu.vector_load %arg5[%swap3A_525, %swap3A_526] {strides = array<i32>} : memref<32x384xf32, #tpu.memory_space<vmem>>, vector<1x16xf32>,
      %swap3A_528 = vector.shape_cast %swap3A_527 : vector<1x16xf32> to vector<16xf32>
      %swap3A_529 = vector.shape_cast %scan3A_462 : vector<16xf32> to vector<1x16xf32>
      tpu.vector_store %arg5[%swap3A_525, %swap3A_526], %swap3A_529 {strides = array<i32>} : memref<32x384xf32, #tpu.memory_space<vmem>>, vector<1x16xf32>,
      %swap3A_530 = arith.index_cast %scan3A_451 : i32 to index
      %swap3A_531 = arith.constant 176 : index
      %swap3A_532 = tpu.vector_load %arg5[%swap3A_530, %swap3A_531] {strides = array<i32>} : memref<32x384xf32, #tpu.memory_space<vmem>>, vector<1x16xf32>,
      %swap3A_533 = vector.shape_cast %swap3A_532 : vector<1x16xf32> to vector<16xf32>
      %swap3A_534 = vector.shape_cast %scan3A_463 : vector<16xf32> to vector<1x16xf32>
      tpu.vector_store %arg5[%swap3A_530, %swap3A_531], %swap3A_534 {strides = array<i32>} : memref<32x384xf32, #tpu.memory_space<vmem>>, vector<1x16xf32>,
      %swap3A_535 = arith.index_cast %scan3A_451 : i32 to index
      %swap3A_536 = arith.constant 192 : index
      %swap3A_537 = tpu.vector_load %arg5[%swap3A_535, %swap3A_536] {strides = array<i32>} : memref<32x384xf32, #tpu.memory_space<vmem>>, vector<1x16xf32>,
      %swap3A_538 = vector.shape_cast %swap3A_537 : vector<1x16xf32> to vector<16xf32>
      %swap3A_539 = vector.shape_cast %scan3A_464 : vector<16xf32> to vector<1x16xf32>
      tpu.vector_store %arg5[%swap3A_535, %swap3A_536], %swap3A_539 {strides = array<i32>} : memref<32x384xf32, #tpu.memory_space<vmem>>, vector<1x16xf32>,
      %swap3A_540 = arith.index_cast %scan3A_451 : i32 to index
      %swap3A_541 = arith.constant 208 : index
      %swap3A_542 = tpu.vector_load %arg5[%swap3A_540, %swap3A_541] {strides = array<i32>} : memref<32x384xf32, #tpu.memory_space<vmem>>, vector<1x16xf32>,
      %swap3A_543 = vector.shape_cast %swap3A_542 : vector<1x16xf32> to vector<16xf32>
      %swap3A_544 = vector.shape_cast %scan3A_465 : vector<16xf32> to vector<1x16xf32>
      tpu.vector_store %arg5[%swap3A_540, %swap3A_541], %swap3A_544 {strides = array<i32>} : memref<32x384xf32, #tpu.memory_space<vmem>>, vector<1x16xf32>,
      %swap3A_545 = arith.index_cast %scan3A_451 : i32 to index
      %swap3A_546 = arith.constant 224 : index
      %swap3A_547 = tpu.vector_load %arg5[%swap3A_545, %swap3A_546] {strides = array<i32>} : memref<32x384xf32, #tpu.memory_space<vmem>>, vector<1x16xf32>,
      %swap3A_548 = vector.shape_cast %swap3A_547 : vector<1x16xf32> to vector<16xf32>
      %swap3A_549 = vector.shape_cast %scan3A_466 : vector<16xf32> to vector<1x16xf32>
      tpu.vector_store %arg5[%swap3A_545, %swap3A_546], %swap3A_549 {strides = array<i32>} : memref<32x384xf32, #tpu.memory_space<vmem>>, vector<1x16xf32>,
      %swap3A_550 = arith.index_cast %scan3A_451 : i32 to index
      %swap3A_551 = arith.constant 240 : index
      %swap3A_552 = tpu.vector_load %arg5[%swap3A_550, %swap3A_551] {strides = array<i32>} : memref<32x384xf32, #tpu.memory_space<vmem>>, vector<1x16xf32>,
      %swap3A_553 = vector.shape_cast %swap3A_552 : vector<1x16xf32> to vector<16xf32>
      %swap3A_554 = vector.shape_cast %scan3A_467 : vector<16xf32> to vector<1x16xf32>
      tpu.vector_store %arg5[%swap3A_550, %swap3A_551], %swap3A_554 {strides = array<i32>} : memref<32x384xf32, #tpu.memory_space<vmem>>, vector<1x16xf32>,
      %swap3A_555 = arith.index_cast %scan3A_451 : i32 to index
      %swap3A_556 = arith.constant 256 : index
      %swap3A_557 = tpu.vector_load %arg5[%swap3A_555, %swap3A_556] {strides = array<i32>} : memref<32x384xf32, #tpu.memory_space<vmem>>, vector<1x16xf32>,
      %swap3A_558 = vector.shape_cast %swap3A_557 : vector<1x16xf32> to vector<16xf32>
      %swap3A_559 = vector.shape_cast %scan3A_468 : vector<16xf32> to vector<1x16xf32>
      tpu.vector_store %arg5[%swap3A_555, %swap3A_556], %swap3A_559 {strides = array<i32>} : memref<32x384xf32, #tpu.memory_space<vmem>>, vector<1x16xf32>,
      %swap3A_560 = arith.index_cast %scan3A_451 : i32 to index
      %swap3A_561 = arith.constant 272 : index
      %swap3A_562 = tpu.vector_load %arg5[%swap3A_560, %swap3A_561] {strides = array<i32>} : memref<32x384xf32, #tpu.memory_space<vmem>>, vector<1x16xf32>,
      %swap3A_563 = vector.shape_cast %swap3A_562 : vector<1x16xf32> to vector<16xf32>
      %swap3A_564 = vector.shape_cast %scan3A_469 : vector<16xf32> to vector<1x16xf32>
      tpu.vector_store %arg5[%swap3A_560, %swap3A_561], %swap3A_564 {strides = array<i32>} : memref<32x384xf32, #tpu.memory_space<vmem>>, vector<1x16xf32>,
      %swap3A_565 = arith.index_cast %scan3A_451 : i32 to index
      %swap3A_566 = arith.constant 288 : index
      %swap3A_567 = tpu.vector_load %arg5[%swap3A_565, %swap3A_566] {strides = array<i32>} : memref<32x384xf32, #tpu.memory_space<vmem>>, vector<1x16xf32>,
      %swap3A_568 = vector.shape_cast %swap3A_567 : vector<1x16xf32> to vector<16xf32>
      %swap3A_569 = vector.shape_cast %scan3A_470 : vector<16xf32> to vector<1x16xf32>
      tpu.vector_store %arg5[%swap3A_565, %swap3A_566], %swap3A_569 {strides = array<i32>} : memref<32x384xf32, #tpu.memory_space<vmem>>, vector<1x16xf32>,
      %swap3A_570 = arith.index_cast %scan3A_451 : i32 to index
      %swap3A_571 = arith.constant 304 : index
      %swap3A_572 = tpu.vector_load %arg5[%swap3A_570, %swap3A_571] {strides = array<i32>} : memref<32x384xf32, #tpu.memory_space<vmem>>, vector<1x16xf32>,
      %swap3A_573 = vector.shape_cast %swap3A_572 : vector<1x16xf32> to vector<16xf32>
      %swap3A_574 = vector.shape_cast %scan3A_471 : vector<16xf32> to vector<1x16xf32>
      tpu.vector_store %arg5[%swap3A_570, %swap3A_571], %swap3A_574 {strides = array<i32>} : memref<32x384xf32, #tpu.memory_space<vmem>>, vector<1x16xf32>,
      %swap3A_575 = arith.index_cast %scan3A_451 : i32 to index
      %swap3A_576 = arith.constant 320 : index
      %swap3A_577 = tpu.vector_load %arg5[%swap3A_575, %swap3A_576] {strides = array<i32>} : memref<32x384xf32, #tpu.memory_space<vmem>>, vector<1x16xf32>,
      %swap3A_578 = vector.shape_cast %swap3A_577 : vector<1x16xf32> to vector<16xf32>
      %swap3A_579 = vector.shape_cast %scan3A_472 : vector<16xf32> to vector<1x16xf32>
      tpu.vector_store %arg5[%swap3A_575, %swap3A_576], %swap3A_579 {strides = array<i32>} : memref<32x384xf32, #tpu.memory_space<vmem>>, vector<1x16xf32>,
      %swap3A_580 = arith.index_cast %scan3A_451 : i32 to index
      %swap3A_581 = arith.constant 336 : index
      %swap3A_582 = tpu.vector_load %arg5[%swap3A_580, %swap3A_581] {strides = array<i32>} : memref<32x384xf32, #tpu.memory_space<vmem>>, vector<1x16xf32>,
      %swap3A_583 = vector.shape_cast %swap3A_582 : vector<1x16xf32> to vector<16xf32>
      %swap3A_584 = vector.shape_cast %scan3A_473 : vector<16xf32> to vector<1x16xf32>
      tpu.vector_store %arg5[%swap3A_580, %swap3A_581], %swap3A_584 {strides = array<i32>} : memref<32x384xf32, #tpu.memory_space<vmem>>, vector<1x16xf32>,
      %swap3A_585 = arith.index_cast %scan3A_451 : i32 to index
      %swap3A_586 = arith.constant 352 : index
      %swap3A_587 = tpu.vector_load %arg5[%swap3A_585, %swap3A_586] {strides = array<i32>} : memref<32x384xf32, #tpu.memory_space<vmem>>, vector<1x16xf32>,
      %swap3A_588 = vector.shape_cast %swap3A_587 : vector<1x16xf32> to vector<16xf32>
      %swap3A_589 = vector.shape_cast %scan3A_474 : vector<16xf32> to vector<1x16xf32>
      tpu.vector_store %arg5[%swap3A_585, %swap3A_586], %swap3A_589 {strides = array<i32>} : memref<32x384xf32, #tpu.memory_space<vmem>>, vector<1x16xf32>,
      %swap3A_590 = arith.index_cast %scan3A_451 : i32 to index
      %swap3A_591 = arith.constant 368 : index
      %swap3A_592 = tpu.vector_load %arg5[%swap3A_590, %swap3A_591] {strides = array<i32>} : memref<32x384xf32, #tpu.memory_space<vmem>>, vector<1x16xf32>,
      %swap3A_593 = vector.shape_cast %swap3A_592 : vector<1x16xf32> to vector<16xf32>
      %swap3A_594 = vector.shape_cast %scan3A_475 : vector<16xf32> to vector<1x16xf32>
      tpu.vector_store %arg5[%swap3A_590, %swap3A_591], %swap3A_594 {strides = array<i32>} : memref<32x384xf32, #tpu.memory_space<vmem>>, vector<1x16xf32>,
      %add3A_595 = arith.constant 0 : i32
      %add3A_596 = arith.addi %mul3A_32, %add3A_595 : i32
      %add3A_597 = arith.addi %add3A_596, %scan3A_451 : i32
      %add3A_598 = arith.constant 125 : i32
      %add3A_599 = arith.addi %add3A_597, %add3A_598 : i32
      %add3A_600 = arith.constant 1 : i32
      %add3A_601 = arith.addi %add3A_599, %add3A_600 : i32
      %min3A_602 = arith.constant 250 : i32
      %min3A_603 = arith.minsi %min3A_602, %add3A_601 : i32
      %sub3A_604 = arith.constant 1922 : i32
      %sub3A_605 = arith.subi %add3A_597, %sub3A_604 : i32
      %max3A_606 = arith.constant 0 : i32
      %max3A_607 = arith.maxsi %max3A_606, %sub3A_605 : i32
      %get3A_608 = arith.index_cast %min3A_603 : i32 to index
      %get3A_609 = arith.constant 0 : index
      %get3A_610 = tpu.vector_load %arg4[%get3A_608, %get3A_609] {strides = array<i32>} : memref<251x384xf32, #tpu.memory_space<vmem>>, vector<1x16xf32>,
      %get3A_611 = vector.shape_cast %get3A_610 : vector<1x16xf32> to vector<16xf32>
      %add3A_612 = arith.addf %scan3A_452, %get3A_611 : vector<16xf32>
      %get3A_613 = arith.index_cast %max3A_607 : i32 to index
      %get3A_614 = arith.constant 0 : index
      %get3A_615 = tpu.vector_load %arg4[%get3A_613, %get3A_614] {strides = array<i32>} : memref<251x384xf32, #tpu.memory_space<vmem>>, vector<1x16xf32>,
      %get3A_616 = vector.shape_cast %get3A_615 : vector<1x16xf32> to vector<16xf32>
      %sub3A_617 = arith.subf %add3A_612, %get3A_616 : vector<16xf32>
      %get3A_618 = arith.index_cast %min3A_603 : i32 to index
      %get3A_619 = arith.constant 16 : index
      %get3A_620 = tpu.vector_load %arg4[%get3A_618, %get3A_619] {strides = array<i32>} : memref<251x384xf32, #tpu.memory_space<vmem>>, vector<1x16xf32>,
      %get3A_621 = vector.shape_cast %get3A_620 : vector<1x16xf32> to vector<16xf32>
      %add3A_622 = arith.addf %scan3A_453, %get3A_621 : vector<16xf32>
      %get3A_623 = arith.index_cast %max3A_607 : i32 to index
      %get3A_624 = arith.constant 16 : index
      %get3A_625 = tpu.vector_load %arg4[%get3A_623, %get3A_624] {strides = array<i32>} : memref<251x384xf32, #tpu.memory_space<vmem>>, vector<1x16xf32>,
      %get3A_626 = vector.shape_cast %get3A_625 : vector<1x16xf32> to vector<16xf32>
      %sub3A_627 = arith.subf %add3A_622, %get3A_626 : vector<16xf32>
      %get3A_628 = arith.index_cast %min3A_603 : i32 to index
      %get3A_629 = arith.constant 32 : index
      %get3A_630 = tpu.vector_load %arg4[%get3A_628, %get3A_629] {strides = array<i32>} : memref<251x384xf32, #tpu.memory_space<vmem>>, vector<1x16xf32>,
      %get3A_631 = vector.shape_cast %get3A_630 : vector<1x16xf32> to vector<16xf32>
      %add3A_632 = arith.addf %scan3A_454, %get3A_631 : vector<16xf32>
      %get3A_633 = arith.index_cast %max3A_607 : i32 to index
      %get3A_634 = arith.constant 32 : index
      %get3A_635 = tpu.vector_load %arg4[%get3A_633, %get3A_634] {strides = array<i32>} : memref<251x384xf32, #tpu.memory_space<vmem>>, vector<1x16xf32>,
      %get3A_636 = vector.shape_cast %get3A_635 : vector<1x16xf32> to vector<16xf32>
      %sub3A_637 = arith.subf %add3A_632, %get3A_636 : vector<16xf32>
      %get3A_638 = arith.index_cast %min3A_603 : i32 to index
      %get3A_639 = arith.constant 48 : index
      %get3A_640 = tpu.vector_load %arg4[%get3A_638, %get3A_639] {strides = array<i32>} : memref<251x384xf32, #tpu.memory_space<vmem>>, vector<1x16xf32>,
      %get3A_641 = vector.shape_cast %get3A_640 : vector<1x16xf32> to vector<16xf32>
      %add3A_642 = arith.addf %scan3A_455, %get3A_641 : vector<16xf32>
      %get3A_643 = arith.index_cast %max3A_607 : i32 to index
      %get3A_644 = arith.constant 48 : index
      %get3A_645 = tpu.vector_load %arg4[%get3A_643, %get3A_644] {strides = array<i32>} : memref<251x384xf32, #tpu.memory_space<vmem>>, vector<1x16xf32>,
      %get3A_646 = vector.shape_cast %get3A_645 : vector<1x16xf32> to vector<16xf32>
      %sub3A_647 = arith.subf %add3A_642, %get3A_646 : vector<16xf32>
      %get3A_648 = arith.index_cast %min3A_603 : i32 to index
      %get3A_649 = arith.constant 64 : index
      %get3A_650 = tpu.vector_load %arg4[%get3A_648, %get3A_649] {strides = array<i32>} : memref<251x384xf32, #tpu.memory_space<vmem>>, vector<1x16xf32>,
      %get3A_651 = vector.shape_cast %get3A_650 : vector<1x16xf32> to vector<16xf32>
      %add3A_652 = arith.addf %scan3A_456, %get3A_651 : vector<16xf32>
      %get3A_653 = arith.index_cast %max3A_607 : i32 to index
      %get3A_654 = arith.constant 64 : index
      %get3A_655 = tpu.vector_load %arg4[%get3A_653, %get3A_654] {strides = array<i32>} : memref<251x384xf32, #tpu.memory_space<vmem>>, vector<1x16xf32>,
      %get3A_656 = vector.shape_cast %get3A_655 : vector<1x16xf32> to vector<16xf32>
      %sub3A_657 = arith.subf %add3A_652, %get3A_656 : vector<16xf32>
      %get3A_658 = arith.index_cast %min3A_603 : i32 to index
      %get3A_659 = arith.constant 80 : index
      %get3A_660 = tpu.vector_load %arg4[%get3A_658, %get3A_659] {strides = array<i32>} : memref<251x384xf32, #tpu.memory_space<vmem>>, vector<1x16xf32>,
      %get3A_661 = vector.shape_cast %get3A_660 : vector<1x16xf32> to vector<16xf32>
      %add3A_662 = arith.addf %scan3A_457, %get3A_661 : vector<16xf32>
      %get3A_663 = arith.index_cast %max3A_607 : i32 to index
      %get3A_664 = arith.constant 80 : index
      %get3A_665 = tpu.vector_load %arg4[%get3A_663, %get3A_664] {strides = array<i32>} : memref<251x384xf32, #tpu.memory_space<vmem>>, vector<1x16xf32>,
      %get3A_666 = vector.shape_cast %get3A_665 : vector<1x16xf32> to vector<16xf32>
      %sub3A_667 = arith.subf %add3A_662, %get3A_666 : vector<16xf32>
      %get3A_668 = arith.index_cast %min3A_603 : i32 to index
      %get3A_669 = arith.constant 96 : index
      %get3A_670 = tpu.vector_load %arg4[%get3A_668, %get3A_669] {strides = array<i32>} : memref<251x384xf32, #tpu.memory_space<vmem>>, vector<1x16xf32>,
      %get3A_671 = vector.shape_cast %get3A_670 : vector<1x16xf32> to vector<16xf32>
      %add3A_672 = arith.addf %scan3A_458, %get3A_671 : vector<16xf32>
      %get3A_673 = arith.index_cast %max3A_607 : i32 to index
      %get3A_674 = arith.constant 96 : index
      %get3A_675 = tpu.vector_load %arg4[%get3A_673, %get3A_674] {strides = array<i32>} : memref<251x384xf32, #tpu.memory_space<vmem>>, vector<1x16xf32>,
      %get3A_676 = vector.shape_cast %get3A_675 : vector<1x16xf32> to vector<16xf32>
      %sub3A_677 = arith.subf %add3A_672, %get3A_676 : vector<16xf32>
      %get3A_678 = arith.index_cast %min3A_603 : i32 to index
      %get3A_679 = arith.constant 112 : index
      %get3A_680 = tpu.vector_load %arg4[%get3A_678, %get3A_679] {strides = array<i32>} : memref<251x384xf32, #tpu.memory_space<vmem>>, vector<1x16xf32>,
      %get3A_681 = vector.shape_cast %get3A_680 : vector<1x16xf32> to vector<16xf32>
      %add3A_682 = arith.addf %scan3A_459, %get3A_681 : vector<16xf32>
      %get3A_683 = arith.index_cast %max3A_607 : i32 to index
      %get3A_684 = arith.constant 112 : index
      %get3A_685 = tpu.vector_load %arg4[%get3A_683, %get3A_684] {strides = array<i32>} : memref<251x384xf32, #tpu.memory_space<vmem>>, vector<1x16xf32>,
      %get3A_686 = vector.shape_cast %get3A_685 : vector<1x16xf32> to vector<16xf32>
      %sub3A_687 = arith.subf %add3A_682, %get3A_686 : vector<16xf32>
      %get3A_688 = arith.index_cast %min3A_603 : i32 to index
      %get3A_689 = arith.constant 128 : index
      %get3A_690 = tpu.vector_load %arg4[%get3A_688, %get3A_689] {strides = array<i32>} : memref<251x384xf32, #tpu.memory_space<vmem>>, vector<1x16xf32>,
      %get3A_691 = vector.shape_cast %get3A_690 : vector<1x16xf32> to vector<16xf32>
      %add3A_692 = arith.addf %scan3A_460, %get3A_691 : vector<16xf32>
      %get3A_693 = arith.index_cast %max3A_607 : i32 to index
      %get3A_694 = arith.constant 128 : index
      %get3A_695 = tpu.vector_load %arg4[%get3A_693, %get3A_694] {strides = array<i32>} : memref<251x384xf32, #tpu.memory_space<vmem>>, vector<1x16xf32>,
      %get3A_696 = vector.shape_cast %get3A_695 : vector<1x16xf32> to vector<16xf32>
      %sub3A_697 = arith.subf %add3A_692, %get3A_696 : vector<16xf32>
      %get3A_698 = arith.index_cast %min3A_603 : i32 to index
      %get3A_699 = arith.constant 144 : index
      %get3A_700 = tpu.vector_load %arg4[%get3A_698, %get3A_699] {strides = array<i32>} : memref<251x384xf32, #tpu.memory_space<vmem>>, vector<1x16xf32>,
      %get3A_701 = vector.shape_cast %get3A_700 : vector<1x16xf32> to vector<16xf32>
      %add3A_702 = arith.addf %scan3A_461, %get3A_701 : vector<16xf32>
      %get3A_703 = arith.index_cast %max3A_607 : i32 to index
      %get3A_704 = arith.constant 144 : index
      %get3A_705 = tpu.vector_load %arg4[%get3A_703, %get3A_704] {strides = array<i32>} : memref<251x384xf32, #tpu.memory_space<vmem>>, vector<1x16xf32>,
      %get3A_706 = vector.shape_cast %get3A_705 : vector<1x16xf32> to vector<16xf32>
      %sub3A_707 = arith.subf %add3A_702, %get3A_706 : vector<16xf32>
      %get3A_708 = arith.index_cast %min3A_603 : i32 to index
      %get3A_709 = arith.constant 160 : index
      %get3A_710 = tpu.vector_load %arg4[%get3A_708, %get3A_709] {strides = array<i32>} : memref<251x384xf32, #tpu.memory_space<vmem>>, vector<1x16xf32>,
      %get3A_711 = vector.shape_cast %get3A_710 : vector<1x16xf32> to vector<16xf32>
      %add3A_712 = arith.addf %scan3A_462, %get3A_711 : vector<16xf32>
      %get3A_713 = arith.index_cast %max3A_607 : i32 to index
      %get3A_714 = arith.constant 160 : index
      %get3A_715 = tpu.vector_load %arg4[%get3A_713, %get3A_714] {strides = array<i32>} : memref<251x384xf32, #tpu.memory_space<vmem>>, vector<1x16xf32>,
      %get3A_716 = vector.shape_cast %get3A_715 : vector<1x16xf32> to vector<16xf32>
      %sub3A_717 = arith.subf %add3A_712, %get3A_716 : vector<16xf32>
      %get3A_718 = arith.index_cast %min3A_603 : i32 to index
      %get3A_719 = arith.constant 176 : index
      %get3A_720 = tpu.vector_load %arg4[%get3A_718, %get3A_719] {strides = array<i32>} : memref<251x384xf32, #tpu.memory_space<vmem>>, vector<1x16xf32>,
      %get3A_721 = vector.shape_cast %get3A_720 : vector<1x16xf32> to vector<16xf32>
      %add3A_722 = arith.addf %scan3A_463, %get3A_721 : vector<16xf32>
      %get3A_723 = arith.index_cast %max3A_607 : i32 to index
      %get3A_724 = arith.constant 176 : index
      %get3A_725 = tpu.vector_load %arg4[%get3A_723, %get3A_724] {strides = array<i32>} : memref<251x384xf32, #tpu.memory_space<vmem>>, vector<1x16xf32>,
      %get3A_726 = vector.shape_cast %get3A_725 : vector<1x16xf32> to vector<16xf32>
      %sub3A_727 = arith.subf %add3A_722, %get3A_726 : vector<16xf32>
      %get3A_728 = arith.index_cast %min3A_603 : i32 to index
      %get3A_729 = arith.constant 192 : index
      %get3A_730 = tpu.vector_load %arg4[%get3A_728, %get3A_729] {strides = array<i32>} : memref<251x384xf32, #tpu.memory_space<vmem>>, vector<1x16xf32>,
      %get3A_731 = vector.shape_cast %get3A_730 : vector<1x16xf32> to vector<16xf32>
      %add3A_732 = arith.addf %scan3A_464, %get3A_731 : vector<16xf32>
      %get3A_733 = arith.index_cast %max3A_607 : i32 to index
      %get3A_734 = arith.constant 192 : index
      %get3A_735 = tpu.vector_load %arg4[%get3A_733, %get3A_734] {strides = array<i32>} : memref<251x384xf32, #tpu.memory_space<vmem>>, vector<1x16xf32>,
      %get3A_736 = vector.shape_cast %get3A_735 : vector<1x16xf32> to vector<16xf32>
      %sub3A_737 = arith.subf %add3A_732, %get3A_736 : vector<16xf32>
      %get3A_738 = arith.index_cast %min3A_603 : i32 to index
      %get3A_739 = arith.constant 208 : index
      %get3A_740 = tpu.vector_load %arg4[%get3A_738, %get3A_739] {strides = array<i32>} : memref<251x384xf32, #tpu.memory_space<vmem>>, vector<1x16xf32>,
      %get3A_741 = vector.shape_cast %get3A_740 : vector<1x16xf32> to vector<16xf32>
      %add3A_742 = arith.addf %scan3A_465, %get3A_741 : vector<16xf32>
      %get3A_743 = arith.index_cast %max3A_607 : i32 to index
      %get3A_744 = arith.constant 208 : index
      %get3A_745 = tpu.vector_load %arg4[%get3A_743, %get3A_744] {strides = array<i32>} : memref<251x384xf32, #tpu.memory_space<vmem>>, vector<1x16xf32>,
      %get3A_746 = vector.shape_cast %get3A_745 : vector<1x16xf32> to vector<16xf32>
      %sub3A_747 = arith.subf %add3A_742, %get3A_746 : vector<16xf32>
      %get3A_748 = arith.index_cast %min3A_603 : i32 to index
      %get3A_749 = arith.constant 224 : index
      %get3A_750 = tpu.vector_load %arg4[%get3A_748, %get3A_749] {strides = array<i32>} : memref<251x384xf32, #tpu.memory_space<vmem>>, vector<1x16xf32>,
      %get3A_751 = vector.shape_cast %get3A_750 : vector<1x16xf32> to vector<16xf32>
      %add3A_752 = arith.addf %scan3A_466, %get3A_751 : vector<16xf32>
      %get3A_753 = arith.index_cast %max3A_607 : i32 to index
      %get3A_754 = arith.constant 224 : index
      %get3A_755 = tpu.vector_load %arg4[%get3A_753, %get3A_754] {strides = array<i32>} : memref<251x384xf32, #tpu.memory_space<vmem>>, vector<1x16xf32>,
      %get3A_756 = vector.shape_cast %get3A_755 : vector<1x16xf32> to vector<16xf32>
      %sub3A_757 = arith.subf %add3A_752, %get3A_756 : vector<16xf32>
      %get3A_758 = arith.index_cast %min3A_603 : i32 to index
      %get3A_759 = arith.constant 240 : index
      %get3A_760 = tpu.vector_load %arg4[%get3A_758, %get3A_759] {strides = array<i32>} : memref<251x384xf32, #tpu.memory_space<vmem>>, vector<1x16xf32>,
      %get3A_761 = vector.shape_cast %get3A_760 : vector<1x16xf32> to vector<16xf32>
      %add3A_762 = arith.addf %scan3A_467, %get3A_761 : vector<16xf32>
      %get3A_763 = arith.index_cast %max3A_607 : i32 to index
      %get3A_764 = arith.constant 240 : index
      %get3A_765 = tpu.vector_load %arg4[%get3A_763, %get3A_764] {strides = array<i32>} : memref<251x384xf32, #tpu.memory_space<vmem>>, vector<1x16xf32>,
      %get3A_766 = vector.shape_cast %get3A_765 : vector<1x16xf32> to vector<16xf32>
      %sub3A_767 = arith.subf %add3A_762, %get3A_766 : vector<16xf32>
      %get3A_768 = arith.index_cast %min3A_603 : i32 to index
      %get3A_769 = arith.constant 256 : index
      %get3A_770 = tpu.vector_load %arg4[%get3A_768, %get3A_769] {strides = array<i32>} : memref<251x384xf32, #tpu.memory_space<vmem>>, vector<1x16xf32>,
      %get3A_771 = vector.shape_cast %get3A_770 : vector<1x16xf32> to vector<16xf32>
      %add3A_772 = arith.addf %scan3A_468, %get3A_771 : vector<16xf32>
      %get3A_773 = arith.index_cast %max3A_607 : i32 to index
      %get3A_774 = arith.constant 256 : index
      %get3A_775 = tpu.vector_load %arg4[%get3A_773, %get3A_774] {strides = array<i32>} : memref<251x384xf32, #tpu.memory_space<vmem>>, vector<1x16xf32>,
      %get3A_776 = vector.shape_cast %get3A_775 : vector<1x16xf32> to vector<16xf32>
      %sub3A_777 = arith.subf %add3A_772, %get3A_776 : vector<16xf32>
      %get3A_778 = arith.index_cast %min3A_603 : i32 to index
      %get3A_779 = arith.constant 272 : index
      %get3A_780 = tpu.vector_load %arg4[%get3A_778, %get3A_779] {strides = array<i32>} : memref<251x384xf32, #tpu.memory_space<vmem>>, vector<1x16xf32>,
      %get3A_781 = vector.shape_cast %get3A_780 : vector<1x16xf32> to vector<16xf32>
      %add3A_782 = arith.addf %scan3A_469, %get3A_781 : vector<16xf32>
      %get3A_783 = arith.index_cast %max3A_607 : i32 to index
      %get3A_784 = arith.constant 272 : index
      %get3A_785 = tpu.vector_load %arg4[%get3A_783, %get3A_784] {strides = array<i32>} : memref<251x384xf32, #tpu.memory_space<vmem>>, vector<1x16xf32>,
      %get3A_786 = vector.shape_cast %get3A_785 : vector<1x16xf32> to vector<16xf32>
      %sub3A_787 = arith.subf %add3A_782, %get3A_786 : vector<16xf32>
      %get3A_788 = arith.index_cast %min3A_603 : i32 to index
      %get3A_789 = arith.constant 288 : index
      %get3A_790 = tpu.vector_load %arg4[%get3A_788, %get3A_789] {strides = array<i32>} : memref<251x384xf32, #tpu.memory_space<vmem>>, vector<1x16xf32>,
      %get3A_791 = vector.shape_cast %get3A_790 : vector<1x16xf32> to vector<16xf32>
      %add3A_792 = arith.addf %scan3A_470, %get3A_791 : vector<16xf32>
      %get3A_793 = arith.index_cast %max3A_607 : i32 to index
      %get3A_794 = arith.constant 288 : index
      %get3A_795 = tpu.vector_load %arg4[%get3A_793, %get3A_794] {strides = array<i32>} : memref<251x384xf32, #tpu.memory_space<vmem>>, vector<1x16xf32>,
      %get3A_796 = vector.shape_cast %get3A_795 : vector<1x16xf32> to vector<16xf32>
      %sub3A_797 = arith.subf %add3A_792, %get3A_796 : vector<16xf32>
      %get3A_798 = arith.index_cast %min3A_603 : i32 to index
      %get3A_799 = arith.constant 304 : index
      %get3A_800 = tpu.vector_load %arg4[%get3A_798, %get3A_799] {strides = array<i32>} : memref<251x384xf32, #tpu.memory_space<vmem>>, vector<1x16xf32>,
      %get3A_801 = vector.shape_cast %get3A_800 : vector<1x16xf32> to vector<16xf32>
      %add3A_802 = arith.addf %scan3A_471, %get3A_801 : vector<16xf32>
      %get3A_803 = arith.index_cast %max3A_607 : i32 to index
      %get3A_804 = arith.constant 304 : index
      %get3A_805 = tpu.vector_load %arg4[%get3A_803, %get3A_804] {strides = array<i32>} : memref<251x384xf32, #tpu.memory_space<vmem>>, vector<1x16xf32>,
      %get3A_806 = vector.shape_cast %get3A_805 : vector<1x16xf32> to vector<16xf32>
      %sub3A_807 = arith.subf %add3A_802, %get3A_806 : vector<16xf32>
      %get3A_808 = arith.index_cast %min3A_603 : i32 to index
      %get3A_809 = arith.constant 320 : index
      %get3A_810 = tpu.vector_load %arg4[%get3A_808, %get3A_809] {strides = array<i32>} : memref<251x384xf32, #tpu.memory_space<vmem>>, vector<1x16xf32>,
      %get3A_811 = vector.shape_cast %get3A_810 : vector<1x16xf32> to vector<16xf32>
      %add3A_812 = arith.addf %scan3A_472, %get3A_811 : vector<16xf32>
      %get3A_813 = arith.index_cast %max3A_607 : i32 to index
      %get3A_814 = arith.constant 320 : index
      %get3A_815 = tpu.vector_load %arg4[%get3A_813, %get3A_814] {strides = array<i32>} : memref<251x384xf32, #tpu.memory_space<vmem>>, vector<1x16xf32>,
      %get3A_816 = vector.shape_cast %get3A_815 : vector<1x16xf32> to vector<16xf32>
      %sub3A_817 = arith.subf %add3A_812, %get3A_816 : vector<16xf32>
      %get3A_818 = arith.index_cast %min3A_603 : i32 to index
      %get3A_819 = arith.constant 336 : index
      %get3A_820 = tpu.vector_load %arg4[%get3A_818, %get3A_819] {strides = array<i32>} : memref<251x384xf32, #tpu.memory_space<vmem>>, vector<1x16xf32>,
      %get3A_821 = vector.shape_cast %get3A_820 : vector<1x16xf32> to vector<16xf32>
      %add3A_822 = arith.addf %scan3A_473, %get3A_821 : vector<16xf32>
      %get3A_823 = arith.index_cast %max3A_607 : i32 to index
      %get3A_824 = arith.constant 336 : index
      %get3A_825 = tpu.vector_load %arg4[%get3A_823, %get3A_824] {strides = array<i32>} : memref<251x384xf32, #tpu.memory_space<vmem>>, vector<1x16xf32>,
      %get3A_826 = vector.shape_cast %get3A_825 : vector<1x16xf32> to vector<16xf32>
      %sub3A_827 = arith.subf %add3A_822, %get3A_826 : vector<16xf32>
      %get3A_828 = arith.index_cast %min3A_603 : i32 to index
      %get3A_829 = arith.constant 352 : index
      %get3A_830 = tpu.vector_load %arg4[%get3A_828, %get3A_829] {strides = array<i32>} : memref<251x384xf32, #tpu.memory_space<vmem>>, vector<1x16xf32>,
      %get3A_831 = vector.shape_cast %get3A_830 : vector<1x16xf32> to vector<16xf32>
      %add3A_832 = arith.addf %scan3A_474, %get3A_831 : vector<16xf32>
      %get3A_833 = arith.index_cast %max3A_607 : i32 to index
      %get3A_834 = arith.constant 352 : index
      %get3A_835 = tpu.vector_load %arg4[%get3A_833, %get3A_834] {strides = array<i32>} : memref<251x384xf32, #tpu.memory_space<vmem>>, vector<1x16xf32>,
      %get3A_836 = vector.shape_cast %get3A_835 : vector<1x16xf32> to vector<16xf32>
      %sub3A_837 = arith.subf %add3A_832, %get3A_836 : vector<16xf32>
      %get3A_838 = arith.index_cast %min3A_603 : i32 to index
      %get3A_839 = arith.constant 368 : index
      %get3A_840 = tpu.vector_load %arg4[%get3A_838, %get3A_839] {strides = array<i32>} : memref<251x384xf32, #tpu.memory_space<vmem>>, vector<1x16xf32>,
      %get3A_841 = vector.shape_cast %get3A_840 : vector<1x16xf32> to vector<16xf32>
      %add3A_842 = arith.addf %scan3A_475, %get3A_841 : vector<16xf32>
      %get3A_843 = arith.index_cast %max3A_607 : i32 to index
      %get3A_844 = arith.constant 368 : index
      %get3A_845 = tpu.vector_load %arg4[%get3A_843, %get3A_844] {strides = array<i32>} : memref<251x384xf32, #tpu.memory_space<vmem>>, vector<1x16xf32>,
      %get3A_846 = vector.shape_cast %get3A_845 : vector<1x16xf32> to vector<16xf32>
      %sub3A_847 = arith.subf %add3A_842, %get3A_846 : vector<16xf32>
      scf.yield %sub3A_617, %sub3A_627, %sub3A_637, %sub3A_647, %sub3A_657, %sub3A_667, %sub3A_677, %sub3A_687, %sub3A_697, %sub3A_707, %sub3A_717, %sub3A_727, %sub3A_737, %sub3A_747, %sub3A_757, %sub3A_767, %sub3A_777, %sub3A_787, %sub3A_797, %sub3A_807, %sub3A_817, %sub3A_827, %sub3A_837, %sub3A_847 : vector<16xf32>, vector<16xf32>, vector<16xf32>, vector<16xf32>, vector<16xf32>, vector<16xf32>, vector<16xf32>, vector<16xf32>, vector<16xf32>, vector<16xf32>, vector<16xf32>, vector<16xf32>, vector<16xf32>, vector<16xf32>, vector<16xf32>, vector<16xf32>, vector<16xf32>, vector<16xf32>, vector<16xf32>, vector<16xf32>, vector<16xf32>, vector<16xf32>, vector<16xf32>, vector<16xf32>
    }
    %scan3A_424 = arith.constant 32 : i32
    %add3A_425 = arith.constant 0 : i32
    %add3A_426 = arith.addi %mul3A_32, %add3A_425 : i32
    "tpu.region"() ({
      %run_scoped3A = tpu.sem_alloc : memref<!tpu.dma_semaphore, #tpu.memory_space<semaphore_mem>>
      %dma_start3A = tpu.memref_slice %arg3[%add3A_426, %mul3A_34] : memref<2048x768xf32, #tpu.memory_space<hbm>> -> memref<32x384xf32, #tpu.memory_space<hbm>>
      %dma_start3A_451 = tpu.memref_slice %arg3[%add3A_426, %mul3A_34] : memref<2048x768xf32, #tpu.memory_space<hbm>> -> memref<32x384xf32, #tpu.memory_space<hbm>>
      tpu.enqueue_dma source(%arg5 : memref<32x384xf32, #tpu.memory_space<vmem>>) target(%dma_start3A_451 : memref<32x384xf32, #tpu.memory_space<hbm>>) target_semaphore(%run_scoped3A : memref<!tpu.dma_semaphore, #tpu.memory_space<semaphore_mem>>)
      %dma_wait3A = tpu.memref_slice %arg3[%add3A_426, %mul3A_34] : memref<2048x768xf32, #tpu.memory_space<hbm>> -> memref<32x384xf32, #tpu.memory_space<hbm>>
      %dma_wait3A_452 = tpu.memref_slice %arg3[%add3A_426, %mul3A_34] : memref<2048x768xf32, #tpu.memory_space<hbm>> -> memref<32x384xf32, #tpu.memory_space<hbm>>
      tpu.wait_dma2 semaphore(%run_scoped3A : memref<!tpu.dma_semaphore, #tpu.memory_space<semaphore_mem>>) src(%arg5 : memref<32x384xf32, #tpu.memory_space<vmem>>) dst(%dma_wait3A_452 : memref<32x384xf32, #tpu.memory_space<hbm>>)
      tpu.yield
    }) : () -> ()
    %scan3A_427 = arith.constant 0 : i32
    %scan3A_428 = arith.constant 32 : i32
    %scan3A_429 = arith.addi %scan3A_427, %scan3A_428 : i32
    %scan3A_430 = arith.constant 1 : i32
    %scan3A_431:24 = scf.for %scan3A_451 = %scan3A_427 to %scan3A_429 step %scan3A_430 iter_args(%scan3A_452 = %scan3A_423#0, %scan3A_453 = %scan3A_423#1, %scan3A_454 = %scan3A_423#2, %scan3A_455 = %scan3A_423#3, %scan3A_456 = %scan3A_423#4, %scan3A_457 = %scan3A_423#5, %scan3A_458 = %scan3A_423#6, %scan3A_459 = %scan3A_423#7, %scan3A_460 = %scan3A_423#8, %scan3A_461 = %scan3A_423#9, %scan3A_462 = %scan3A_423#10, %scan3A_463 = %scan3A_423#11, %scan3A_464 = %scan3A_423#12, %scan3A_465 = %scan3A_423#13, %scan3A_466 = %scan3A_423#14, %scan3A_467 = %scan3A_423#15, %scan3A_468 = %scan3A_423#16, %scan3A_469 = %scan3A_423#17, %scan3A_470 = %scan3A_423#18, %scan3A_471 = %scan3A_423#19, %scan3A_472 = %scan3A_423#20, %scan3A_473 = %scan3A_423#21, %scan3A_474 = %scan3A_423#22, %scan3A_475 = %scan3A_423#23) -> (vector<16xf32>, vector<16xf32>, vector<16xf32>, vector<16xf32>, vector<16xf32>, vector<16xf32>, vector<16xf32>, vector<16xf32>, vector<16xf32>, vector<16xf32>, vector<16xf32>, vector<16xf32>, vector<16xf32>, vector<16xf32>, vector<16xf32>, vector<16xf32>, vector<16xf32>, vector<16xf32>, vector<16xf32>, vector<16xf32>, vector<16xf32>, vector<16xf32>, vector<16xf32>, vector<16xf32>)  : i32 {
      %swap3A = arith.index_cast %scan3A_451 : i32 to index
      %swap3A_476 = arith.constant 0 : index
      %swap3A_477 = tpu.vector_load %arg5[%swap3A, %swap3A_476] {strides = array<i32>} : memref<32x384xf32, #tpu.memory_space<vmem>>, vector<1x16xf32>,
      %swap3A_478 = vector.shape_cast %swap3A_477 : vector<1x16xf32> to vector<16xf32>
      %swap3A_479 = vector.shape_cast %scan3A_452 : vector<16xf32> to vector<1x16xf32>
      tpu.vector_store %arg5[%swap3A, %swap3A_476], %swap3A_479 {strides = array<i32>} : memref<32x384xf32, #tpu.memory_space<vmem>>, vector<1x16xf32>,
      %swap3A_480 = arith.index_cast %scan3A_451 : i32 to index
      %swap3A_481 = arith.constant 16 : index
      %swap3A_482 = tpu.vector_load %arg5[%swap3A_480, %swap3A_481] {strides = array<i32>} : memref<32x384xf32, #tpu.memory_space<vmem>>, vector<1x16xf32>,
      %swap3A_483 = vector.shape_cast %swap3A_482 : vector<1x16xf32> to vector<16xf32>
      %swap3A_484 = vector.shape_cast %scan3A_453 : vector<16xf32> to vector<1x16xf32>
      tpu.vector_store %arg5[%swap3A_480, %swap3A_481], %swap3A_484 {strides = array<i32>} : memref<32x384xf32, #tpu.memory_space<vmem>>, vector<1x16xf32>,
      %swap3A_485 = arith.index_cast %scan3A_451 : i32 to index
      %swap3A_486 = arith.constant 32 : index
      %swap3A_487 = tpu.vector_load %arg5[%swap3A_485, %swap3A_486] {strides = array<i32>} : memref<32x384xf32, #tpu.memory_space<vmem>>, vector<1x16xf32>,
      %swap3A_488 = vector.shape_cast %swap3A_487 : vector<1x16xf32> to vector<16xf32>
      %swap3A_489 = vector.shape_cast %scan3A_454 : vector<16xf32> to vector<1x16xf32>
      tpu.vector_store %arg5[%swap3A_485, %swap3A_486], %swap3A_489 {strides = array<i32>} : memref<32x384xf32, #tpu.memory_space<vmem>>, vector<1x16xf32>,
      %swap3A_490 = arith.index_cast %scan3A_451 : i32 to index
      %swap3A_491 = arith.constant 48 : index
      %swap3A_492 = tpu.vector_load %arg5[%swap3A_490, %swap3A_491] {strides = array<i32>} : memref<32x384xf32, #tpu.memory_space<vmem>>, vector<1x16xf32>,
      %swap3A_493 = vector.shape_cast %swap3A_492 : vector<1x16xf32> to vector<16xf32>
      %swap3A_494 = vector.shape_cast %scan3A_455 : vector<16xf32> to vector<1x16xf32>
      tpu.vector_store %arg5[%swap3A_490, %swap3A_491], %swap3A_494 {strides = array<i32>} : memref<32x384xf32, #tpu.memory_space<vmem>>, vector<1x16xf32>,
      %swap3A_495 = arith.index_cast %scan3A_451 : i32 to index
      %swap3A_496 = arith.constant 64 : index
      %swap3A_497 = tpu.vector_load %arg5[%swap3A_495, %swap3A_496] {strides = array<i32>} : memref<32x384xf32, #tpu.memory_space<vmem>>, vector<1x16xf32>,
      %swap3A_498 = vector.shape_cast %swap3A_497 : vector<1x16xf32> to vector<16xf32>
      %swap3A_499 = vector.shape_cast %scan3A_456 : vector<16xf32> to vector<1x16xf32>
      tpu.vector_store %arg5[%swap3A_495, %swap3A_496], %swap3A_499 {strides = array<i32>} : memref<32x384xf32, #tpu.memory_space<vmem>>, vector<1x16xf32>,
      %swap3A_500 = arith.index_cast %scan3A_451 : i32 to index
      %swap3A_501 = arith.constant 80 : index
      %swap3A_502 = tpu.vector_load %arg5[%swap3A_500, %swap3A_501] {strides = array<i32>} : memref<32x384xf32, #tpu.memory_space<vmem>>, vector<1x16xf32>,
      %swap3A_503 = vector.shape_cast %swap3A_502 : vector<1x16xf32> to vector<16xf32>
      %swap3A_504 = vector.shape_cast %scan3A_457 : vector<16xf32> to vector<1x16xf32>
      tpu.vector_store %arg5[%swap3A_500, %swap3A_501], %swap3A_504 {strides = array<i32>} : memref<32x384xf32, #tpu.memory_space<vmem>>, vector<1x16xf32>,
      %swap3A_505 = arith.index_cast %scan3A_451 : i32 to index
      %swap3A_506 = arith.constant 96 : index
      %swap3A_507 = tpu.vector_load %arg5[%swap3A_505, %swap3A_506] {strides = array<i32>} : memref<32x384xf32, #tpu.memory_space<vmem>>, vector<1x16xf32>,
      %swap3A_508 = vector.shape_cast %swap3A_507 : vector<1x16xf32> to vector<16xf32>
      %swap3A_509 = vector.shape_cast %scan3A_458 : vector<16xf32> to vector<1x16xf32>
      tpu.vector_store %arg5[%swap3A_505, %swap3A_506], %swap3A_509 {strides = array<i32>} : memref<32x384xf32, #tpu.memory_space<vmem>>, vector<1x16xf32>,
      %swap3A_510 = arith.index_cast %scan3A_451 : i32 to index
      %swap3A_511 = arith.constant 112 : index
      %swap3A_512 = tpu.vector_load %arg5[%swap3A_510, %swap3A_511] {strides = array<i32>} : memref<32x384xf32, #tpu.memory_space<vmem>>, vector<1x16xf32>,
      %swap3A_513 = vector.shape_cast %swap3A_512 : vector<1x16xf32> to vector<16xf32>
      %swap3A_514 = vector.shape_cast %scan3A_459 : vector<16xf32> to vector<1x16xf32>
      tpu.vector_store %arg5[%swap3A_510, %swap3A_511], %swap3A_514 {strides = array<i32>} : memref<32x384xf32, #tpu.memory_space<vmem>>, vector<1x16xf32>,
      %swap3A_515 = arith.index_cast %scan3A_451 : i32 to index
      %swap3A_516 = arith.constant 128 : index
      %swap3A_517 = tpu.vector_load %arg5[%swap3A_515, %swap3A_516] {strides = array<i32>} : memref<32x384xf32, #tpu.memory_space<vmem>>, vector<1x16xf32>,
      %swap3A_518 = vector.shape_cast %swap3A_517 : vector<1x16xf32> to vector<16xf32>
      %swap3A_519 = vector.shape_cast %scan3A_460 : vector<16xf32> to vector<1x16xf32>
      tpu.vector_store %arg5[%swap3A_515, %swap3A_516], %swap3A_519 {strides = array<i32>} : memref<32x384xf32, #tpu.memory_space<vmem>>, vector<1x16xf32>,
      %swap3A_520 = arith.index_cast %scan3A_451 : i32 to index
      %swap3A_521 = arith.constant 144 : index
      %swap3A_522 = tpu.vector_load %arg5[%swap3A_520, %swap3A_521] {strides = array<i32>} : memref<32x384xf32, #tpu.memory_space<vmem>>, vector<1x16xf32>,
      %swap3A_523 = vector.shape_cast %swap3A_522 : vector<1x16xf32> to vector<16xf32>
      %swap3A_524 = vector.shape_cast %scan3A_461 : vector<16xf32> to vector<1x16xf32>
      tpu.vector_store %arg5[%swap3A_520, %swap3A_521], %swap3A_524 {strides = array<i32>} : memref<32x384xf32, #tpu.memory_space<vmem>>, vector<1x16xf32>,
      %swap3A_525 = arith.index_cast %scan3A_451 : i32 to index
      %swap3A_526 = arith.constant 160 : index
      %swap3A_527 = tpu.vector_load %arg5[%swap3A_525, %swap3A_526] {strides = array<i32>} : memref<32x384xf32, #tpu.memory_space<vmem>>, vector<1x16xf32>,
      %swap3A_528 = vector.shape_cast %swap3A_527 : vector<1x16xf32> to vector<16xf32>
      %swap3A_529 = vector.shape_cast %scan3A_462 : vector<16xf32> to vector<1x16xf32>
      tpu.vector_store %arg5[%swap3A_525, %swap3A_526], %swap3A_529 {strides = array<i32>} : memref<32x384xf32, #tpu.memory_space<vmem>>, vector<1x16xf32>,
      %swap3A_530 = arith.index_cast %scan3A_451 : i32 to index
      %swap3A_531 = arith.constant 176 : index
      %swap3A_532 = tpu.vector_load %arg5[%swap3A_530, %swap3A_531] {strides = array<i32>} : memref<32x384xf32, #tpu.memory_space<vmem>>, vector<1x16xf32>,
      %swap3A_533 = vector.shape_cast %swap3A_532 : vector<1x16xf32> to vector<16xf32>
      %swap3A_534 = vector.shape_cast %scan3A_463 : vector<16xf32> to vector<1x16xf32>
      tpu.vector_store %arg5[%swap3A_530, %swap3A_531], %swap3A_534 {strides = array<i32>} : memref<32x384xf32, #tpu.memory_space<vmem>>, vector<1x16xf32>,
      %swap3A_535 = arith.index_cast %scan3A_451 : i32 to index
      %swap3A_536 = arith.constant 192 : index
      %swap3A_537 = tpu.vector_load %arg5[%swap3A_535, %swap3A_536] {strides = array<i32>} : memref<32x384xf32, #tpu.memory_space<vmem>>, vector<1x16xf32>,
      %swap3A_538 = vector.shape_cast %swap3A_537 : vector<1x16xf32> to vector<16xf32>
      %swap3A_539 = vector.shape_cast %scan3A_464 : vector<16xf32> to vector<1x16xf32>
      tpu.vector_store %arg5[%swap3A_535, %swap3A_536], %swap3A_539 {strides = array<i32>} : memref<32x384xf32, #tpu.memory_space<vmem>>, vector<1x16xf32>,
      %swap3A_540 = arith.index_cast %scan3A_451 : i32 to index
      %swap3A_541 = arith.constant 208 : index
      %swap3A_542 = tpu.vector_load %arg5[%swap3A_540, %swap3A_541] {strides = array<i32>} : memref<32x384xf32, #tpu.memory_space<vmem>>, vector<1x16xf32>,
      %swap3A_543 = vector.shape_cast %swap3A_542 : vector<1x16xf32> to vector<16xf32>
      %swap3A_544 = vector.shape_cast %scan3A_465 : vector<16xf32> to vector<1x16xf32>
      tpu.vector_store %arg5[%swap3A_540, %swap3A_541], %swap3A_544 {strides = array<i32>} : memref<32x384xf32, #tpu.memory_space<vmem>>, vector<1x16xf32>,
      %swap3A_545 = arith.index_cast %scan3A_451 : i32 to index
      %swap3A_546 = arith.constant 224 : index
      %swap3A_547 = tpu.vector_load %arg5[%swap3A_545, %swap3A_546] {strides = array<i32>} : memref<32x384xf32, #tpu.memory_space<vmem>>, vector<1x16xf32>,
      %swap3A_548 = vector.shape_cast %swap3A_547 : vector<1x16xf32> to vector<16xf32>
      %swap3A_549 = vector.shape_cast %scan3A_466 : vector<16xf32> to vector<1x16xf32>
      tpu.vector_store %arg5[%swap3A_545, %swap3A_546], %swap3A_549 {strides = array<i32>} : memref<32x384xf32, #tpu.memory_space<vmem>>, vector<1x16xf32>,
      %swap3A_550 = arith.index_cast %scan3A_451 : i32 to index
      %swap3A_551 = arith.constant 240 : index
      %swap3A_552 = tpu.vector_load %arg5[%swap3A_550, %swap3A_551] {strides = array<i32>} : memref<32x384xf32, #tpu.memory_space<vmem>>, vector<1x16xf32>,
      %swap3A_553 = vector.shape_cast %swap3A_552 : vector<1x16xf32> to vector<16xf32>
      %swap3A_554 = vector.shape_cast %scan3A_467 : vector<16xf32> to vector<1x16xf32>
      tpu.vector_store %arg5[%swap3A_550, %swap3A_551], %swap3A_554 {strides = array<i32>} : memref<32x384xf32, #tpu.memory_space<vmem>>, vector<1x16xf32>,
      %swap3A_555 = arith.index_cast %scan3A_451 : i32 to index
      %swap3A_556 = arith.constant 256 : index
      %swap3A_557 = tpu.vector_load %arg5[%swap3A_555, %swap3A_556] {strides = array<i32>} : memref<32x384xf32, #tpu.memory_space<vmem>>, vector<1x16xf32>,
      %swap3A_558 = vector.shape_cast %swap3A_557 : vector<1x16xf32> to vector<16xf32>
      %swap3A_559 = vector.shape_cast %scan3A_468 : vector<16xf32> to vector<1x16xf32>
      tpu.vector_store %arg5[%swap3A_555, %swap3A_556], %swap3A_559 {strides = array<i32>} : memref<32x384xf32, #tpu.memory_space<vmem>>, vector<1x16xf32>,
      %swap3A_560 = arith.index_cast %scan3A_451 : i32 to index
      %swap3A_561 = arith.constant 272 : index
      %swap3A_562 = tpu.vector_load %arg5[%swap3A_560, %swap3A_561] {strides = array<i32>} : memref<32x384xf32, #tpu.memory_space<vmem>>, vector<1x16xf32>,
      %swap3A_563 = vector.shape_cast %swap3A_562 : vector<1x16xf32> to vector<16xf32>
      %swap3A_564 = vector.shape_cast %scan3A_469 : vector<16xf32> to vector<1x16xf32>
      tpu.vector_store %arg5[%swap3A_560, %swap3A_561], %swap3A_564 {strides = array<i32>} : memref<32x384xf32, #tpu.memory_space<vmem>>, vector<1x16xf32>,
      %swap3A_565 = arith.index_cast %scan3A_451 : i32 to index
      %swap3A_566 = arith.constant 288 : index
      %swap3A_567 = tpu.vector_load %arg5[%swap3A_565, %swap3A_566] {strides = array<i32>} : memref<32x384xf32, #tpu.memory_space<vmem>>, vector<1x16xf32>,
      %swap3A_568 = vector.shape_cast %swap3A_567 : vector<1x16xf32> to vector<16xf32>
      %swap3A_569 = vector.shape_cast %scan3A_470 : vector<16xf32> to vector<1x16xf32>
      tpu.vector_store %arg5[%swap3A_565, %swap3A_566], %swap3A_569 {strides = array<i32>} : memref<32x384xf32, #tpu.memory_space<vmem>>, vector<1x16xf32>,
      %swap3A_570 = arith.index_cast %scan3A_451 : i32 to index
      %swap3A_571 = arith.constant 304 : index
      %swap3A_572 = tpu.vector_load %arg5[%swap3A_570, %swap3A_571] {strides = array<i32>} : memref<32x384xf32, #tpu.memory_space<vmem>>, vector<1x16xf32>,
      %swap3A_573 = vector.shape_cast %swap3A_572 : vector<1x16xf32> to vector<16xf32>
      %swap3A_574 = vector.shape_cast %scan3A_471 : vector<16xf32> to vector<1x16xf32>
      tpu.vector_store %arg5[%swap3A_570, %swap3A_571], %swap3A_574 {strides = array<i32>} : memref<32x384xf32, #tpu.memory_space<vmem>>, vector<1x16xf32>,
      %swap3A_575 = arith.index_cast %scan3A_451 : i32 to index
      %swap3A_576 = arith.constant 320 : index
      %swap3A_577 = tpu.vector_load %arg5[%swap3A_575, %swap3A_576] {strides = array<i32>} : memref<32x384xf32, #tpu.memory_space<vmem>>, vector<1x16xf32>,
      %swap3A_578 = vector.shape_cast %swap3A_577 : vector<1x16xf32> to vector<16xf32>
      %swap3A_579 = vector.shape_cast %scan3A_472 : vector<16xf32> to vector<1x16xf32>
      tpu.vector_store %arg5[%swap3A_575, %swap3A_576], %swap3A_579 {strides = array<i32>} : memref<32x384xf32, #tpu.memory_space<vmem>>, vector<1x16xf32>,
      %swap3A_580 = arith.index_cast %scan3A_451 : i32 to index
      %swap3A_581 = arith.constant 336 : index
      %swap3A_582 = tpu.vector_load %arg5[%swap3A_580, %swap3A_581] {strides = array<i32>} : memref<32x384xf32, #tpu.memory_space<vmem>>, vector<1x16xf32>,
      %swap3A_583 = vector.shape_cast %swap3A_582 : vector<1x16xf32> to vector<16xf32>
      %swap3A_584 = vector.shape_cast %scan3A_473 : vector<16xf32> to vector<1x16xf32>
      tpu.vector_store %arg5[%swap3A_580, %swap3A_581], %swap3A_584 {strides = array<i32>} : memref<32x384xf32, #tpu.memory_space<vmem>>, vector<1x16xf32>,
      %swap3A_585 = arith.index_cast %scan3A_451 : i32 to index
      %swap3A_586 = arith.constant 352 : index
      %swap3A_587 = tpu.vector_load %arg5[%swap3A_585, %swap3A_586] {strides = array<i32>} : memref<32x384xf32, #tpu.memory_space<vmem>>, vector<1x16xf32>,
      %swap3A_588 = vector.shape_cast %swap3A_587 : vector<1x16xf32> to vector<16xf32>
      %swap3A_589 = vector.shape_cast %scan3A_474 : vector<16xf32> to vector<1x16xf32>
      tpu.vector_store %arg5[%swap3A_585, %swap3A_586], %swap3A_589 {strides = array<i32>} : memref<32x384xf32, #tpu.memory_space<vmem>>, vector<1x16xf32>,
      %swap3A_590 = arith.index_cast %scan3A_451 : i32 to index
      %swap3A_591 = arith.constant 368 : index
      %swap3A_592 = tpu.vector_load %arg5[%swap3A_590, %swap3A_591] {strides = array<i32>} : memref<32x384xf32, #tpu.memory_space<vmem>>, vector<1x16xf32>,
      %swap3A_593 = vector.shape_cast %swap3A_592 : vector<1x16xf32> to vector<16xf32>
      %swap3A_594 = vector.shape_cast %scan3A_475 : vector<16xf32> to vector<1x16xf32>
      tpu.vector_store %arg5[%swap3A_590, %swap3A_591], %swap3A_594 {strides = array<i32>} : memref<32x384xf32, #tpu.memory_space<vmem>>, vector<1x16xf32>,
      %add3A_595 = arith.constant 32 : i32
      %add3A_596 = arith.addi %mul3A_32, %add3A_595 : i32
      %add3A_597 = arith.addi %add3A_596, %scan3A_451 : i32
      %add3A_598 = arith.constant 125 : i32
      %add3A_599 = arith.addi %add3A_597, %add3A_598 : i32
      %add3A_600 = arith.constant 1 : i32
      %add3A_601 = arith.addi %add3A_599, %add3A_600 : i32
      %min3A_602 = arith.constant 250 : i32
      %min3A_603 = arith.minsi %min3A_602, %add3A_601 : i32
      %sub3A_604 = arith.constant 1922 : i32
      %sub3A_605 = arith.subi %add3A_597, %sub3A_604 : i32
      %max3A_606 = arith.constant 0 : i32
      %max3A_607 = arith.maxsi %max3A_606, %sub3A_605 : i32
      %get3A_608 = arith.index_cast %min3A_603 : i32 to index
      %get3A_609 = arith.constant 0 : index
      %get3A_610 = tpu.vector_load %arg4[%get3A_608, %get3A_609] {strides = array<i32>} : memref<251x384xf32, #tpu.memory_space<vmem>>, vector<1x16xf32>,
      %get3A_611 = vector.shape_cast %get3A_610 : vector<1x16xf32> to vector<16xf32>
      %add3A_612 = arith.addf %scan3A_452, %get3A_611 : vector<16xf32>
      %get3A_613 = arith.index_cast %max3A_607 : i32 to index
      %get3A_614 = arith.constant 0 : index
      %get3A_615 = tpu.vector_load %arg4[%get3A_613, %get3A_614] {strides = array<i32>} : memref<251x384xf32, #tpu.memory_space<vmem>>, vector<1x16xf32>,
      %get3A_616 = vector.shape_cast %get3A_615 : vector<1x16xf32> to vector<16xf32>
      %sub3A_617 = arith.subf %add3A_612, %get3A_616 : vector<16xf32>
      %get3A_618 = arith.index_cast %min3A_603 : i32 to index
      %get3A_619 = arith.constant 16 : index
      %get3A_620 = tpu.vector_load %arg4[%get3A_618, %get3A_619] {strides = array<i32>} : memref<251x384xf32, #tpu.memory_space<vmem>>, vector<1x16xf32>,
      %get3A_621 = vector.shape_cast %get3A_620 : vector<1x16xf32> to vector<16xf32>
      %add3A_622 = arith.addf %scan3A_453, %get3A_621 : vector<16xf32>
      %get3A_623 = arith.index_cast %max3A_607 : i32 to index
      %get3A_624 = arith.constant 16 : index
      %get3A_625 = tpu.vector_load %arg4[%get3A_623, %get3A_624] {strides = array<i32>} : memref<251x384xf32, #tpu.memory_space<vmem>>, vector<1x16xf32>,
      %get3A_626 = vector.shape_cast %get3A_625 : vector<1x16xf32> to vector<16xf32>
      %sub3A_627 = arith.subf %add3A_622, %get3A_626 : vector<16xf32>
      %get3A_628 = arith.index_cast %min3A_603 : i32 to index
      %get3A_629 = arith.constant 32 : index
      %get3A_630 = tpu.vector_load %arg4[%get3A_628, %get3A_629] {strides = array<i32>} : memref<251x384xf32, #tpu.memory_space<vmem>>, vector<1x16xf32>,
      %get3A_631 = vector.shape_cast %get3A_630 : vector<1x16xf32> to vector<16xf32>
      %add3A_632 = arith.addf %scan3A_454, %get3A_631 : vector<16xf32>
      %get3A_633 = arith.index_cast %max3A_607 : i32 to index
      %get3A_634 = arith.constant 32 : index
      %get3A_635 = tpu.vector_load %arg4[%get3A_633, %get3A_634] {strides = array<i32>} : memref<251x384xf32, #tpu.memory_space<vmem>>, vector<1x16xf32>,
      %get3A_636 = vector.shape_cast %get3A_635 : vector<1x16xf32> to vector<16xf32>
      %sub3A_637 = arith.subf %add3A_632, %get3A_636 : vector<16xf32>
      %get3A_638 = arith.index_cast %min3A_603 : i32 to index
      %get3A_639 = arith.constant 48 : index
      %get3A_640 = tpu.vector_load %arg4[%get3A_638, %get3A_639] {strides = array<i32>} : memref<251x384xf32, #tpu.memory_space<vmem>>, vector<1x16xf32>,
      %get3A_641 = vector.shape_cast %get3A_640 : vector<1x16xf32> to vector<16xf32>
      %add3A_642 = arith.addf %scan3A_455, %get3A_641 : vector<16xf32>
      %get3A_643 = arith.index_cast %max3A_607 : i32 to index
      %get3A_644 = arith.constant 48 : index
      %get3A_645 = tpu.vector_load %arg4[%get3A_643, %get3A_644] {strides = array<i32>} : memref<251x384xf32, #tpu.memory_space<vmem>>, vector<1x16xf32>,
      %get3A_646 = vector.shape_cast %get3A_645 : vector<1x16xf32> to vector<16xf32>
      %sub3A_647 = arith.subf %add3A_642, %get3A_646 : vector<16xf32>
      %get3A_648 = arith.index_cast %min3A_603 : i32 to index
      %get3A_649 = arith.constant 64 : index
      %get3A_650 = tpu.vector_load %arg4[%get3A_648, %get3A_649] {strides = array<i32>} : memref<251x384xf32, #tpu.memory_space<vmem>>, vector<1x16xf32>,
      %get3A_651 = vector.shape_cast %get3A_650 : vector<1x16xf32> to vector<16xf32>
      %add3A_652 = arith.addf %scan3A_456, %get3A_651 : vector<16xf32>
      %get3A_653 = arith.index_cast %max3A_607 : i32 to index
      %get3A_654 = arith.constant 64 : index
      %get3A_655 = tpu.vector_load %arg4[%get3A_653, %get3A_654] {strides = array<i32>} : memref<251x384xf32, #tpu.memory_space<vmem>>, vector<1x16xf32>,
      %get3A_656 = vector.shape_cast %get3A_655 : vector<1x16xf32> to vector<16xf32>
      %sub3A_657 = arith.subf %add3A_652, %get3A_656 : vector<16xf32>
      %get3A_658 = arith.index_cast %min3A_603 : i32 to index
      %get3A_659 = arith.constant 80 : index
      %get3A_660 = tpu.vector_load %arg4[%get3A_658, %get3A_659] {strides = array<i32>} : memref<251x384xf32, #tpu.memory_space<vmem>>, vector<1x16xf32>,
      %get3A_661 = vector.shape_cast %get3A_660 : vector<1x16xf32> to vector<16xf32>
      %add3A_662 = arith.addf %scan3A_457, %get3A_661 : vector<16xf32>
      %get3A_663 = arith.index_cast %max3A_607 : i32 to index
      %get3A_664 = arith.constant 80 : index
      %get3A_665 = tpu.vector_load %arg4[%get3A_663, %get3A_664] {strides = array<i32>} : memref<251x384xf32, #tpu.memory_space<vmem>>, vector<1x16xf32>,
      %get3A_666 = vector.shape_cast %get3A_665 : vector<1x16xf32> to vector<16xf32>
      %sub3A_667 = arith.subf %add3A_662, %get3A_666 : vector<16xf32>
      %get3A_668 = arith.index_cast %min3A_603 : i32 to index
      %get3A_669 = arith.constant 96 : index
      %get3A_670 = tpu.vector_load %arg4[%get3A_668, %get3A_669] {strides = array<i32>} : memref<251x384xf32, #tpu.memory_space<vmem>>, vector<1x16xf32>,
      %get3A_671 = vector.shape_cast %get3A_670 : vector<1x16xf32> to vector<16xf32>
      %add3A_672 = arith.addf %scan3A_458, %get3A_671 : vector<16xf32>
      %get3A_673 = arith.index_cast %max3A_607 : i32 to index
      %get3A_674 = arith.constant 96 : index
      %get3A_675 = tpu.vector_load %arg4[%get3A_673, %get3A_674] {strides = array<i32>} : memref<251x384xf32, #tpu.memory_space<vmem>>, vector<1x16xf32>,
      %get3A_676 = vector.shape_cast %get3A_675 : vector<1x16xf32> to vector<16xf32>
      %sub3A_677 = arith.subf %add3A_672, %get3A_676 : vector<16xf32>
      %get3A_678 = arith.index_cast %min3A_603 : i32 to index
      %get3A_679 = arith.constant 112 : index
      %get3A_680 = tpu.vector_load %arg4[%get3A_678, %get3A_679] {strides = array<i32>} : memref<251x384xf32, #tpu.memory_space<vmem>>, vector<1x16xf32>,
      %get3A_681 = vector.shape_cast %get3A_680 : vector<1x16xf32> to vector<16xf32>
      %add3A_682 = arith.addf %scan3A_459, %get3A_681 : vector<16xf32>
      %get3A_683 = arith.index_cast %max3A_607 : i32 to index
      %get3A_684 = arith.constant 112 : index
      %get3A_685 = tpu.vector_load %arg4[%get3A_683, %get3A_684] {strides = array<i32>} : memref<251x384xf32, #tpu.memory_space<vmem>>, vector<1x16xf32>,
      %get3A_686 = vector.shape_cast %get3A_685 : vector<1x16xf32> to vector<16xf32>
      %sub3A_687 = arith.subf %add3A_682, %get3A_686 : vector<16xf32>
      %get3A_688 = arith.index_cast %min3A_603 : i32 to index
      %get3A_689 = arith.constant 128 : index
      %get3A_690 = tpu.vector_load %arg4[%get3A_688, %get3A_689] {strides = array<i32>} : memref<251x384xf32, #tpu.memory_space<vmem>>, vector<1x16xf32>,
      %get3A_691 = vector.shape_cast %get3A_690 : vector<1x16xf32> to vector<16xf32>
      %add3A_692 = arith.addf %scan3A_460, %get3A_691 : vector<16xf32>
      %get3A_693 = arith.index_cast %max3A_607 : i32 to index
      %get3A_694 = arith.constant 128 : index
      %get3A_695 = tpu.vector_load %arg4[%get3A_693, %get3A_694] {strides = array<i32>} : memref<251x384xf32, #tpu.memory_space<vmem>>, vector<1x16xf32>,
      %get3A_696 = vector.shape_cast %get3A_695 : vector<1x16xf32> to vector<16xf32>
      %sub3A_697 = arith.subf %add3A_692, %get3A_696 : vector<16xf32>
      %get3A_698 = arith.index_cast %min3A_603 : i32 to index
      %get3A_699 = arith.constant 144 : index
      %get3A_700 = tpu.vector_load %arg4[%get3A_698, %get3A_699] {strides = array<i32>} : memref<251x384xf32, #tpu.memory_space<vmem>>, vector<1x16xf32>,
      %get3A_701 = vector.shape_cast %get3A_700 : vector<1x16xf32> to vector<16xf32>
      %add3A_702 = arith.addf %scan3A_461, %get3A_701 : vector<16xf32>
      %get3A_703 = arith.index_cast %max3A_607 : i32 to index
      %get3A_704 = arith.constant 144 : index
      %get3A_705 = tpu.vector_load %arg4[%get3A_703, %get3A_704] {strides = array<i32>} : memref<251x384xf32, #tpu.memory_space<vmem>>, vector<1x16xf32>,
      %get3A_706 = vector.shape_cast %get3A_705 : vector<1x16xf32> to vector<16xf32>
      %sub3A_707 = arith.subf %add3A_702, %get3A_706 : vector<16xf32>
      %get3A_708 = arith.index_cast %min3A_603 : i32 to index
      %get3A_709 = arith.constant 160 : index
      %get3A_710 = tpu.vector_load %arg4[%get3A_708, %get3A_709] {strides = array<i32>} : memref<251x384xf32, #tpu.memory_space<vmem>>, vector<1x16xf32>,
      %get3A_711 = vector.shape_cast %get3A_710 : vector<1x16xf32> to vector<16xf32>
      %add3A_712 = arith.addf %scan3A_462, %get3A_711 : vector<16xf32>
      %get3A_713 = arith.index_cast %max3A_607 : i32 to index
      %get3A_714 = arith.constant 160 : index
      %get3A_715 = tpu.vector_load %arg4[%get3A_713, %get3A_714] {strides = array<i32>} : memref<251x384xf32, #tpu.memory_space<vmem>>, vector<1x16xf32>,
      %get3A_716 = vector.shape_cast %get3A_715 : vector<1x16xf32> to vector<16xf32>
      %sub3A_717 = arith.subf %add3A_712, %get3A_716 : vector<16xf32>
      %get3A_718 = arith.index_cast %min3A_603 : i32 to index
      %get3A_719 = arith.constant 176 : index
      %get3A_720 = tpu.vector_load %arg4[%get3A_718, %get3A_719] {strides = array<i32>} : memref<251x384xf32, #tpu.memory_space<vmem>>, vector<1x16xf32>,
      %get3A_721 = vector.shape_cast %get3A_720 : vector<1x16xf32> to vector<16xf32>
      %add3A_722 = arith.addf %scan3A_463, %get3A_721 : vector<16xf32>
      %get3A_723 = arith.index_cast %max3A_607 : i32 to index
      %get3A_724 = arith.constant 176 : index
      %get3A_725 = tpu.vector_load %arg4[%get3A_723, %get3A_724] {strides = array<i32>} : memref<251x384xf32, #tpu.memory_space<vmem>>, vector<1x16xf32>,
      %get3A_726 = vector.shape_cast %get3A_725 : vector<1x16xf32> to vector<16xf32>
      %sub3A_727 = arith.subf %add3A_722, %get3A_726 : vector<16xf32>
      %get3A_728 = arith.index_cast %min3A_603 : i32 to index
      %get3A_729 = arith.constant 192 : index
      %get3A_730 = tpu.vector_load %arg4[%get3A_728, %get3A_729] {strides = array<i32>} : memref<251x384xf32, #tpu.memory_space<vmem>>, vector<1x16xf32>,
      %get3A_731 = vector.shape_cast %get3A_730 : vector<1x16xf32> to vector<16xf32>
      %add3A_732 = arith.addf %scan3A_464, %get3A_731 : vector<16xf32>
      %get3A_733 = arith.index_cast %max3A_607 : i32 to index
      %get3A_734 = arith.constant 192 : index
      %get3A_735 = tpu.vector_load %arg4[%get3A_733, %get3A_734] {strides = array<i32>} : memref<251x384xf32, #tpu.memory_space<vmem>>, vector<1x16xf32>,
      %get3A_736 = vector.shape_cast %get3A_735 : vector<1x16xf32> to vector<16xf32>
      %sub3A_737 = arith.subf %add3A_732, %get3A_736 : vector<16xf32>
      %get3A_738 = arith.index_cast %min3A_603 : i32 to index
      %get3A_739 = arith.constant 208 : index
      %get3A_740 = tpu.vector_load %arg4[%get3A_738, %get3A_739] {strides = array<i32>} : memref<251x384xf32, #tpu.memory_space<vmem>>, vector<1x16xf32>,
      %get3A_741 = vector.shape_cast %get3A_740 : vector<1x16xf32> to vector<16xf32>
      %add3A_742 = arith.addf %scan3A_465, %get3A_741 : vector<16xf32>
      %get3A_743 = arith.index_cast %max3A_607 : i32 to index
      %get3A_744 = arith.constant 208 : index
      %get3A_745 = tpu.vector_load %arg4[%get3A_743, %get3A_744] {strides = array<i32>} : memref<251x384xf32, #tpu.memory_space<vmem>>, vector<1x16xf32>,
      %get3A_746 = vector.shape_cast %get3A_745 : vector<1x16xf32> to vector<16xf32>
      %sub3A_747 = arith.subf %add3A_742, %get3A_746 : vector<16xf32>
      %get3A_748 = arith.index_cast %min3A_603 : i32 to index
      %get3A_749 = arith.constant 224 : index
      %get3A_750 = tpu.vector_load %arg4[%get3A_748, %get3A_749] {strides = array<i32>} : memref<251x384xf32, #tpu.memory_space<vmem>>, vector<1x16xf32>,
      %get3A_751 = vector.shape_cast %get3A_750 : vector<1x16xf32> to vector<16xf32>
      %add3A_752 = arith.addf %scan3A_466, %get3A_751 : vector<16xf32>
      %get3A_753 = arith.index_cast %max3A_607 : i32 to index
      %get3A_754 = arith.constant 224 : index
      %get3A_755 = tpu.vector_load %arg4[%get3A_753, %get3A_754] {strides = array<i32>} : memref<251x384xf32, #tpu.memory_space<vmem>>, vector<1x16xf32>,
      %get3A_756 = vector.shape_cast %get3A_755 : vector<1x16xf32> to vector<16xf32>
      %sub3A_757 = arith.subf %add3A_752, %get3A_756 : vector<16xf32>
      %get3A_758 = arith.index_cast %min3A_603 : i32 to index
      %get3A_759 = arith.constant 240 : index
      %get3A_760 = tpu.vector_load %arg4[%get3A_758, %get3A_759] {strides = array<i32>} : memref<251x384xf32, #tpu.memory_space<vmem>>, vector<1x16xf32>,
      %get3A_761 = vector.shape_cast %get3A_760 : vector<1x16xf32> to vector<16xf32>
      %add3A_762 = arith.addf %scan3A_467, %get3A_761 : vector<16xf32>
      %get3A_763 = arith.index_cast %max3A_607 : i32 to index
      %get3A_764 = arith.constant 240 : index
      %get3A_765 = tpu.vector_load %arg4[%get3A_763, %get3A_764] {strides = array<i32>} : memref<251x384xf32, #tpu.memory_space<vmem>>, vector<1x16xf32>,
      %get3A_766 = vector.shape_cast %get3A_765 : vector<1x16xf32> to vector<16xf32>
      %sub3A_767 = arith.subf %add3A_762, %get3A_766 : vector<16xf32>
      %get3A_768 = arith.index_cast %min3A_603 : i32 to index
      %get3A_769 = arith.constant 256 : index
      %get3A_770 = tpu.vector_load %arg4[%get3A_768, %get3A_769] {strides = array<i32>} : memref<251x384xf32, #tpu.memory_space<vmem>>, vector<1x16xf32>,
      %get3A_771 = vector.shape_cast %get3A_770 : vector<1x16xf32> to vector<16xf32>
      %add3A_772 = arith.addf %scan3A_468, %get3A_771 : vector<16xf32>
      %get3A_773 = arith.index_cast %max3A_607 : i32 to index
      %get3A_774 = arith.constant 256 : index
      %get3A_775 = tpu.vector_load %arg4[%get3A_773, %get3A_774] {strides = array<i32>} : memref<251x384xf32, #tpu.memory_space<vmem>>, vector<1x16xf32>,
      %get3A_776 = vector.shape_cast %get3A_775 : vector<1x16xf32> to vector<16xf32>
      %sub3A_777 = arith.subf %add3A_772, %get3A_776 : vector<16xf32>
      %get3A_778 = arith.index_cast %min3A_603 : i32 to index
      %get3A_779 = arith.constant 272 : index
      %get3A_780 = tpu.vector_load %arg4[%get3A_778, %get3A_779] {strides = array<i32>} : memref<251x384xf32, #tpu.memory_space<vmem>>, vector<1x16xf32>,
      %get3A_781 = vector.shape_cast %get3A_780 : vector<1x16xf32> to vector<16xf32>
      %add3A_782 = arith.addf %scan3A_469, %get3A_781 : vector<16xf32>
      %get3A_783 = arith.index_cast %max3A_607 : i32 to index
      %get3A_784 = arith.constant 272 : index
      %get3A_785 = tpu.vector_load %arg4[%get3A_783, %get3A_784] {strides = array<i32>} : memref<251x384xf32, #tpu.memory_space<vmem>>, vector<1x16xf32>,
      %get3A_786 = vector.shape_cast %get3A_785 : vector<1x16xf32> to vector<16xf32>
      %sub3A_787 = arith.subf %add3A_782, %get3A_786 : vector<16xf32>
      %get3A_788 = arith.index_cast %min3A_603 : i32 to index
      %get3A_789 = arith.constant 288 : index
      %get3A_790 = tpu.vector_load %arg4[%get3A_788, %get3A_789] {strides = array<i32>} : memref<251x384xf32, #tpu.memory_space<vmem>>, vector<1x16xf32>,
      %get3A_791 = vector.shape_cast %get3A_790 : vector<1x16xf32> to vector<16xf32>
      %add3A_792 = arith.addf %scan3A_470, %get3A_791 : vector<16xf32>
      %get3A_793 = arith.index_cast %max3A_607 : i32 to index
      %get3A_794 = arith.constant 288 : index
      %get3A_795 = tpu.vector_load %arg4[%get3A_793, %get3A_794] {strides = array<i32>} : memref<251x384xf32, #tpu.memory_space<vmem>>, vector<1x16xf32>,
      %get3A_796 = vector.shape_cast %get3A_795 : vector<1x16xf32> to vector<16xf32>
      %sub3A_797 = arith.subf %add3A_792, %get3A_796 : vector<16xf32>
      %get3A_798 = arith.index_cast %min3A_603 : i32 to index
      %get3A_799 = arith.constant 304 : index
      %get3A_800 = tpu.vector_load %arg4[%get3A_798, %get3A_799] {strides = array<i32>} : memref<251x384xf32, #tpu.memory_space<vmem>>, vector<1x16xf32>,
      %get3A_801 = vector.shape_cast %get3A_800 : vector<1x16xf32> to vector<16xf32>
      %add3A_802 = arith.addf %scan3A_471, %get3A_801 : vector<16xf32>
      %get3A_803 = arith.index_cast %max3A_607 : i32 to index
      %get3A_804 = arith.constant 304 : index
      %get3A_805 = tpu.vector_load %arg4[%get3A_803, %get3A_804] {strides = array<i32>} : memref<251x384xf32, #tpu.memory_space<vmem>>, vector<1x16xf32>,
      %get3A_806 = vector.shape_cast %get3A_805 : vector<1x16xf32> to vector<16xf32>
      %sub3A_807 = arith.subf %add3A_802, %get3A_806 : vector<16xf32>
      %get3A_808 = arith.index_cast %min3A_603 : i32 to index
      %get3A_809 = arith.constant 320 : index
      %get3A_810 = tpu.vector_load %arg4[%get3A_808, %get3A_809] {strides = array<i32>} : memref<251x384xf32, #tpu.memory_space<vmem>>, vector<1x16xf32>,
      %get3A_811 = vector.shape_cast %get3A_810 : vector<1x16xf32> to vector<16xf32>
      %add3A_812 = arith.addf %scan3A_472, %get3A_811 : vector<16xf32>
      %get3A_813 = arith.index_cast %max3A_607 : i32 to index
      %get3A_814 = arith.constant 320 : index
      %get3A_815 = tpu.vector_load %arg4[%get3A_813, %get3A_814] {strides = array<i32>} : memref<251x384xf32, #tpu.memory_space<vmem>>, vector<1x16xf32>,
      %get3A_816 = vector.shape_cast %get3A_815 : vector<1x16xf32> to vector<16xf32>
      %sub3A_817 = arith.subf %add3A_812, %get3A_816 : vector<16xf32>
      %get3A_818 = arith.index_cast %min3A_603 : i32 to index
      %get3A_819 = arith.constant 336 : index
      %get3A_820 = tpu.vector_load %arg4[%get3A_818, %get3A_819] {strides = array<i32>} : memref<251x384xf32, #tpu.memory_space<vmem>>, vector<1x16xf32>,
      %get3A_821 = vector.shape_cast %get3A_820 : vector<1x16xf32> to vector<16xf32>
      %add3A_822 = arith.addf %scan3A_473, %get3A_821 : vector<16xf32>
      %get3A_823 = arith.index_cast %max3A_607 : i32 to index
      %get3A_824 = arith.constant 336 : index
      %get3A_825 = tpu.vector_load %arg4[%get3A_823, %get3A_824] {strides = array<i32>} : memref<251x384xf32, #tpu.memory_space<vmem>>, vector<1x16xf32>,
      %get3A_826 = vector.shape_cast %get3A_825 : vector<1x16xf32> to vector<16xf32>
      %sub3A_827 = arith.subf %add3A_822, %get3A_826 : vector<16xf32>
      %get3A_828 = arith.index_cast %min3A_603 : i32 to index
      %get3A_829 = arith.constant 352 : index
      %get3A_830 = tpu.vector_load %arg4[%get3A_828, %get3A_829] {strides = array<i32>} : memref<251x384xf32, #tpu.memory_space<vmem>>, vector<1x16xf32>,
      %get3A_831 = vector.shape_cast %get3A_830 : vector<1x16xf32> to vector<16xf32>
      %add3A_832 = arith.addf %scan3A_474, %get3A_831 : vector<16xf32>
      %get3A_833 = arith.index_cast %max3A_607 : i32 to index
      %get3A_834 = arith.constant 352 : index
      %get3A_835 = tpu.vector_load %arg4[%get3A_833, %get3A_834] {strides = array<i32>} : memref<251x384xf32, #tpu.memory_space<vmem>>, vector<1x16xf32>,
      %get3A_836 = vector.shape_cast %get3A_835 : vector<1x16xf32> to vector<16xf32>
      %sub3A_837 = arith.subf %add3A_832, %get3A_836 : vector<16xf32>
      %get3A_838 = arith.index_cast %min3A_603 : i32 to index
      %get3A_839 = arith.constant 368 : index
      %get3A_840 = tpu.vector_load %arg4[%get3A_838, %get3A_839] {strides = array<i32>} : memref<251x384xf32, #tpu.memory_space<vmem>>, vector<1x16xf32>,
      %get3A_841 = vector.shape_cast %get3A_840 : vector<1x16xf32> to vector<16xf32>
      %add3A_842 = arith.addf %scan3A_475, %get3A_841 : vector<16xf32>
      %get3A_843 = arith.index_cast %max3A_607 : i32 to index
      %get3A_844 = arith.constant 368 : index
      %get3A_845 = tpu.vector_load %arg4[%get3A_843, %get3A_844] {strides = array<i32>} : memref<251x384xf32, #tpu.memory_space<vmem>>, vector<1x16xf32>,
      %get3A_846 = vector.shape_cast %get3A_845 : vector<1x16xf32> to vector<16xf32>
      %sub3A_847 = arith.subf %add3A_842, %get3A_846 : vector<16xf32>
      scf.yield %sub3A_617, %sub3A_627, %sub3A_637, %sub3A_647, %sub3A_657, %sub3A_667, %sub3A_677, %sub3A_687, %sub3A_697, %sub3A_707, %sub3A_717, %sub3A_727, %sub3A_737, %sub3A_747, %sub3A_757, %sub3A_767, %sub3A_777, %sub3A_787, %sub3A_797, %sub3A_807, %sub3A_817, %sub3A_827, %sub3A_837, %sub3A_847 : vector<16xf32>, vector<16xf32>, vector<16xf32>, vector<16xf32>, vector<16xf32>, vector<16xf32>, vector<16xf32>, vector<16xf32>, vector<16xf32>, vector<16xf32>, vector<16xf32>, vector<16xf32>, vector<16xf32>, vector<16xf32>, vector<16xf32>, vector<16xf32>, vector<16xf32>, vector<16xf32>, vector<16xf32>, vector<16xf32>, vector<16xf32>, vector<16xf32>, vector<16xf32>, vector<16xf32>
    }
    %scan3A_432 = arith.constant 32 : i32
    %add3A_433 = arith.constant 32 : i32
    %add3A_434 = arith.addi %mul3A_32, %add3A_433 : i32
    "tpu.region"() ({
      %run_scoped3A = tpu.sem_alloc : memref<!tpu.dma_semaphore, #tpu.memory_space<semaphore_mem>>
      %dma_start3A = tpu.memref_slice %arg3[%add3A_434, %mul3A_34] : memref<2048x768xf32, #tpu.memory_space<hbm>> -> memref<32x384xf32, #tpu.memory_space<hbm>>
      %dma_start3A_451 = tpu.memref_slice %arg3[%add3A_434, %mul3A_34] : memref<2048x768xf32, #tpu.memory_space<hbm>> -> memref<32x384xf32, #tpu.memory_space<hbm>>
      tpu.enqueue_dma source(%arg5 : memref<32x384xf32, #tpu.memory_space<vmem>>) target(%dma_start3A_451 : memref<32x384xf32, #tpu.memory_space<hbm>>) target_semaphore(%run_scoped3A : memref<!tpu.dma_semaphore, #tpu.memory_space<semaphore_mem>>)
      %dma_wait3A = tpu.memref_slice %arg3[%add3A_434, %mul3A_34] : memref<2048x768xf32, #tpu.memory_space<hbm>> -> memref<32x384xf32, #tpu.memory_space<hbm>>
      %dma_wait3A_452 = tpu.memref_slice %arg3[%add3A_434, %mul3A_34] : memref<2048x768xf32, #tpu.memory_space<hbm>> -> memref<32x384xf32, #tpu.memory_space<hbm>>
      tpu.wait_dma2 semaphore(%run_scoped3A : memref<!tpu.dma_semaphore, #tpu.memory_space<semaphore_mem>>) src(%arg5 : memref<32x384xf32, #tpu.memory_space<vmem>>) dst(%dma_wait3A_452 : memref<32x384xf32, #tpu.memory_space<hbm>>)
      tpu.yield
    }) : () -> ()
    %scan3A_435 = arith.constant 0 : i32
    %scan3A_436 = arith.constant 32 : i32
    %scan3A_437 = arith.addi %scan3A_435, %scan3A_436 : i32
    %scan3A_438 = arith.constant 1 : i32
    %scan3A_439:24 = scf.for %scan3A_451 = %scan3A_435 to %scan3A_437 step %scan3A_438 iter_args(%scan3A_452 = %scan3A_431#0, %scan3A_453 = %scan3A_431#1, %scan3A_454 = %scan3A_431#2, %scan3A_455 = %scan3A_431#3, %scan3A_456 = %scan3A_431#4, %scan3A_457 = %scan3A_431#5, %scan3A_458 = %scan3A_431#6, %scan3A_459 = %scan3A_431#7, %scan3A_460 = %scan3A_431#8, %scan3A_461 = %scan3A_431#9, %scan3A_462 = %scan3A_431#10, %scan3A_463 = %scan3A_431#11, %scan3A_464 = %scan3A_431#12, %scan3A_465 = %scan3A_431#13, %scan3A_466 = %scan3A_431#14, %scan3A_467 = %scan3A_431#15, %scan3A_468 = %scan3A_431#16, %scan3A_469 = %scan3A_431#17, %scan3A_470 = %scan3A_431#18, %scan3A_471 = %scan3A_431#19, %scan3A_472 = %scan3A_431#20, %scan3A_473 = %scan3A_431#21, %scan3A_474 = %scan3A_431#22, %scan3A_475 = %scan3A_431#23) -> (vector<16xf32>, vector<16xf32>, vector<16xf32>, vector<16xf32>, vector<16xf32>, vector<16xf32>, vector<16xf32>, vector<16xf32>, vector<16xf32>, vector<16xf32>, vector<16xf32>, vector<16xf32>, vector<16xf32>, vector<16xf32>, vector<16xf32>, vector<16xf32>, vector<16xf32>, vector<16xf32>, vector<16xf32>, vector<16xf32>, vector<16xf32>, vector<16xf32>, vector<16xf32>, vector<16xf32>)  : i32 {
      %swap3A = arith.index_cast %scan3A_451 : i32 to index
      %swap3A_476 = arith.constant 0 : index
      %swap3A_477 = tpu.vector_load %arg5[%swap3A, %swap3A_476] {strides = array<i32>} : memref<32x384xf32, #tpu.memory_space<vmem>>, vector<1x16xf32>,
      %swap3A_478 = vector.shape_cast %swap3A_477 : vector<1x16xf32> to vector<16xf32>
      %swap3A_479 = vector.shape_cast %scan3A_452 : vector<16xf32> to vector<1x16xf32>
      tpu.vector_store %arg5[%swap3A, %swap3A_476], %swap3A_479 {strides = array<i32>} : memref<32x384xf32, #tpu.memory_space<vmem>>, vector<1x16xf32>,
      %swap3A_480 = arith.index_cast %scan3A_451 : i32 to index
      %swap3A_481 = arith.constant 16 : index
      %swap3A_482 = tpu.vector_load %arg5[%swap3A_480, %swap3A_481] {strides = array<i32>} : memref<32x384xf32, #tpu.memory_space<vmem>>, vector<1x16xf32>,
      %swap3A_483 = vector.shape_cast %swap3A_482 : vector<1x16xf32> to vector<16xf32>
      %swap3A_484 = vector.shape_cast %scan3A_453 : vector<16xf32> to vector<1x16xf32>
      tpu.vector_store %arg5[%swap3A_480, %swap3A_481], %swap3A_484 {strides = array<i32>} : memref<32x384xf32, #tpu.memory_space<vmem>>, vector<1x16xf32>,
      %swap3A_485 = arith.index_cast %scan3A_451 : i32 to index
      %swap3A_486 = arith.constant 32 : index
      %swap3A_487 = tpu.vector_load %arg5[%swap3A_485, %swap3A_486] {strides = array<i32>} : memref<32x384xf32, #tpu.memory_space<vmem>>, vector<1x16xf32>,
      %swap3A_488 = vector.shape_cast %swap3A_487 : vector<1x16xf32> to vector<16xf32>
      %swap3A_489 = vector.shape_cast %scan3A_454 : vector<16xf32> to vector<1x16xf32>
      tpu.vector_store %arg5[%swap3A_485, %swap3A_486], %swap3A_489 {strides = array<i32>} : memref<32x384xf32, #tpu.memory_space<vmem>>, vector<1x16xf32>,
      %swap3A_490 = arith.index_cast %scan3A_451 : i32 to index
      %swap3A_491 = arith.constant 48 : index
      %swap3A_492 = tpu.vector_load %arg5[%swap3A_490, %swap3A_491] {strides = array<i32>} : memref<32x384xf32, #tpu.memory_space<vmem>>, vector<1x16xf32>,
      %swap3A_493 = vector.shape_cast %swap3A_492 : vector<1x16xf32> to vector<16xf32>
      %swap3A_494 = vector.shape_cast %scan3A_455 : vector<16xf32> to vector<1x16xf32>
      tpu.vector_store %arg5[%swap3A_490, %swap3A_491], %swap3A_494 {strides = array<i32>} : memref<32x384xf32, #tpu.memory_space<vmem>>, vector<1x16xf32>,
      %swap3A_495 = arith.index_cast %scan3A_451 : i32 to index
      %swap3A_496 = arith.constant 64 : index
      %swap3A_497 = tpu.vector_load %arg5[%swap3A_495, %swap3A_496] {strides = array<i32>} : memref<32x384xf32, #tpu.memory_space<vmem>>, vector<1x16xf32>,
      %swap3A_498 = vector.shape_cast %swap3A_497 : vector<1x16xf32> to vector<16xf32>
      %swap3A_499 = vector.shape_cast %scan3A_456 : vector<16xf32> to vector<1x16xf32>
      tpu.vector_store %arg5[%swap3A_495, %swap3A_496], %swap3A_499 {strides = array<i32>} : memref<32x384xf32, #tpu.memory_space<vmem>>, vector<1x16xf32>,
      %swap3A_500 = arith.index_cast %scan3A_451 : i32 to index
      %swap3A_501 = arith.constant 80 : index
      %swap3A_502 = tpu.vector_load %arg5[%swap3A_500, %swap3A_501] {strides = array<i32>} : memref<32x384xf32, #tpu.memory_space<vmem>>, vector<1x16xf32>,
      %swap3A_503 = vector.shape_cast %swap3A_502 : vector<1x16xf32> to vector<16xf32>
      %swap3A_504 = vector.shape_cast %scan3A_457 : vector<16xf32> to vector<1x16xf32>
      tpu.vector_store %arg5[%swap3A_500, %swap3A_501], %swap3A_504 {strides = array<i32>} : memref<32x384xf32, #tpu.memory_space<vmem>>, vector<1x16xf32>,
      %swap3A_505 = arith.index_cast %scan3A_451 : i32 to index
      %swap3A_506 = arith.constant 96 : index
      %swap3A_507 = tpu.vector_load %arg5[%swap3A_505, %swap3A_506] {strides = array<i32>} : memref<32x384xf32, #tpu.memory_space<vmem>>, vector<1x16xf32>,
      %swap3A_508 = vector.shape_cast %swap3A_507 : vector<1x16xf32> to vector<16xf32>
      %swap3A_509 = vector.shape_cast %scan3A_458 : vector<16xf32> to vector<1x16xf32>
      tpu.vector_store %arg5[%swap3A_505, %swap3A_506], %swap3A_509 {strides = array<i32>} : memref<32x384xf32, #tpu.memory_space<vmem>>, vector<1x16xf32>,
      %swap3A_510 = arith.index_cast %scan3A_451 : i32 to index
      %swap3A_511 = arith.constant 112 : index
      %swap3A_512 = tpu.vector_load %arg5[%swap3A_510, %swap3A_511] {strides = array<i32>} : memref<32x384xf32, #tpu.memory_space<vmem>>, vector<1x16xf32>,
      %swap3A_513 = vector.shape_cast %swap3A_512 : vector<1x16xf32> to vector<16xf32>
      %swap3A_514 = vector.shape_cast %scan3A_459 : vector<16xf32> to vector<1x16xf32>
      tpu.vector_store %arg5[%swap3A_510, %swap3A_511], %swap3A_514 {strides = array<i32>} : memref<32x384xf32, #tpu.memory_space<vmem>>, vector<1x16xf32>,
      %swap3A_515 = arith.index_cast %scan3A_451 : i32 to index
      %swap3A_516 = arith.constant 128 : index
      %swap3A_517 = tpu.vector_load %arg5[%swap3A_515, %swap3A_516] {strides = array<i32>} : memref<32x384xf32, #tpu.memory_space<vmem>>, vector<1x16xf32>,
      %swap3A_518 = vector.shape_cast %swap3A_517 : vector<1x16xf32> to vector<16xf32>
      %swap3A_519 = vector.shape_cast %scan3A_460 : vector<16xf32> to vector<1x16xf32>
      tpu.vector_store %arg5[%swap3A_515, %swap3A_516], %swap3A_519 {strides = array<i32>} : memref<32x384xf32, #tpu.memory_space<vmem>>, vector<1x16xf32>,
      %swap3A_520 = arith.index_cast %scan3A_451 : i32 to index
      %swap3A_521 = arith.constant 144 : index
      %swap3A_522 = tpu.vector_load %arg5[%swap3A_520, %swap3A_521] {strides = array<i32>} : memref<32x384xf32, #tpu.memory_space<vmem>>, vector<1x16xf32>,
      %swap3A_523 = vector.shape_cast %swap3A_522 : vector<1x16xf32> to vector<16xf32>
      %swap3A_524 = vector.shape_cast %scan3A_461 : vector<16xf32> to vector<1x16xf32>
      tpu.vector_store %arg5[%swap3A_520, %swap3A_521], %swap3A_524 {strides = array<i32>} : memref<32x384xf32, #tpu.memory_space<vmem>>, vector<1x16xf32>,
      %swap3A_525 = arith.index_cast %scan3A_451 : i32 to index
      %swap3A_526 = arith.constant 160 : index
      %swap3A_527 = tpu.vector_load %arg5[%swap3A_525, %swap3A_526] {strides = array<i32>} : memref<32x384xf32, #tpu.memory_space<vmem>>, vector<1x16xf32>,
      %swap3A_528 = vector.shape_cast %swap3A_527 : vector<1x16xf32> to vector<16xf32>
      %swap3A_529 = vector.shape_cast %scan3A_462 : vector<16xf32> to vector<1x16xf32>
      tpu.vector_store %arg5[%swap3A_525, %swap3A_526], %swap3A_529 {strides = array<i32>} : memref<32x384xf32, #tpu.memory_space<vmem>>, vector<1x16xf32>,
      %swap3A_530 = arith.index_cast %scan3A_451 : i32 to index
      %swap3A_531 = arith.constant 176 : index
      %swap3A_532 = tpu.vector_load %arg5[%swap3A_530, %swap3A_531] {strides = array<i32>} : memref<32x384xf32, #tpu.memory_space<vmem>>, vector<1x16xf32>,
      %swap3A_533 = vector.shape_cast %swap3A_532 : vector<1x16xf32> to vector<16xf32>
      %swap3A_534 = vector.shape_cast %scan3A_463 : vector<16xf32> to vector<1x16xf32>
      tpu.vector_store %arg5[%swap3A_530, %swap3A_531], %swap3A_534 {strides = array<i32>} : memref<32x384xf32, #tpu.memory_space<vmem>>, vector<1x16xf32>,
      %swap3A_535 = arith.index_cast %scan3A_451 : i32 to index
      %swap3A_536 = arith.constant 192 : index
      %swap3A_537 = tpu.vector_load %arg5[%swap3A_535, %swap3A_536] {strides = array<i32>} : memref<32x384xf32, #tpu.memory_space<vmem>>, vector<1x16xf32>,
      %swap3A_538 = vector.shape_cast %swap3A_537 : vector<1x16xf32> to vector<16xf32>
      %swap3A_539 = vector.shape_cast %scan3A_464 : vector<16xf32> to vector<1x16xf32>
      tpu.vector_store %arg5[%swap3A_535, %swap3A_536], %swap3A_539 {strides = array<i32>} : memref<32x384xf32, #tpu.memory_space<vmem>>, vector<1x16xf32>,
      %swap3A_540 = arith.index_cast %scan3A_451 : i32 to index
      %swap3A_541 = arith.constant 208 : index
      %swap3A_542 = tpu.vector_load %arg5[%swap3A_540, %swap3A_541] {strides = array<i32>} : memref<32x384xf32, #tpu.memory_space<vmem>>, vector<1x16xf32>,
      %swap3A_543 = vector.shape_cast %swap3A_542 : vector<1x16xf32> to vector<16xf32>
      %swap3A_544 = vector.shape_cast %scan3A_465 : vector<16xf32> to vector<1x16xf32>
      tpu.vector_store %arg5[%swap3A_540, %swap3A_541], %swap3A_544 {strides = array<i32>} : memref<32x384xf32, #tpu.memory_space<vmem>>, vector<1x16xf32>,
      %swap3A_545 = arith.index_cast %scan3A_451 : i32 to index
      %swap3A_546 = arith.constant 224 : index
      %swap3A_547 = tpu.vector_load %arg5[%swap3A_545, %swap3A_546] {strides = array<i32>} : memref<32x384xf32, #tpu.memory_space<vmem>>, vector<1x16xf32>,
      %swap3A_548 = vector.shape_cast %swap3A_547 : vector<1x16xf32> to vector<16xf32>
      %swap3A_549 = vector.shape_cast %scan3A_466 : vector<16xf32> to vector<1x16xf32>
      tpu.vector_store %arg5[%swap3A_545, %swap3A_546], %swap3A_549 {strides = array<i32>} : memref<32x384xf32, #tpu.memory_space<vmem>>, vector<1x16xf32>,
      %swap3A_550 = arith.index_cast %scan3A_451 : i32 to index
      %swap3A_551 = arith.constant 240 : index
      %swap3A_552 = tpu.vector_load %arg5[%swap3A_550, %swap3A_551] {strides = array<i32>} : memref<32x384xf32, #tpu.memory_space<vmem>>, vector<1x16xf32>,
      %swap3A_553 = vector.shape_cast %swap3A_552 : vector<1x16xf32> to vector<16xf32>
      %swap3A_554 = vector.shape_cast %scan3A_467 : vector<16xf32> to vector<1x16xf32>
      tpu.vector_store %arg5[%swap3A_550, %swap3A_551], %swap3A_554 {strides = array<i32>} : memref<32x384xf32, #tpu.memory_space<vmem>>, vector<1x16xf32>,
      %swap3A_555 = arith.index_cast %scan3A_451 : i32 to index
      %swap3A_556 = arith.constant 256 : index
      %swap3A_557 = tpu.vector_load %arg5[%swap3A_555, %swap3A_556] {strides = array<i32>} : memref<32x384xf32, #tpu.memory_space<vmem>>, vector<1x16xf32>,
      %swap3A_558 = vector.shape_cast %swap3A_557 : vector<1x16xf32> to vector<16xf32>
      %swap3A_559 = vector.shape_cast %scan3A_468 : vector<16xf32> to vector<1x16xf32>
      tpu.vector_store %arg5[%swap3A_555, %swap3A_556], %swap3A_559 {strides = array<i32>} : memref<32x384xf32, #tpu.memory_space<vmem>>, vector<1x16xf32>,
      %swap3A_560 = arith.index_cast %scan3A_451 : i32 to index
      %swap3A_561 = arith.constant 272 : index
      %swap3A_562 = tpu.vector_load %arg5[%swap3A_560, %swap3A_561] {strides = array<i32>} : memref<32x384xf32, #tpu.memory_space<vmem>>, vector<1x16xf32>,
      %swap3A_563 = vector.shape_cast %swap3A_562 : vector<1x16xf32> to vector<16xf32>
      %swap3A_564 = vector.shape_cast %scan3A_469 : vector<16xf32> to vector<1x16xf32>
      tpu.vector_store %arg5[%swap3A_560, %swap3A_561], %swap3A_564 {strides = array<i32>} : memref<32x384xf32, #tpu.memory_space<vmem>>, vector<1x16xf32>,
      %swap3A_565 = arith.index_cast %scan3A_451 : i32 to index
      %swap3A_566 = arith.constant 288 : index
      %swap3A_567 = tpu.vector_load %arg5[%swap3A_565, %swap3A_566] {strides = array<i32>} : memref<32x384xf32, #tpu.memory_space<vmem>>, vector<1x16xf32>,
      %swap3A_568 = vector.shape_cast %swap3A_567 : vector<1x16xf32> to vector<16xf32>
      %swap3A_569 = vector.shape_cast %scan3A_470 : vector<16xf32> to vector<1x16xf32>
      tpu.vector_store %arg5[%swap3A_565, %swap3A_566], %swap3A_569 {strides = array<i32>} : memref<32x384xf32, #tpu.memory_space<vmem>>, vector<1x16xf32>,
      %swap3A_570 = arith.index_cast %scan3A_451 : i32 to index
      %swap3A_571 = arith.constant 304 : index
      %swap3A_572 = tpu.vector_load %arg5[%swap3A_570, %swap3A_571] {strides = array<i32>} : memref<32x384xf32, #tpu.memory_space<vmem>>, vector<1x16xf32>,
      %swap3A_573 = vector.shape_cast %swap3A_572 : vector<1x16xf32> to vector<16xf32>
      %swap3A_574 = vector.shape_cast %scan3A_471 : vector<16xf32> to vector<1x16xf32>
      tpu.vector_store %arg5[%swap3A_570, %swap3A_571], %swap3A_574 {strides = array<i32>} : memref<32x384xf32, #tpu.memory_space<vmem>>, vector<1x16xf32>,
      %swap3A_575 = arith.index_cast %scan3A_451 : i32 to index
      %swap3A_576 = arith.constant 320 : index
      %swap3A_577 = tpu.vector_load %arg5[%swap3A_575, %swap3A_576] {strides = array<i32>} : memref<32x384xf32, #tpu.memory_space<vmem>>, vector<1x16xf32>,
      %swap3A_578 = vector.shape_cast %swap3A_577 : vector<1x16xf32> to vector<16xf32>
      %swap3A_579 = vector.shape_cast %scan3A_472 : vector<16xf32> to vector<1x16xf32>
      tpu.vector_store %arg5[%swap3A_575, %swap3A_576], %swap3A_579 {strides = array<i32>} : memref<32x384xf32, #tpu.memory_space<vmem>>, vector<1x16xf32>,
      %swap3A_580 = arith.index_cast %scan3A_451 : i32 to index
      %swap3A_581 = arith.constant 336 : index
      %swap3A_582 = tpu.vector_load %arg5[%swap3A_580, %swap3A_581] {strides = array<i32>} : memref<32x384xf32, #tpu.memory_space<vmem>>, vector<1x16xf32>,
      %swap3A_583 = vector.shape_cast %swap3A_582 : vector<1x16xf32> to vector<16xf32>
      %swap3A_584 = vector.shape_cast %scan3A_473 : vector<16xf32> to vector<1x16xf32>
      tpu.vector_store %arg5[%swap3A_580, %swap3A_581], %swap3A_584 {strides = array<i32>} : memref<32x384xf32, #tpu.memory_space<vmem>>, vector<1x16xf32>,
      %swap3A_585 = arith.index_cast %scan3A_451 : i32 to index
      %swap3A_586 = arith.constant 352 : index
      %swap3A_587 = tpu.vector_load %arg5[%swap3A_585, %swap3A_586] {strides = array<i32>} : memref<32x384xf32, #tpu.memory_space<vmem>>, vector<1x16xf32>,
      %swap3A_588 = vector.shape_cast %swap3A_587 : vector<1x16xf32> to vector<16xf32>
      %swap3A_589 = vector.shape_cast %scan3A_474 : vector<16xf32> to vector<1x16xf32>
      tpu.vector_store %arg5[%swap3A_585, %swap3A_586], %swap3A_589 {strides = array<i32>} : memref<32x384xf32, #tpu.memory_space<vmem>>, vector<1x16xf32>,
      %swap3A_590 = arith.index_cast %scan3A_451 : i32 to index
      %swap3A_591 = arith.constant 368 : index
      %swap3A_592 = tpu.vector_load %arg5[%swap3A_590, %swap3A_591] {strides = array<i32>} : memref<32x384xf32, #tpu.memory_space<vmem>>, vector<1x16xf32>,
      %swap3A_593 = vector.shape_cast %swap3A_592 : vector<1x16xf32> to vector<16xf32>
      %swap3A_594 = vector.shape_cast %scan3A_475 : vector<16xf32> to vector<1x16xf32>
      tpu.vector_store %arg5[%swap3A_590, %swap3A_591], %swap3A_594 {strides = array<i32>} : memref<32x384xf32, #tpu.memory_space<vmem>>, vector<1x16xf32>,
      %add3A_595 = arith.constant 64 : i32
      %add3A_596 = arith.addi %mul3A_32, %add3A_595 : i32
      %add3A_597 = arith.addi %add3A_596, %scan3A_451 : i32
      %add3A_598 = arith.constant 125 : i32
      %add3A_599 = arith.addi %add3A_597, %add3A_598 : i32
      %add3A_600 = arith.constant 1 : i32
      %add3A_601 = arith.addi %add3A_599, %add3A_600 : i32
      %min3A_602 = arith.constant 250 : i32
      %min3A_603 = arith.minsi %min3A_602, %add3A_601 : i32
      %sub3A_604 = arith.constant 1922 : i32
      %sub3A_605 = arith.subi %add3A_597, %sub3A_604 : i32
      %max3A_606 = arith.constant 0 : i32
      %max3A_607 = arith.maxsi %max3A_606, %sub3A_605 : i32
      %get3A_608 = arith.index_cast %min3A_603 : i32 to index
      %get3A_609 = arith.constant 0 : index
      %get3A_610 = tpu.vector_load %arg4[%get3A_608, %get3A_609] {strides = array<i32>} : memref<251x384xf32, #tpu.memory_space<vmem>>, vector<1x16xf32>,
      %get3A_611 = vector.shape_cast %get3A_610 : vector<1x16xf32> to vector<16xf32>
      %add3A_612 = arith.addf %scan3A_452, %get3A_611 : vector<16xf32>
      %get3A_613 = arith.index_cast %max3A_607 : i32 to index
      %get3A_614 = arith.constant 0 : index
      %get3A_615 = tpu.vector_load %arg4[%get3A_613, %get3A_614] {strides = array<i32>} : memref<251x384xf32, #tpu.memory_space<vmem>>, vector<1x16xf32>,
      %get3A_616 = vector.shape_cast %get3A_615 : vector<1x16xf32> to vector<16xf32>
      %sub3A_617 = arith.subf %add3A_612, %get3A_616 : vector<16xf32>
      %get3A_618 = arith.index_cast %min3A_603 : i32 to index
      %get3A_619 = arith.constant 16 : index
      %get3A_620 = tpu.vector_load %arg4[%get3A_618, %get3A_619] {strides = array<i32>} : memref<251x384xf32, #tpu.memory_space<vmem>>, vector<1x16xf32>,
      %get3A_621 = vector.shape_cast %get3A_620 : vector<1x16xf32> to vector<16xf32>
      %add3A_622 = arith.addf %scan3A_453, %get3A_621 : vector<16xf32>
      %get3A_623 = arith.index_cast %max3A_607 : i32 to index
      %get3A_624 = arith.constant 16 : index
      %get3A_625 = tpu.vector_load %arg4[%get3A_623, %get3A_624] {strides = array<i32>} : memref<251x384xf32, #tpu.memory_space<vmem>>, vector<1x16xf32>,
      %get3A_626 = vector.shape_cast %get3A_625 : vector<1x16xf32> to vector<16xf32>
      %sub3A_627 = arith.subf %add3A_622, %get3A_626 : vector<16xf32>
      %get3A_628 = arith.index_cast %min3A_603 : i32 to index
      %get3A_629 = arith.constant 32 : index
      %get3A_630 = tpu.vector_load %arg4[%get3A_628, %get3A_629] {strides = array<i32>} : memref<251x384xf32, #tpu.memory_space<vmem>>, vector<1x16xf32>,
      %get3A_631 = vector.shape_cast %get3A_630 : vector<1x16xf32> to vector<16xf32>
      %add3A_632 = arith.addf %scan3A_454, %get3A_631 : vector<16xf32>
      %get3A_633 = arith.index_cast %max3A_607 : i32 to index
      %get3A_634 = arith.constant 32 : index
      %get3A_635 = tpu.vector_load %arg4[%get3A_633, %get3A_634] {strides = array<i32>} : memref<251x384xf32, #tpu.memory_space<vmem>>, vector<1x16xf32>,
      %get3A_636 = vector.shape_cast %get3A_635 : vector<1x16xf32> to vector<16xf32>
      %sub3A_637 = arith.subf %add3A_632, %get3A_636 : vector<16xf32>
      %get3A_638 = arith.index_cast %min3A_603 : i32 to index
      %get3A_639 = arith.constant 48 : index
      %get3A_640 = tpu.vector_load %arg4[%get3A_638, %get3A_639] {strides = array<i32>} : memref<251x384xf32, #tpu.memory_space<vmem>>, vector<1x16xf32>,
      %get3A_641 = vector.shape_cast %get3A_640 : vector<1x16xf32> to vector<16xf32>
      %add3A_642 = arith.addf %scan3A_455, %get3A_641 : vector<16xf32>
      %get3A_643 = arith.index_cast %max3A_607 : i32 to index
      %get3A_644 = arith.constant 48 : index
      %get3A_645 = tpu.vector_load %arg4[%get3A_643, %get3A_644] {strides = array<i32>} : memref<251x384xf32, #tpu.memory_space<vmem>>, vector<1x16xf32>,
      %get3A_646 = vector.shape_cast %get3A_645 : vector<1x16xf32> to vector<16xf32>
      %sub3A_647 = arith.subf %add3A_642, %get3A_646 : vector<16xf32>
      %get3A_648 = arith.index_cast %min3A_603 : i32 to index
      %get3A_649 = arith.constant 64 : index
      %get3A_650 = tpu.vector_load %arg4[%get3A_648, %get3A_649] {strides = array<i32>} : memref<251x384xf32, #tpu.memory_space<vmem>>, vector<1x16xf32>,
      %get3A_651 = vector.shape_cast %get3A_650 : vector<1x16xf32> to vector<16xf32>
      %add3A_652 = arith.addf %scan3A_456, %get3A_651 : vector<16xf32>
      %get3A_653 = arith.index_cast %max3A_607 : i32 to index
      %get3A_654 = arith.constant 64 : index
      %get3A_655 = tpu.vector_load %arg4[%get3A_653, %get3A_654] {strides = array<i32>} : memref<251x384xf32, #tpu.memory_space<vmem>>, vector<1x16xf32>,
      %get3A_656 = vector.shape_cast %get3A_655 : vector<1x16xf32> to vector<16xf32>
      %sub3A_657 = arith.subf %add3A_652, %get3A_656 : vector<16xf32>
      %get3A_658 = arith.index_cast %min3A_603 : i32 to index
      %get3A_659 = arith.constant 80 : index
      %get3A_660 = tpu.vector_load %arg4[%get3A_658, %get3A_659] {strides = array<i32>} : memref<251x384xf32, #tpu.memory_space<vmem>>, vector<1x16xf32>,
      %get3A_661 = vector.shape_cast %get3A_660 : vector<1x16xf32> to vector<16xf32>
      %add3A_662 = arith.addf %scan3A_457, %get3A_661 : vector<16xf32>
      %get3A_663 = arith.index_cast %max3A_607 : i32 to index
      %get3A_664 = arith.constant 80 : index
      %get3A_665 = tpu.vector_load %arg4[%get3A_663, %get3A_664] {strides = array<i32>} : memref<251x384xf32, #tpu.memory_space<vmem>>, vector<1x16xf32>,
      %get3A_666 = vector.shape_cast %get3A_665 : vector<1x16xf32> to vector<16xf32>
      %sub3A_667 = arith.subf %add3A_662, %get3A_666 : vector<16xf32>
      %get3A_668 = arith.index_cast %min3A_603 : i32 to index
      %get3A_669 = arith.constant 96 : index
      %get3A_670 = tpu.vector_load %arg4[%get3A_668, %get3A_669] {strides = array<i32>} : memref<251x384xf32, #tpu.memory_space<vmem>>, vector<1x16xf32>,
      %get3A_671 = vector.shape_cast %get3A_670 : vector<1x16xf32> to vector<16xf32>
      %add3A_672 = arith.addf %scan3A_458, %get3A_671 : vector<16xf32>
      %get3A_673 = arith.index_cast %max3A_607 : i32 to index
      %get3A_674 = arith.constant 96 : index
      %get3A_675 = tpu.vector_load %arg4[%get3A_673, %get3A_674] {strides = array<i32>} : memref<251x384xf32, #tpu.memory_space<vmem>>, vector<1x16xf32>,
      %get3A_676 = vector.shape_cast %get3A_675 : vector<1x16xf32> to vector<16xf32>
      %sub3A_677 = arith.subf %add3A_672, %get3A_676 : vector<16xf32>
      %get3A_678 = arith.index_cast %min3A_603 : i32 to index
      %get3A_679 = arith.constant 112 : index
      %get3A_680 = tpu.vector_load %arg4[%get3A_678, %get3A_679] {strides = array<i32>} : memref<251x384xf32, #tpu.memory_space<vmem>>, vector<1x16xf32>,
      %get3A_681 = vector.shape_cast %get3A_680 : vector<1x16xf32> to vector<16xf32>
      %add3A_682 = arith.addf %scan3A_459, %get3A_681 : vector<16xf32>
      %get3A_683 = arith.index_cast %max3A_607 : i32 to index
      %get3A_684 = arith.constant 112 : index
      %get3A_685 = tpu.vector_load %arg4[%get3A_683, %get3A_684] {strides = array<i32>} : memref<251x384xf32, #tpu.memory_space<vmem>>, vector<1x16xf32>,
      %get3A_686 = vector.shape_cast %get3A_685 : vector<1x16xf32> to vector<16xf32>
      %sub3A_687 = arith.subf %add3A_682, %get3A_686 : vector<16xf32>
      %get3A_688 = arith.index_cast %min3A_603 : i32 to index
      %get3A_689 = arith.constant 128 : index
      %get3A_690 = tpu.vector_load %arg4[%get3A_688, %get3A_689] {strides = array<i32>} : memref<251x384xf32, #tpu.memory_space<vmem>>, vector<1x16xf32>,
      %get3A_691 = vector.shape_cast %get3A_690 : vector<1x16xf32> to vector<16xf32>
      %add3A_692 = arith.addf %scan3A_460, %get3A_691 : vector<16xf32>
      %get3A_693 = arith.index_cast %max3A_607 : i32 to index
      %get3A_694 = arith.constant 128 : index
      %get3A_695 = tpu.vector_load %arg4[%get3A_693, %get3A_694] {strides = array<i32>} : memref<251x384xf32, #tpu.memory_space<vmem>>, vector<1x16xf32>,
      %get3A_696 = vector.shape_cast %get3A_695 : vector<1x16xf32> to vector<16xf32>
      %sub3A_697 = arith.subf %add3A_692, %get3A_696 : vector<16xf32>
      %get3A_698 = arith.index_cast %min3A_603 : i32 to index
      %get3A_699 = arith.constant 144 : index
      %get3A_700 = tpu.vector_load %arg4[%get3A_698, %get3A_699] {strides = array<i32>} : memref<251x384xf32, #tpu.memory_space<vmem>>, vector<1x16xf32>,
      %get3A_701 = vector.shape_cast %get3A_700 : vector<1x16xf32> to vector<16xf32>
      %add3A_702 = arith.addf %scan3A_461, %get3A_701 : vector<16xf32>
      %get3A_703 = arith.index_cast %max3A_607 : i32 to index
      %get3A_704 = arith.constant 144 : index
      %get3A_705 = tpu.vector_load %arg4[%get3A_703, %get3A_704] {strides = array<i32>} : memref<251x384xf32, #tpu.memory_space<vmem>>, vector<1x16xf32>,
      %get3A_706 = vector.shape_cast %get3A_705 : vector<1x16xf32> to vector<16xf32>
      %sub3A_707 = arith.subf %add3A_702, %get3A_706 : vector<16xf32>
      %get3A_708 = arith.index_cast %min3A_603 : i32 to index
      %get3A_709 = arith.constant 160 : index
      %get3A_710 = tpu.vector_load %arg4[%get3A_708, %get3A_709] {strides = array<i32>} : memref<251x384xf32, #tpu.memory_space<vmem>>, vector<1x16xf32>,
      %get3A_711 = vector.shape_cast %get3A_710 : vector<1x16xf32> to vector<16xf32>
      %add3A_712 = arith.addf %scan3A_462, %get3A_711 : vector<16xf32>
      %get3A_713 = arith.index_cast %max3A_607 : i32 to index
      %get3A_714 = arith.constant 160 : index
      %get3A_715 = tpu.vector_load %arg4[%get3A_713, %get3A_714] {strides = array<i32>} : memref<251x384xf32, #tpu.memory_space<vmem>>, vector<1x16xf32>,
      %get3A_716 = vector.shape_cast %get3A_715 : vector<1x16xf32> to vector<16xf32>
      %sub3A_717 = arith.subf %add3A_712, %get3A_716 : vector<16xf32>
      %get3A_718 = arith.index_cast %min3A_603 : i32 to index
      %get3A_719 = arith.constant 176 : index
      %get3A_720 = tpu.vector_load %arg4[%get3A_718, %get3A_719] {strides = array<i32>} : memref<251x384xf32, #tpu.memory_space<vmem>>, vector<1x16xf32>,
      %get3A_721 = vector.shape_cast %get3A_720 : vector<1x16xf32> to vector<16xf32>
      %add3A_722 = arith.addf %scan3A_463, %get3A_721 : vector<16xf32>
      %get3A_723 = arith.index_cast %max3A_607 : i32 to index
      %get3A_724 = arith.constant 176 : index
      %get3A_725 = tpu.vector_load %arg4[%get3A_723, %get3A_724] {strides = array<i32>} : memref<251x384xf32, #tpu.memory_space<vmem>>, vector<1x16xf32>,
      %get3A_726 = vector.shape_cast %get3A_725 : vector<1x16xf32> to vector<16xf32>
      %sub3A_727 = arith.subf %add3A_722, %get3A_726 : vector<16xf32>
      %get3A_728 = arith.index_cast %min3A_603 : i32 to index
      %get3A_729 = arith.constant 192 : index
      %get3A_730 = tpu.vector_load %arg4[%get3A_728, %get3A_729] {strides = array<i32>} : memref<251x384xf32, #tpu.memory_space<vmem>>, vector<1x16xf32>,
      %get3A_731 = vector.shape_cast %get3A_730 : vector<1x16xf32> to vector<16xf32>
      %add3A_732 = arith.addf %scan3A_464, %get3A_731 : vector<16xf32>
      %get3A_733 = arith.index_cast %max3A_607 : i32 to index
      %get3A_734 = arith.constant 192 : index
      %get3A_735 = tpu.vector_load %arg4[%get3A_733, %get3A_734] {strides = array<i32>} : memref<251x384xf32, #tpu.memory_space<vmem>>, vector<1x16xf32>,
      %get3A_736 = vector.shape_cast %get3A_735 : vector<1x16xf32> to vector<16xf32>
      %sub3A_737 = arith.subf %add3A_732, %get3A_736 : vector<16xf32>
      %get3A_738 = arith.index_cast %min3A_603 : i32 to index
      %get3A_739 = arith.constant 208 : index
      %get3A_740 = tpu.vector_load %arg4[%get3A_738, %get3A_739] {strides = array<i32>} : memref<251x384xf32, #tpu.memory_space<vmem>>, vector<1x16xf32>,
      %get3A_741 = vector.shape_cast %get3A_740 : vector<1x16xf32> to vector<16xf32>
      %add3A_742 = arith.addf %scan3A_465, %get3A_741 : vector<16xf32>
      %get3A_743 = arith.index_cast %max3A_607 : i32 to index
      %get3A_744 = arith.constant 208 : index
      %get3A_745 = tpu.vector_load %arg4[%get3A_743, %get3A_744] {strides = array<i32>} : memref<251x384xf32, #tpu.memory_space<vmem>>, vector<1x16xf32>,
      %get3A_746 = vector.shape_cast %get3A_745 : vector<1x16xf32> to vector<16xf32>
      %sub3A_747 = arith.subf %add3A_742, %get3A_746 : vector<16xf32>
      %get3A_748 = arith.index_cast %min3A_603 : i32 to index
      %get3A_749 = arith.constant 224 : index
      %get3A_750 = tpu.vector_load %arg4[%get3A_748, %get3A_749] {strides = array<i32>} : memref<251x384xf32, #tpu.memory_space<vmem>>, vector<1x16xf32>,
      %get3A_751 = vector.shape_cast %get3A_750 : vector<1x16xf32> to vector<16xf32>
      %add3A_752 = arith.addf %scan3A_466, %get3A_751 : vector<16xf32>
      %get3A_753 = arith.index_cast %max3A_607 : i32 to index
      %get3A_754 = arith.constant 224 : index
      %get3A_755 = tpu.vector_load %arg4[%get3A_753, %get3A_754] {strides = array<i32>} : memref<251x384xf32, #tpu.memory_space<vmem>>, vector<1x16xf32>,
      %get3A_756 = vector.shape_cast %get3A_755 : vector<1x16xf32> to vector<16xf32>
      %sub3A_757 = arith.subf %add3A_752, %get3A_756 : vector<16xf32>
      %get3A_758 = arith.index_cast %min3A_603 : i32 to index
      %get3A_759 = arith.constant 240 : index
      %get3A_760 = tpu.vector_load %arg4[%get3A_758, %get3A_759] {strides = array<i32>} : memref<251x384xf32, #tpu.memory_space<vmem>>, vector<1x16xf32>,
      %get3A_761 = vector.shape_cast %get3A_760 : vector<1x16xf32> to vector<16xf32>
      %add3A_762 = arith.addf %scan3A_467, %get3A_761 : vector<16xf32>
      %get3A_763 = arith.index_cast %max3A_607 : i32 to index
      %get3A_764 = arith.constant 240 : index
      %get3A_765 = tpu.vector_load %arg4[%get3A_763, %get3A_764] {strides = array<i32>} : memref<251x384xf32, #tpu.memory_space<vmem>>, vector<1x16xf32>,
      %get3A_766 = vector.shape_cast %get3A_765 : vector<1x16xf32> to vector<16xf32>
      %sub3A_767 = arith.subf %add3A_762, %get3A_766 : vector<16xf32>
      %get3A_768 = arith.index_cast %min3A_603 : i32 to index
      %get3A_769 = arith.constant 256 : index
      %get3A_770 = tpu.vector_load %arg4[%get3A_768, %get3A_769] {strides = array<i32>} : memref<251x384xf32, #tpu.memory_space<vmem>>, vector<1x16xf32>,
      %get3A_771 = vector.shape_cast %get3A_770 : vector<1x16xf32> to vector<16xf32>
      %add3A_772 = arith.addf %scan3A_468, %get3A_771 : vector<16xf32>
      %get3A_773 = arith.index_cast %max3A_607 : i32 to index
      %get3A_774 = arith.constant 256 : index
      %get3A_775 = tpu.vector_load %arg4[%get3A_773, %get3A_774] {strides = array<i32>} : memref<251x384xf32, #tpu.memory_space<vmem>>, vector<1x16xf32>,
      %get3A_776 = vector.shape_cast %get3A_775 : vector<1x16xf32> to vector<16xf32>
      %sub3A_777 = arith.subf %add3A_772, %get3A_776 : vector<16xf32>
      %get3A_778 = arith.index_cast %min3A_603 : i32 to index
      %get3A_779 = arith.constant 272 : index
      %get3A_780 = tpu.vector_load %arg4[%get3A_778, %get3A_779] {strides = array<i32>} : memref<251x384xf32, #tpu.memory_space<vmem>>, vector<1x16xf32>,
      %get3A_781 = vector.shape_cast %get3A_780 : vector<1x16xf32> to vector<16xf32>
      %add3A_782 = arith.addf %scan3A_469, %get3A_781 : vector<16xf32>
      %get3A_783 = arith.index_cast %max3A_607 : i32 to index
      %get3A_784 = arith.constant 272 : index
      %get3A_785 = tpu.vector_load %arg4[%get3A_783, %get3A_784] {strides = array<i32>} : memref<251x384xf32, #tpu.memory_space<vmem>>, vector<1x16xf32>,
      %get3A_786 = vector.shape_cast %get3A_785 : vector<1x16xf32> to vector<16xf32>
      %sub3A_787 = arith.subf %add3A_782, %get3A_786 : vector<16xf32>
      %get3A_788 = arith.index_cast %min3A_603 : i32 to index
      %get3A_789 = arith.constant 288 : index
      %get3A_790 = tpu.vector_load %arg4[%get3A_788, %get3A_789] {strides = array<i32>} : memref<251x384xf32, #tpu.memory_space<vmem>>, vector<1x16xf32>,
      %get3A_791 = vector.shape_cast %get3A_790 : vector<1x16xf32> to vector<16xf32>
      %add3A_792 = arith.addf %scan3A_470, %get3A_791 : vector<16xf32>
      %get3A_793 = arith.index_cast %max3A_607 : i32 to index
      %get3A_794 = arith.constant 288 : index
      %get3A_795 = tpu.vector_load %arg4[%get3A_793, %get3A_794] {strides = array<i32>} : memref<251x384xf32, #tpu.memory_space<vmem>>, vector<1x16xf32>,
      %get3A_796 = vector.shape_cast %get3A_795 : vector<1x16xf32> to vector<16xf32>
      %sub3A_797 = arith.subf %add3A_792, %get3A_796 : vector<16xf32>
      %get3A_798 = arith.index_cast %min3A_603 : i32 to index
      %get3A_799 = arith.constant 304 : index
      %get3A_800 = tpu.vector_load %arg4[%get3A_798, %get3A_799] {strides = array<i32>} : memref<251x384xf32, #tpu.memory_space<vmem>>, vector<1x16xf32>,
      %get3A_801 = vector.shape_cast %get3A_800 : vector<1x16xf32> to vector<16xf32>
      %add3A_802 = arith.addf %scan3A_471, %get3A_801 : vector<16xf32>
      %get3A_803 = arith.index_cast %max3A_607 : i32 to index
      %get3A_804 = arith.constant 304 : index
      %get3A_805 = tpu.vector_load %arg4[%get3A_803, %get3A_804] {strides = array<i32>} : memref<251x384xf32, #tpu.memory_space<vmem>>, vector<1x16xf32>,
      %get3A_806 = vector.shape_cast %get3A_805 : vector<1x16xf32> to vector<16xf32>
      %sub3A_807 = arith.subf %add3A_802, %get3A_806 : vector<16xf32>
      %get3A_808 = arith.index_cast %min3A_603 : i32 to index
      %get3A_809 = arith.constant 320 : index
      %get3A_810 = tpu.vector_load %arg4[%get3A_808, %get3A_809] {strides = array<i32>} : memref<251x384xf32, #tpu.memory_space<vmem>>, vector<1x16xf32>,
      %get3A_811 = vector.shape_cast %get3A_810 : vector<1x16xf32> to vector<16xf32>
      %add3A_812 = arith.addf %scan3A_472, %get3A_811 : vector<16xf32>
      %get3A_813 = arith.index_cast %max3A_607 : i32 to index
      %get3A_814 = arith.constant 320 : index
      %get3A_815 = tpu.vector_load %arg4[%get3A_813, %get3A_814] {strides = array<i32>} : memref<251x384xf32, #tpu.memory_space<vmem>>, vector<1x16xf32>,
      %get3A_816 = vector.shape_cast %get3A_815 : vector<1x16xf32> to vector<16xf32>
      %sub3A_817 = arith.subf %add3A_812, %get3A_816 : vector<16xf32>
      %get3A_818 = arith.index_cast %min3A_603 : i32 to index
      %get3A_819 = arith.constant 336 : index
      %get3A_820 = tpu.vector_load %arg4[%get3A_818, %get3A_819] {strides = array<i32>} : memref<251x384xf32, #tpu.memory_space<vmem>>, vector<1x16xf32>,
      %get3A_821 = vector.shape_cast %get3A_820 : vector<1x16xf32> to vector<16xf32>
      %add3A_822 = arith.addf %scan3A_473, %get3A_821 : vector<16xf32>
      %get3A_823 = arith.index_cast %max3A_607 : i32 to index
      %get3A_824 = arith.constant 336 : index
      %get3A_825 = tpu.vector_load %arg4[%get3A_823, %get3A_824] {strides = array<i32>} : memref<251x384xf32, #tpu.memory_space<vmem>>, vector<1x16xf32>,
      %get3A_826 = vector.shape_cast %get3A_825 : vector<1x16xf32> to vector<16xf32>
      %sub3A_827 = arith.subf %add3A_822, %get3A_826 : vector<16xf32>
      %get3A_828 = arith.index_cast %min3A_603 : i32 to index
      %get3A_829 = arith.constant 352 : index
      %get3A_830 = tpu.vector_load %arg4[%get3A_828, %get3A_829] {strides = array<i32>} : memref<251x384xf32, #tpu.memory_space<vmem>>, vector<1x16xf32>,
      %get3A_831 = vector.shape_cast %get3A_830 : vector<1x16xf32> to vector<16xf32>
      %add3A_832 = arith.addf %scan3A_474, %get3A_831 : vector<16xf32>
      %get3A_833 = arith.index_cast %max3A_607 : i32 to index
      %get3A_834 = arith.constant 352 : index
      %get3A_835 = tpu.vector_load %arg4[%get3A_833, %get3A_834] {strides = array<i32>} : memref<251x384xf32, #tpu.memory_space<vmem>>, vector<1x16xf32>,
      %get3A_836 = vector.shape_cast %get3A_835 : vector<1x16xf32> to vector<16xf32>
      %sub3A_837 = arith.subf %add3A_832, %get3A_836 : vector<16xf32>
      %get3A_838 = arith.index_cast %min3A_603 : i32 to index
      %get3A_839 = arith.constant 368 : index
      %get3A_840 = tpu.vector_load %arg4[%get3A_838, %get3A_839] {strides = array<i32>} : memref<251x384xf32, #tpu.memory_space<vmem>>, vector<1x16xf32>,
      %get3A_841 = vector.shape_cast %get3A_840 : vector<1x16xf32> to vector<16xf32>
      %add3A_842 = arith.addf %scan3A_475, %get3A_841 : vector<16xf32>
      %get3A_843 = arith.index_cast %max3A_607 : i32 to index
      %get3A_844 = arith.constant 368 : index
      %get3A_845 = tpu.vector_load %arg4[%get3A_843, %get3A_844] {strides = array<i32>} : memref<251x384xf32, #tpu.memory_space<vmem>>, vector<1x16xf32>,
      %get3A_846 = vector.shape_cast %get3A_845 : vector<1x16xf32> to vector<16xf32>
      %sub3A_847 = arith.subf %add3A_842, %get3A_846 : vector<16xf32>
      scf.yield %sub3A_617, %sub3A_627, %sub3A_637, %sub3A_647, %sub3A_657, %sub3A_667, %sub3A_677, %sub3A_687, %sub3A_697, %sub3A_707, %sub3A_717, %sub3A_727, %sub3A_737, %sub3A_747, %sub3A_757, %sub3A_767, %sub3A_777, %sub3A_787, %sub3A_797, %sub3A_807, %sub3A_817, %sub3A_827, %sub3A_837, %sub3A_847 : vector<16xf32>, vector<16xf32>, vector<16xf32>, vector<16xf32>, vector<16xf32>, vector<16xf32>, vector<16xf32>, vector<16xf32>, vector<16xf32>, vector<16xf32>, vector<16xf32>, vector<16xf32>, vector<16xf32>, vector<16xf32>, vector<16xf32>, vector<16xf32>, vector<16xf32>, vector<16xf32>, vector<16xf32>, vector<16xf32>, vector<16xf32>, vector<16xf32>, vector<16xf32>, vector<16xf32>
    }
    %scan3A_440 = arith.constant 32 : i32
    %add3A_441 = arith.constant 64 : i32
    %add3A_442 = arith.addi %mul3A_32, %add3A_441 : i32
    "tpu.region"() ({
      %run_scoped3A = tpu.sem_alloc : memref<!tpu.dma_semaphore, #tpu.memory_space<semaphore_mem>>
      %dma_start3A = tpu.memref_slice %arg3[%add3A_442, %mul3A_34] : memref<2048x768xf32, #tpu.memory_space<hbm>> -> memref<32x384xf32, #tpu.memory_space<hbm>>
      %dma_start3A_451 = tpu.memref_slice %arg3[%add3A_442, %mul3A_34] : memref<2048x768xf32, #tpu.memory_space<hbm>> -> memref<32x384xf32, #tpu.memory_space<hbm>>
      tpu.enqueue_dma source(%arg5 : memref<32x384xf32, #tpu.memory_space<vmem>>) target(%dma_start3A_451 : memref<32x384xf32, #tpu.memory_space<hbm>>) target_semaphore(%run_scoped3A : memref<!tpu.dma_semaphore, #tpu.memory_space<semaphore_mem>>)
      %dma_wait3A = tpu.memref_slice %arg3[%add3A_442, %mul3A_34] : memref<2048x768xf32, #tpu.memory_space<hbm>> -> memref<32x384xf32, #tpu.memory_space<hbm>>
      %dma_wait3A_452 = tpu.memref_slice %arg3[%add3A_442, %mul3A_34] : memref<2048x768xf32, #tpu.memory_space<hbm>> -> memref<32x384xf32, #tpu.memory_space<hbm>>
      tpu.wait_dma2 semaphore(%run_scoped3A : memref<!tpu.dma_semaphore, #tpu.memory_space<semaphore_mem>>) src(%arg5 : memref<32x384xf32, #tpu.memory_space<vmem>>) dst(%dma_wait3A_452 : memref<32x384xf32, #tpu.memory_space<hbm>>)
      tpu.yield
    }) : () -> ()
    %scan3A_443 = arith.constant 0 : i32
    %scan3A_444 = arith.constant 32 : i32
    %scan3A_445 = arith.addi %scan3A_443, %scan3A_444 : i32
    %scan3A_446 = arith.constant 1 : i32
    %scan3A_447:24 = scf.for %scan3A_451 = %scan3A_443 to %scan3A_445 step %scan3A_446 iter_args(%scan3A_452 = %scan3A_439#0, %scan3A_453 = %scan3A_439#1, %scan3A_454 = %scan3A_439#2, %scan3A_455 = %scan3A_439#3, %scan3A_456 = %scan3A_439#4, %scan3A_457 = %scan3A_439#5, %scan3A_458 = %scan3A_439#6, %scan3A_459 = %scan3A_439#7, %scan3A_460 = %scan3A_439#8, %scan3A_461 = %scan3A_439#9, %scan3A_462 = %scan3A_439#10, %scan3A_463 = %scan3A_439#11, %scan3A_464 = %scan3A_439#12, %scan3A_465 = %scan3A_439#13, %scan3A_466 = %scan3A_439#14, %scan3A_467 = %scan3A_439#15, %scan3A_468 = %scan3A_439#16, %scan3A_469 = %scan3A_439#17, %scan3A_470 = %scan3A_439#18, %scan3A_471 = %scan3A_439#19, %scan3A_472 = %scan3A_439#20, %scan3A_473 = %scan3A_439#21, %scan3A_474 = %scan3A_439#22, %scan3A_475 = %scan3A_439#23) -> (vector<16xf32>, vector<16xf32>, vector<16xf32>, vector<16xf32>, vector<16xf32>, vector<16xf32>, vector<16xf32>, vector<16xf32>, vector<16xf32>, vector<16xf32>, vector<16xf32>, vector<16xf32>, vector<16xf32>, vector<16xf32>, vector<16xf32>, vector<16xf32>, vector<16xf32>, vector<16xf32>, vector<16xf32>, vector<16xf32>, vector<16xf32>, vector<16xf32>, vector<16xf32>, vector<16xf32>)  : i32 {
      %swap3A = arith.index_cast %scan3A_451 : i32 to index
      %swap3A_476 = arith.constant 0 : index
      %swap3A_477 = tpu.vector_load %arg5[%swap3A, %swap3A_476] {strides = array<i32>} : memref<32x384xf32, #tpu.memory_space<vmem>>, vector<1x16xf32>,
      %swap3A_478 = vector.shape_cast %swap3A_477 : vector<1x16xf32> to vector<16xf32>
      %swap3A_479 = vector.shape_cast %scan3A_452 : vector<16xf32> to vector<1x16xf32>
      tpu.vector_store %arg5[%swap3A, %swap3A_476], %swap3A_479 {strides = array<i32>} : memref<32x384xf32, #tpu.memory_space<vmem>>, vector<1x16xf32>,
      %swap3A_480 = arith.index_cast %scan3A_451 : i32 to index
      %swap3A_481 = arith.constant 16 : index
      %swap3A_482 = tpu.vector_load %arg5[%swap3A_480, %swap3A_481] {strides = array<i32>} : memref<32x384xf32, #tpu.memory_space<vmem>>, vector<1x16xf32>,
      %swap3A_483 = vector.shape_cast %swap3A_482 : vector<1x16xf32> to vector<16xf32>
      %swap3A_484 = vector.shape_cast %scan3A_453 : vector<16xf32> to vector<1x16xf32>
      tpu.vector_store %arg5[%swap3A_480, %swap3A_481], %swap3A_484 {strides = array<i32>} : memref<32x384xf32, #tpu.memory_space<vmem>>, vector<1x16xf32>,
      %swap3A_485 = arith.index_cast %scan3A_451 : i32 to index
      %swap3A_486 = arith.constant 32 : index
      %swap3A_487 = tpu.vector_load %arg5[%swap3A_485, %swap3A_486] {strides = array<i32>} : memref<32x384xf32, #tpu.memory_space<vmem>>, vector<1x16xf32>,
      %swap3A_488 = vector.shape_cast %swap3A_487 : vector<1x16xf32> to vector<16xf32>
      %swap3A_489 = vector.shape_cast %scan3A_454 : vector<16xf32> to vector<1x16xf32>
      tpu.vector_store %arg5[%swap3A_485, %swap3A_486], %swap3A_489 {strides = array<i32>} : memref<32x384xf32, #tpu.memory_space<vmem>>, vector<1x16xf32>,
      %swap3A_490 = arith.index_cast %scan3A_451 : i32 to index
      %swap3A_491 = arith.constant 48 : index
      %swap3A_492 = tpu.vector_load %arg5[%swap3A_490, %swap3A_491] {strides = array<i32>} : memref<32x384xf32, #tpu.memory_space<vmem>>, vector<1x16xf32>,
      %swap3A_493 = vector.shape_cast %swap3A_492 : vector<1x16xf32> to vector<16xf32>
      %swap3A_494 = vector.shape_cast %scan3A_455 : vector<16xf32> to vector<1x16xf32>
      tpu.vector_store %arg5[%swap3A_490, %swap3A_491], %swap3A_494 {strides = array<i32>} : memref<32x384xf32, #tpu.memory_space<vmem>>, vector<1x16xf32>,
      %swap3A_495 = arith.index_cast %scan3A_451 : i32 to index
      %swap3A_496 = arith.constant 64 : index
      %swap3A_497 = tpu.vector_load %arg5[%swap3A_495, %swap3A_496] {strides = array<i32>} : memref<32x384xf32, #tpu.memory_space<vmem>>, vector<1x16xf32>,
      %swap3A_498 = vector.shape_cast %swap3A_497 : vector<1x16xf32> to vector<16xf32>
      %swap3A_499 = vector.shape_cast %scan3A_456 : vector<16xf32> to vector<1x16xf32>
      tpu.vector_store %arg5[%swap3A_495, %swap3A_496], %swap3A_499 {strides = array<i32>} : memref<32x384xf32, #tpu.memory_space<vmem>>, vector<1x16xf32>,
      %swap3A_500 = arith.index_cast %scan3A_451 : i32 to index
      %swap3A_501 = arith.constant 80 : index
      %swap3A_502 = tpu.vector_load %arg5[%swap3A_500, %swap3A_501] {strides = array<i32>} : memref<32x384xf32, #tpu.memory_space<vmem>>, vector<1x16xf32>,
      %swap3A_503 = vector.shape_cast %swap3A_502 : vector<1x16xf32> to vector<16xf32>
      %swap3A_504 = vector.shape_cast %scan3A_457 : vector<16xf32> to vector<1x16xf32>
      tpu.vector_store %arg5[%swap3A_500, %swap3A_501], %swap3A_504 {strides = array<i32>} : memref<32x384xf32, #tpu.memory_space<vmem>>, vector<1x16xf32>,
      %swap3A_505 = arith.index_cast %scan3A_451 : i32 to index
      %swap3A_506 = arith.constant 96 : index
      %swap3A_507 = tpu.vector_load %arg5[%swap3A_505, %swap3A_506] {strides = array<i32>} : memref<32x384xf32, #tpu.memory_space<vmem>>, vector<1x16xf32>,
      %swap3A_508 = vector.shape_cast %swap3A_507 : vector<1x16xf32> to vector<16xf32>
      %swap3A_509 = vector.shape_cast %scan3A_458 : vector<16xf32> to vector<1x16xf32>
      tpu.vector_store %arg5[%swap3A_505, %swap3A_506], %swap3A_509 {strides = array<i32>} : memref<32x384xf32, #tpu.memory_space<vmem>>, vector<1x16xf32>,
      %swap3A_510 = arith.index_cast %scan3A_451 : i32 to index
      %swap3A_511 = arith.constant 112 : index
      %swap3A_512 = tpu.vector_load %arg5[%swap3A_510, %swap3A_511] {strides = array<i32>} : memref<32x384xf32, #tpu.memory_space<vmem>>, vector<1x16xf32>,
      %swap3A_513 = vector.shape_cast %swap3A_512 : vector<1x16xf32> to vector<16xf32>
      %swap3A_514 = vector.shape_cast %scan3A_459 : vector<16xf32> to vector<1x16xf32>
      tpu.vector_store %arg5[%swap3A_510, %swap3A_511], %swap3A_514 {strides = array<i32>} : memref<32x384xf32, #tpu.memory_space<vmem>>, vector<1x16xf32>,
      %swap3A_515 = arith.index_cast %scan3A_451 : i32 to index
      %swap3A_516 = arith.constant 128 : index
      %swap3A_517 = tpu.vector_load %arg5[%swap3A_515, %swap3A_516] {strides = array<i32>} : memref<32x384xf32, #tpu.memory_space<vmem>>, vector<1x16xf32>,
      %swap3A_518 = vector.shape_cast %swap3A_517 : vector<1x16xf32> to vector<16xf32>
      %swap3A_519 = vector.shape_cast %scan3A_460 : vector<16xf32> to vector<1x16xf32>
      tpu.vector_store %arg5[%swap3A_515, %swap3A_516], %swap3A_519 {strides = array<i32>} : memref<32x384xf32, #tpu.memory_space<vmem>>, vector<1x16xf32>,
      %swap3A_520 = arith.index_cast %scan3A_451 : i32 to index
      %swap3A_521 = arith.constant 144 : index
      %swap3A_522 = tpu.vector_load %arg5[%swap3A_520, %swap3A_521] {strides = array<i32>} : memref<32x384xf32, #tpu.memory_space<vmem>>, vector<1x16xf32>,
      %swap3A_523 = vector.shape_cast %swap3A_522 : vector<1x16xf32> to vector<16xf32>
      %swap3A_524 = vector.shape_cast %scan3A_461 : vector<16xf32> to vector<1x16xf32>
      tpu.vector_store %arg5[%swap3A_520, %swap3A_521], %swap3A_524 {strides = array<i32>} : memref<32x384xf32, #tpu.memory_space<vmem>>, vector<1x16xf32>,
      %swap3A_525 = arith.index_cast %scan3A_451 : i32 to index
      %swap3A_526 = arith.constant 160 : index
      %swap3A_527 = tpu.vector_load %arg5[%swap3A_525, %swap3A_526] {strides = array<i32>} : memref<32x384xf32, #tpu.memory_space<vmem>>, vector<1x16xf32>,
      %swap3A_528 = vector.shape_cast %swap3A_527 : vector<1x16xf32> to vector<16xf32>
      %swap3A_529 = vector.shape_cast %scan3A_462 : vector<16xf32> to vector<1x16xf32>
      tpu.vector_store %arg5[%swap3A_525, %swap3A_526], %swap3A_529 {strides = array<i32>} : memref<32x384xf32, #tpu.memory_space<vmem>>, vector<1x16xf32>,
      %swap3A_530 = arith.index_cast %scan3A_451 : i32 to index
      %swap3A_531 = arith.constant 176 : index
      %swap3A_532 = tpu.vector_load %arg5[%swap3A_530, %swap3A_531] {strides = array<i32>} : memref<32x384xf32, #tpu.memory_space<vmem>>, vector<1x16xf32>,
      %swap3A_533 = vector.shape_cast %swap3A_532 : vector<1x16xf32> to vector<16xf32>
      %swap3A_534 = vector.shape_cast %scan3A_463 : vector<16xf32> to vector<1x16xf32>
      tpu.vector_store %arg5[%swap3A_530, %swap3A_531], %swap3A_534 {strides = array<i32>} : memref<32x384xf32, #tpu.memory_space<vmem>>, vector<1x16xf32>,
      %swap3A_535 = arith.index_cast %scan3A_451 : i32 to index
      %swap3A_536 = arith.constant 192 : index
      %swap3A_537 = tpu.vector_load %arg5[%swap3A_535, %swap3A_536] {strides = array<i32>} : memref<32x384xf32, #tpu.memory_space<vmem>>, vector<1x16xf32>,
      %swap3A_538 = vector.shape_cast %swap3A_537 : vector<1x16xf32> to vector<16xf32>
      %swap3A_539 = vector.shape_cast %scan3A_464 : vector<16xf32> to vector<1x16xf32>
      tpu.vector_store %arg5[%swap3A_535, %swap3A_536], %swap3A_539 {strides = array<i32>} : memref<32x384xf32, #tpu.memory_space<vmem>>, vector<1x16xf32>,
      %swap3A_540 = arith.index_cast %scan3A_451 : i32 to index
      %swap3A_541 = arith.constant 208 : index
      %swap3A_542 = tpu.vector_load %arg5[%swap3A_540, %swap3A_541] {strides = array<i32>} : memref<32x384xf32, #tpu.memory_space<vmem>>, vector<1x16xf32>,
      %swap3A_543 = vector.shape_cast %swap3A_542 : vector<1x16xf32> to vector<16xf32>
      %swap3A_544 = vector.shape_cast %scan3A_465 : vector<16xf32> to vector<1x16xf32>
      tpu.vector_store %arg5[%swap3A_540, %swap3A_541], %swap3A_544 {strides = array<i32>} : memref<32x384xf32, #tpu.memory_space<vmem>>, vector<1x16xf32>,
      %swap3A_545 = arith.index_cast %scan3A_451 : i32 to index
      %swap3A_546 = arith.constant 224 : index
      %swap3A_547 = tpu.vector_load %arg5[%swap3A_545, %swap3A_546] {strides = array<i32>} : memref<32x384xf32, #tpu.memory_space<vmem>>, vector<1x16xf32>,
      %swap3A_548 = vector.shape_cast %swap3A_547 : vector<1x16xf32> to vector<16xf32>
      %swap3A_549 = vector.shape_cast %scan3A_466 : vector<16xf32> to vector<1x16xf32>
      tpu.vector_store %arg5[%swap3A_545, %swap3A_546], %swap3A_549 {strides = array<i32>} : memref<32x384xf32, #tpu.memory_space<vmem>>, vector<1x16xf32>,
      %swap3A_550 = arith.index_cast %scan3A_451 : i32 to index
      %swap3A_551 = arith.constant 240 : index
      %swap3A_552 = tpu.vector_load %arg5[%swap3A_550, %swap3A_551] {strides = array<i32>} : memref<32x384xf32, #tpu.memory_space<vmem>>, vector<1x16xf32>,
      %swap3A_553 = vector.shape_cast %swap3A_552 : vector<1x16xf32> to vector<16xf32>
      %swap3A_554 = vector.shape_cast %scan3A_467 : vector<16xf32> to vector<1x16xf32>
      tpu.vector_store %arg5[%swap3A_550, %swap3A_551], %swap3A_554 {strides = array<i32>} : memref<32x384xf32, #tpu.memory_space<vmem>>, vector<1x16xf32>,
      %swap3A_555 = arith.index_cast %scan3A_451 : i32 to index
      %swap3A_556 = arith.constant 256 : index
      %swap3A_557 = tpu.vector_load %arg5[%swap3A_555, %swap3A_556] {strides = array<i32>} : memref<32x384xf32, #tpu.memory_space<vmem>>, vector<1x16xf32>,
      %swap3A_558 = vector.shape_cast %swap3A_557 : vector<1x16xf32> to vector<16xf32>
      %swap3A_559 = vector.shape_cast %scan3A_468 : vector<16xf32> to vector<1x16xf32>
      tpu.vector_store %arg5[%swap3A_555, %swap3A_556], %swap3A_559 {strides = array<i32>} : memref<32x384xf32, #tpu.memory_space<vmem>>, vector<1x16xf32>,
      %swap3A_560 = arith.index_cast %scan3A_451 : i32 to index
      %swap3A_561 = arith.constant 272 : index
      %swap3A_562 = tpu.vector_load %arg5[%swap3A_560, %swap3A_561] {strides = array<i32>} : memref<32x384xf32, #tpu.memory_space<vmem>>, vector<1x16xf32>,
      %swap3A_563 = vector.shape_cast %swap3A_562 : vector<1x16xf32> to vector<16xf32>
      %swap3A_564 = vector.shape_cast %scan3A_469 : vector<16xf32> to vector<1x16xf32>
      tpu.vector_store %arg5[%swap3A_560, %swap3A_561], %swap3A_564 {strides = array<i32>} : memref<32x384xf32, #tpu.memory_space<vmem>>, vector<1x16xf32>,
      %swap3A_565 = arith.index_cast %scan3A_451 : i32 to index
      %swap3A_566 = arith.constant 288 : index
      %swap3A_567 = tpu.vector_load %arg5[%swap3A_565, %swap3A_566] {strides = array<i32>} : memref<32x384xf32, #tpu.memory_space<vmem>>, vector<1x16xf32>,
      %swap3A_568 = vector.shape_cast %swap3A_567 : vector<1x16xf32> to vector<16xf32>
      %swap3A_569 = vector.shape_cast %scan3A_470 : vector<16xf32> to vector<1x16xf32>
      tpu.vector_store %arg5[%swap3A_565, %swap3A_566], %swap3A_569 {strides = array<i32>} : memref<32x384xf32, #tpu.memory_space<vmem>>, vector<1x16xf32>,
      %swap3A_570 = arith.index_cast %scan3A_451 : i32 to index
      %swap3A_571 = arith.constant 304 : index
      %swap3A_572 = tpu.vector_load %arg5[%swap3A_570, %swap3A_571] {strides = array<i32>} : memref<32x384xf32, #tpu.memory_space<vmem>>, vector<1x16xf32>,
      %swap3A_573 = vector.shape_cast %swap3A_572 : vector<1x16xf32> to vector<16xf32>
      %swap3A_574 = vector.shape_cast %scan3A_471 : vector<16xf32> to vector<1x16xf32>
      tpu.vector_store %arg5[%swap3A_570, %swap3A_571], %swap3A_574 {strides = array<i32>} : memref<32x384xf32, #tpu.memory_space<vmem>>, vector<1x16xf32>,
      %swap3A_575 = arith.index_cast %scan3A_451 : i32 to index
      %swap3A_576 = arith.constant 320 : index
      %swap3A_577 = tpu.vector_load %arg5[%swap3A_575, %swap3A_576] {strides = array<i32>} : memref<32x384xf32, #tpu.memory_space<vmem>>, vector<1x16xf32>,
      %swap3A_578 = vector.shape_cast %swap3A_577 : vector<1x16xf32> to vector<16xf32>
      %swap3A_579 = vector.shape_cast %scan3A_472 : vector<16xf32> to vector<1x16xf32>
      tpu.vector_store %arg5[%swap3A_575, %swap3A_576], %swap3A_579 {strides = array<i32>} : memref<32x384xf32, #tpu.memory_space<vmem>>, vector<1x16xf32>,
      %swap3A_580 = arith.index_cast %scan3A_451 : i32 to index
      %swap3A_581 = arith.constant 336 : index
      %swap3A_582 = tpu.vector_load %arg5[%swap3A_580, %swap3A_581] {strides = array<i32>} : memref<32x384xf32, #tpu.memory_space<vmem>>, vector<1x16xf32>,
      %swap3A_583 = vector.shape_cast %swap3A_582 : vector<1x16xf32> to vector<16xf32>
      %swap3A_584 = vector.shape_cast %scan3A_473 : vector<16xf32> to vector<1x16xf32>
      tpu.vector_store %arg5[%swap3A_580, %swap3A_581], %swap3A_584 {strides = array<i32>} : memref<32x384xf32, #tpu.memory_space<vmem>>, vector<1x16xf32>,
      %swap3A_585 = arith.index_cast %scan3A_451 : i32 to index
      %swap3A_586 = arith.constant 352 : index
      %swap3A_587 = tpu.vector_load %arg5[%swap3A_585, %swap3A_586] {strides = array<i32>} : memref<32x384xf32, #tpu.memory_space<vmem>>, vector<1x16xf32>,
      %swap3A_588 = vector.shape_cast %swap3A_587 : vector<1x16xf32> to vector<16xf32>
      %swap3A_589 = vector.shape_cast %scan3A_474 : vector<16xf32> to vector<1x16xf32>
      tpu.vector_store %arg5[%swap3A_585, %swap3A_586], %swap3A_589 {strides = array<i32>} : memref<32x384xf32, #tpu.memory_space<vmem>>, vector<1x16xf32>,
      %swap3A_590 = arith.index_cast %scan3A_451 : i32 to index
      %swap3A_591 = arith.constant 368 : index
      %swap3A_592 = tpu.vector_load %arg5[%swap3A_590, %swap3A_591] {strides = array<i32>} : memref<32x384xf32, #tpu.memory_space<vmem>>, vector<1x16xf32>,
      %swap3A_593 = vector.shape_cast %swap3A_592 : vector<1x16xf32> to vector<16xf32>
      %swap3A_594 = vector.shape_cast %scan3A_475 : vector<16xf32> to vector<1x16xf32>
      tpu.vector_store %arg5[%swap3A_590, %swap3A_591], %swap3A_594 {strides = array<i32>} : memref<32x384xf32, #tpu.memory_space<vmem>>, vector<1x16xf32>,
      %add3A_595 = arith.constant 96 : i32
      %add3A_596 = arith.addi %mul3A_32, %add3A_595 : i32
      %add3A_597 = arith.addi %add3A_596, %scan3A_451 : i32
      %add3A_598 = arith.constant 125 : i32
      %add3A_599 = arith.addi %add3A_597, %add3A_598 : i32
      %add3A_600 = arith.constant 1 : i32
      %add3A_601 = arith.addi %add3A_599, %add3A_600 : i32
      %min3A_602 = arith.constant 250 : i32
      %min3A_603 = arith.minsi %min3A_602, %add3A_601 : i32
      %sub3A_604 = arith.constant 1922 : i32
      %sub3A_605 = arith.subi %add3A_597, %sub3A_604 : i32
      %max3A_606 = arith.constant 0 : i32
      %max3A_607 = arith.maxsi %max3A_606, %sub3A_605 : i32
      %get3A_608 = arith.index_cast %min3A_603 : i32 to index
      %get3A_609 = arith.constant 0 : index
      %get3A_610 = tpu.vector_load %arg4[%get3A_608, %get3A_609] {strides = array<i32>} : memref<251x384xf32, #tpu.memory_space<vmem>>, vector<1x16xf32>,
      %get3A_611 = vector.shape_cast %get3A_610 : vector<1x16xf32> to vector<16xf32>
      %add3A_612 = arith.addf %scan3A_452, %get3A_611 : vector<16xf32>
      %get3A_613 = arith.index_cast %max3A_607 : i32 to index
      %get3A_614 = arith.constant 0 : index
      %get3A_615 = tpu.vector_load %arg4[%get3A_613, %get3A_614] {strides = array<i32>} : memref<251x384xf32, #tpu.memory_space<vmem>>, vector<1x16xf32>,
      %get3A_616 = vector.shape_cast %get3A_615 : vector<1x16xf32> to vector<16xf32>
      %sub3A_617 = arith.subf %add3A_612, %get3A_616 : vector<16xf32>
      %get3A_618 = arith.index_cast %min3A_603 : i32 to index
      %get3A_619 = arith.constant 16 : index
      %get3A_620 = tpu.vector_load %arg4[%get3A_618, %get3A_619] {strides = array<i32>} : memref<251x384xf32, #tpu.memory_space<vmem>>, vector<1x16xf32>,
      %get3A_621 = vector.shape_cast %get3A_620 : vector<1x16xf32> to vector<16xf32>
      %add3A_622 = arith.addf %scan3A_453, %get3A_621 : vector<16xf32>
      %get3A_623 = arith.index_cast %max3A_607 : i32 to index
      %get3A_624 = arith.constant 16 : index
      %get3A_625 = tpu.vector_load %arg4[%get3A_623, %get3A_624] {strides = array<i32>} : memref<251x384xf32, #tpu.memory_space<vmem>>, vector<1x16xf32>,
      %get3A_626 = vector.shape_cast %get3A_625 : vector<1x16xf32> to vector<16xf32>
      %sub3A_627 = arith.subf %add3A_622, %get3A_626 : vector<16xf32>
      %get3A_628 = arith.index_cast %min3A_603 : i32 to index
      %get3A_629 = arith.constant 32 : index
      %get3A_630 = tpu.vector_load %arg4[%get3A_628, %get3A_629] {strides = array<i32>} : memref<251x384xf32, #tpu.memory_space<vmem>>, vector<1x16xf32>,
      %get3A_631 = vector.shape_cast %get3A_630 : vector<1x16xf32> to vector<16xf32>
      %add3A_632 = arith.addf %scan3A_454, %get3A_631 : vector<16xf32>
      %get3A_633 = arith.index_cast %max3A_607 : i32 to index
      %get3A_634 = arith.constant 32 : index
      %get3A_635 = tpu.vector_load %arg4[%get3A_633, %get3A_634] {strides = array<i32>} : memref<251x384xf32, #tpu.memory_space<vmem>>, vector<1x16xf32>,
      %get3A_636 = vector.shape_cast %get3A_635 : vector<1x16xf32> to vector<16xf32>
      %sub3A_637 = arith.subf %add3A_632, %get3A_636 : vector<16xf32>
      %get3A_638 = arith.index_cast %min3A_603 : i32 to index
      %get3A_639 = arith.constant 48 : index
      %get3A_640 = tpu.vector_load %arg4[%get3A_638, %get3A_639] {strides = array<i32>} : memref<251x384xf32, #tpu.memory_space<vmem>>, vector<1x16xf32>,
      %get3A_641 = vector.shape_cast %get3A_640 : vector<1x16xf32> to vector<16xf32>
      %add3A_642 = arith.addf %scan3A_455, %get3A_641 : vector<16xf32>
      %get3A_643 = arith.index_cast %max3A_607 : i32 to index
      %get3A_644 = arith.constant 48 : index
      %get3A_645 = tpu.vector_load %arg4[%get3A_643, %get3A_644] {strides = array<i32>} : memref<251x384xf32, #tpu.memory_space<vmem>>, vector<1x16xf32>,
      %get3A_646 = vector.shape_cast %get3A_645 : vector<1x16xf32> to vector<16xf32>
      %sub3A_647 = arith.subf %add3A_642, %get3A_646 : vector<16xf32>
      %get3A_648 = arith.index_cast %min3A_603 : i32 to index
      %get3A_649 = arith.constant 64 : index
      %get3A_650 = tpu.vector_load %arg4[%get3A_648, %get3A_649] {strides = array<i32>} : memref<251x384xf32, #tpu.memory_space<vmem>>, vector<1x16xf32>,
      %get3A_651 = vector.shape_cast %get3A_650 : vector<1x16xf32> to vector<16xf32>
      %add3A_652 = arith.addf %scan3A_456, %get3A_651 : vector<16xf32>
      %get3A_653 = arith.index_cast %max3A_607 : i32 to index
      %get3A_654 = arith.constant 64 : index
      %get3A_655 = tpu.vector_load %arg4[%get3A_653, %get3A_654] {strides = array<i32>} : memref<251x384xf32, #tpu.memory_space<vmem>>, vector<1x16xf32>,
      %get3A_656 = vector.shape_cast %get3A_655 : vector<1x16xf32> to vector<16xf32>
      %sub3A_657 = arith.subf %add3A_652, %get3A_656 : vector<16xf32>
      %get3A_658 = arith.index_cast %min3A_603 : i32 to index
      %get3A_659 = arith.constant 80 : index
      %get3A_660 = tpu.vector_load %arg4[%get3A_658, %get3A_659] {strides = array<i32>} : memref<251x384xf32, #tpu.memory_space<vmem>>, vector<1x16xf32>,
      %get3A_661 = vector.shape_cast %get3A_660 : vector<1x16xf32> to vector<16xf32>
      %add3A_662 = arith.addf %scan3A_457, %get3A_661 : vector<16xf32>
      %get3A_663 = arith.index_cast %max3A_607 : i32 to index
      %get3A_664 = arith.constant 80 : index
      %get3A_665 = tpu.vector_load %arg4[%get3A_663, %get3A_664] {strides = array<i32>} : memref<251x384xf32, #tpu.memory_space<vmem>>, vector<1x16xf32>,
      %get3A_666 = vector.shape_cast %get3A_665 : vector<1x16xf32> to vector<16xf32>
      %sub3A_667 = arith.subf %add3A_662, %get3A_666 : vector<16xf32>
      %get3A_668 = arith.index_cast %min3A_603 : i32 to index
      %get3A_669 = arith.constant 96 : index
      %get3A_670 = tpu.vector_load %arg4[%get3A_668, %get3A_669] {strides = array<i32>} : memref<251x384xf32, #tpu.memory_space<vmem>>, vector<1x16xf32>,
      %get3A_671 = vector.shape_cast %get3A_670 : vector<1x16xf32> to vector<16xf32>
      %add3A_672 = arith.addf %scan3A_458, %get3A_671 : vector<16xf32>
      %get3A_673 = arith.index_cast %max3A_607 : i32 to index
      %get3A_674 = arith.constant 96 : index
      %get3A_675 = tpu.vector_load %arg4[%get3A_673, %get3A_674] {strides = array<i32>} : memref<251x384xf32, #tpu.memory_space<vmem>>, vector<1x16xf32>,
      %get3A_676 = vector.shape_cast %get3A_675 : vector<1x16xf32> to vector<16xf32>
      %sub3A_677 = arith.subf %add3A_672, %get3A_676 : vector<16xf32>
      %get3A_678 = arith.index_cast %min3A_603 : i32 to index
      %get3A_679 = arith.constant 112 : index
      %get3A_680 = tpu.vector_load %arg4[%get3A_678, %get3A_679] {strides = array<i32>} : memref<251x384xf32, #tpu.memory_space<vmem>>, vector<1x16xf32>,
      %get3A_681 = vector.shape_cast %get3A_680 : vector<1x16xf32> to vector<16xf32>
      %add3A_682 = arith.addf %scan3A_459, %get3A_681 : vector<16xf32>
      %get3A_683 = arith.index_cast %max3A_607 : i32 to index
      %get3A_684 = arith.constant 112 : index
      %get3A_685 = tpu.vector_load %arg4[%get3A_683, %get3A_684] {strides = array<i32>} : memref<251x384xf32, #tpu.memory_space<vmem>>, vector<1x16xf32>,
      %get3A_686 = vector.shape_cast %get3A_685 : vector<1x16xf32> to vector<16xf32>
      %sub3A_687 = arith.subf %add3A_682, %get3A_686 : vector<16xf32>
      %get3A_688 = arith.index_cast %min3A_603 : i32 to index
      %get3A_689 = arith.constant 128 : index
      %get3A_690 = tpu.vector_load %arg4[%get3A_688, %get3A_689] {strides = array<i32>} : memref<251x384xf32, #tpu.memory_space<vmem>>, vector<1x16xf32>,
      %get3A_691 = vector.shape_cast %get3A_690 : vector<1x16xf32> to vector<16xf32>
      %add3A_692 = arith.addf %scan3A_460, %get3A_691 : vector<16xf32>
      %get3A_693 = arith.index_cast %max3A_607 : i32 to index
      %get3A_694 = arith.constant 128 : index
      %get3A_695 = tpu.vector_load %arg4[%get3A_693, %get3A_694] {strides = array<i32>} : memref<251x384xf32, #tpu.memory_space<vmem>>, vector<1x16xf32>,
      %get3A_696 = vector.shape_cast %get3A_695 : vector<1x16xf32> to vector<16xf32>
      %sub3A_697 = arith.subf %add3A_692, %get3A_696 : vector<16xf32>
      %get3A_698 = arith.index_cast %min3A_603 : i32 to index
      %get3A_699 = arith.constant 144 : index
      %get3A_700 = tpu.vector_load %arg4[%get3A_698, %get3A_699] {strides = array<i32>} : memref<251x384xf32, #tpu.memory_space<vmem>>, vector<1x16xf32>,
      %get3A_701 = vector.shape_cast %get3A_700 : vector<1x16xf32> to vector<16xf32>
      %add3A_702 = arith.addf %scan3A_461, %get3A_701 : vector<16xf32>
      %get3A_703 = arith.index_cast %max3A_607 : i32 to index
      %get3A_704 = arith.constant 144 : index
      %get3A_705 = tpu.vector_load %arg4[%get3A_703, %get3A_704] {strides = array<i32>} : memref<251x384xf32, #tpu.memory_space<vmem>>, vector<1x16xf32>,
      %get3A_706 = vector.shape_cast %get3A_705 : vector<1x16xf32> to vector<16xf32>
      %sub3A_707 = arith.subf %add3A_702, %get3A_706 : vector<16xf32>
      %get3A_708 = arith.index_cast %min3A_603 : i32 to index
      %get3A_709 = arith.constant 160 : index
      %get3A_710 = tpu.vector_load %arg4[%get3A_708, %get3A_709] {strides = array<i32>} : memref<251x384xf32, #tpu.memory_space<vmem>>, vector<1x16xf32>,
      %get3A_711 = vector.shape_cast %get3A_710 : vector<1x16xf32> to vector<16xf32>
      %add3A_712 = arith.addf %scan3A_462, %get3A_711 : vector<16xf32>
      %get3A_713 = arith.index_cast %max3A_607 : i32 to index
      %get3A_714 = arith.constant 160 : index
      %get3A_715 = tpu.vector_load %arg4[%get3A_713, %get3A_714] {strides = array<i32>} : memref<251x384xf32, #tpu.memory_space<vmem>>, vector<1x16xf32>,
      %get3A_716 = vector.shape_cast %get3A_715 : vector<1x16xf32> to vector<16xf32>
      %sub3A_717 = arith.subf %add3A_712, %get3A_716 : vector<16xf32>
      %get3A_718 = arith.index_cast %min3A_603 : i32 to index
      %get3A_719 = arith.constant 176 : index
      %get3A_720 = tpu.vector_load %arg4[%get3A_718, %get3A_719] {strides = array<i32>} : memref<251x384xf32, #tpu.memory_space<vmem>>, vector<1x16xf32>,
      %get3A_721 = vector.shape_cast %get3A_720 : vector<1x16xf32> to vector<16xf32>
      %add3A_722 = arith.addf %scan3A_463, %get3A_721 : vector<16xf32>
      %get3A_723 = arith.index_cast %max3A_607 : i32 to index
      %get3A_724 = arith.constant 176 : index
      %get3A_725 = tpu.vector_load %arg4[%get3A_723, %get3A_724] {strides = array<i32>} : memref<251x384xf32, #tpu.memory_space<vmem>>, vector<1x16xf32>,
      %get3A_726 = vector.shape_cast %get3A_725 : vector<1x16xf32> to vector<16xf32>
      %sub3A_727 = arith.subf %add3A_722, %get3A_726 : vector<16xf32>
      %get3A_728 = arith.index_cast %min3A_603 : i32 to index
      %get3A_729 = arith.constant 192 : index
      %get3A_730 = tpu.vector_load %arg4[%get3A_728, %get3A_729] {strides = array<i32>} : memref<251x384xf32, #tpu.memory_space<vmem>>, vector<1x16xf32>,
      %get3A_731 = vector.shape_cast %get3A_730 : vector<1x16xf32> to vector<16xf32>
      %add3A_732 = arith.addf %scan3A_464, %get3A_731 : vector<16xf32>
      %get3A_733 = arith.index_cast %max3A_607 : i32 to index
      %get3A_734 = arith.constant 192 : index
      %get3A_735 = tpu.vector_load %arg4[%get3A_733, %get3A_734] {strides = array<i32>} : memref<251x384xf32, #tpu.memory_space<vmem>>, vector<1x16xf32>,
      %get3A_736 = vector.shape_cast %get3A_735 : vector<1x16xf32> to vector<16xf32>
      %sub3A_737 = arith.subf %add3A_732, %get3A_736 : vector<16xf32>
      %get3A_738 = arith.index_cast %min3A_603 : i32 to index
      %get3A_739 = arith.constant 208 : index
      %get3A_740 = tpu.vector_load %arg4[%get3A_738, %get3A_739] {strides = array<i32>} : memref<251x384xf32, #tpu.memory_space<vmem>>, vector<1x16xf32>,
      %get3A_741 = vector.shape_cast %get3A_740 : vector<1x16xf32> to vector<16xf32>
      %add3A_742 = arith.addf %scan3A_465, %get3A_741 : vector<16xf32>
      %get3A_743 = arith.index_cast %max3A_607 : i32 to index
      %get3A_744 = arith.constant 208 : index
      %get3A_745 = tpu.vector_load %arg4[%get3A_743, %get3A_744] {strides = array<i32>} : memref<251x384xf32, #tpu.memory_space<vmem>>, vector<1x16xf32>,
      %get3A_746 = vector.shape_cast %get3A_745 : vector<1x16xf32> to vector<16xf32>
      %sub3A_747 = arith.subf %add3A_742, %get3A_746 : vector<16xf32>
      %get3A_748 = arith.index_cast %min3A_603 : i32 to index
      %get3A_749 = arith.constant 224 : index
      %get3A_750 = tpu.vector_load %arg4[%get3A_748, %get3A_749] {strides = array<i32>} : memref<251x384xf32, #tpu.memory_space<vmem>>, vector<1x16xf32>,
      %get3A_751 = vector.shape_cast %get3A_750 : vector<1x16xf32> to vector<16xf32>
      %add3A_752 = arith.addf %scan3A_466, %get3A_751 : vector<16xf32>
      %get3A_753 = arith.index_cast %max3A_607 : i32 to index
      %get3A_754 = arith.constant 224 : index
      %get3A_755 = tpu.vector_load %arg4[%get3A_753, %get3A_754] {strides = array<i32>} : memref<251x384xf32, #tpu.memory_space<vmem>>, vector<1x16xf32>,
      %get3A_756 = vector.shape_cast %get3A_755 : vector<1x16xf32> to vector<16xf32>
      %sub3A_757 = arith.subf %add3A_752, %get3A_756 : vector<16xf32>
      %get3A_758 = arith.index_cast %min3A_603 : i32 to index
      %get3A_759 = arith.constant 240 : index
      %get3A_760 = tpu.vector_load %arg4[%get3A_758, %get3A_759] {strides = array<i32>} : memref<251x384xf32, #tpu.memory_space<vmem>>, vector<1x16xf32>,
      %get3A_761 = vector.shape_cast %get3A_760 : vector<1x16xf32> to vector<16xf32>
      %add3A_762 = arith.addf %scan3A_467, %get3A_761 : vector<16xf32>
      %get3A_763 = arith.index_cast %max3A_607 : i32 to index
      %get3A_764 = arith.constant 240 : index
      %get3A_765 = tpu.vector_load %arg4[%get3A_763, %get3A_764] {strides = array<i32>} : memref<251x384xf32, #tpu.memory_space<vmem>>, vector<1x16xf32>,
      %get3A_766 = vector.shape_cast %get3A_765 : vector<1x16xf32> to vector<16xf32>
      %sub3A_767 = arith.subf %add3A_762, %get3A_766 : vector<16xf32>
      %get3A_768 = arith.index_cast %min3A_603 : i32 to index
      %get3A_769 = arith.constant 256 : index
      %get3A_770 = tpu.vector_load %arg4[%get3A_768, %get3A_769] {strides = array<i32>} : memref<251x384xf32, #tpu.memory_space<vmem>>, vector<1x16xf32>,
      %get3A_771 = vector.shape_cast %get3A_770 : vector<1x16xf32> to vector<16xf32>
      %add3A_772 = arith.addf %scan3A_468, %get3A_771 : vector<16xf32>
      %get3A_773 = arith.index_cast %max3A_607 : i32 to index
      %get3A_774 = arith.constant 256 : index
      %get3A_775 = tpu.vector_load %arg4[%get3A_773, %get3A_774] {strides = array<i32>} : memref<251x384xf32, #tpu.memory_space<vmem>>, vector<1x16xf32>,
      %get3A_776 = vector.shape_cast %get3A_775 : vector<1x16xf32> to vector<16xf32>
      %sub3A_777 = arith.subf %add3A_772, %get3A_776 : vector<16xf32>
      %get3A_778 = arith.index_cast %min3A_603 : i32 to index
      %get3A_779 = arith.constant 272 : index
      %get3A_780 = tpu.vector_load %arg4[%get3A_778, %get3A_779] {strides = array<i32>} : memref<251x384xf32, #tpu.memory_space<vmem>>, vector<1x16xf32>,
      %get3A_781 = vector.shape_cast %get3A_780 : vector<1x16xf32> to vector<16xf32>
      %add3A_782 = arith.addf %scan3A_469, %get3A_781 : vector<16xf32>
      %get3A_783 = arith.index_cast %max3A_607 : i32 to index
      %get3A_784 = arith.constant 272 : index
      %get3A_785 = tpu.vector_load %arg4[%get3A_783, %get3A_784] {strides = array<i32>} : memref<251x384xf32, #tpu.memory_space<vmem>>, vector<1x16xf32>,
      %get3A_786 = vector.shape_cast %get3A_785 : vector<1x16xf32> to vector<16xf32>
      %sub3A_787 = arith.subf %add3A_782, %get3A_786 : vector<16xf32>
      %get3A_788 = arith.index_cast %min3A_603 : i32 to index
      %get3A_789 = arith.constant 288 : index
      %get3A_790 = tpu.vector_load %arg4[%get3A_788, %get3A_789] {strides = array<i32>} : memref<251x384xf32, #tpu.memory_space<vmem>>, vector<1x16xf32>,
      %get3A_791 = vector.shape_cast %get3A_790 : vector<1x16xf32> to vector<16xf32>
      %add3A_792 = arith.addf %scan3A_470, %get3A_791 : vector<16xf32>
      %get3A_793 = arith.index_cast %max3A_607 : i32 to index
      %get3A_794 = arith.constant 288 : index
      %get3A_795 = tpu.vector_load %arg4[%get3A_793, %get3A_794] {strides = array<i32>} : memref<251x384xf32, #tpu.memory_space<vmem>>, vector<1x16xf32>,
      %get3A_796 = vector.shape_cast %get3A_795 : vector<1x16xf32> to vector<16xf32>
      %sub3A_797 = arith.subf %add3A_792, %get3A_796 : vector<16xf32>
      %get3A_798 = arith.index_cast %min3A_603 : i32 to index
      %get3A_799 = arith.constant 304 : index
      %get3A_800 = tpu.vector_load %arg4[%get3A_798, %get3A_799] {strides = array<i32>} : memref<251x384xf32, #tpu.memory_space<vmem>>, vector<1x16xf32>,
      %get3A_801 = vector.shape_cast %get3A_800 : vector<1x16xf32> to vector<16xf32>
      %add3A_802 = arith.addf %scan3A_471, %get3A_801 : vector<16xf32>
      %get3A_803 = arith.index_cast %max3A_607 : i32 to index
      %get3A_804 = arith.constant 304 : index
      %get3A_805 = tpu.vector_load %arg4[%get3A_803, %get3A_804] {strides = array<i32>} : memref<251x384xf32, #tpu.memory_space<vmem>>, vector<1x16xf32>,
      %get3A_806 = vector.shape_cast %get3A_805 : vector<1x16xf32> to vector<16xf32>
      %sub3A_807 = arith.subf %add3A_802, %get3A_806 : vector<16xf32>
      %get3A_808 = arith.index_cast %min3A_603 : i32 to index
      %get3A_809 = arith.constant 320 : index
      %get3A_810 = tpu.vector_load %arg4[%get3A_808, %get3A_809] {strides = array<i32>} : memref<251x384xf32, #tpu.memory_space<vmem>>, vector<1x16xf32>,
      %get3A_811 = vector.shape_cast %get3A_810 : vector<1x16xf32> to vector<16xf32>
      %add3A_812 = arith.addf %scan3A_472, %get3A_811 : vector<16xf32>
      %get3A_813 = arith.index_cast %max3A_607 : i32 to index
      %get3A_814 = arith.constant 320 : index
      %get3A_815 = tpu.vector_load %arg4[%get3A_813, %get3A_814] {strides = array<i32>} : memref<251x384xf32, #tpu.memory_space<vmem>>, vector<1x16xf32>,
      %get3A_816 = vector.shape_cast %get3A_815 : vector<1x16xf32> to vector<16xf32>
      %sub3A_817 = arith.subf %add3A_812, %get3A_816 : vector<16xf32>
      %get3A_818 = arith.index_cast %min3A_603 : i32 to index
      %get3A_819 = arith.constant 336 : index
      %get3A_820 = tpu.vector_load %arg4[%get3A_818, %get3A_819] {strides = array<i32>} : memref<251x384xf32, #tpu.memory_space<vmem>>, vector<1x16xf32>,
      %get3A_821 = vector.shape_cast %get3A_820 : vector<1x16xf32> to vector<16xf32>
      %add3A_822 = arith.addf %scan3A_473, %get3A_821 : vector<16xf32>
      %get3A_823 = arith.index_cast %max3A_607 : i32 to index
      %get3A_824 = arith.constant 336 : index
      %get3A_825 = tpu.vector_load %arg4[%get3A_823, %get3A_824] {strides = array<i32>} : memref<251x384xf32, #tpu.memory_space<vmem>>, vector<1x16xf32>,
      %get3A_826 = vector.shape_cast %get3A_825 : vector<1x16xf32> to vector<16xf32>
      %sub3A_827 = arith.subf %add3A_822, %get3A_826 : vector<16xf32>
      %get3A_828 = arith.index_cast %min3A_603 : i32 to index
      %get3A_829 = arith.constant 352 : index
      %get3A_830 = tpu.vector_load %arg4[%get3A_828, %get3A_829] {strides = array<i32>} : memref<251x384xf32, #tpu.memory_space<vmem>>, vector<1x16xf32>,
      %get3A_831 = vector.shape_cast %get3A_830 : vector<1x16xf32> to vector<16xf32>
      %add3A_832 = arith.addf %scan3A_474, %get3A_831 : vector<16xf32>
      %get3A_833 = arith.index_cast %max3A_607 : i32 to index
      %get3A_834 = arith.constant 352 : index
      %get3A_835 = tpu.vector_load %arg4[%get3A_833, %get3A_834] {strides = array<i32>} : memref<251x384xf32, #tpu.memory_space<vmem>>, vector<1x16xf32>,
      %get3A_836 = vector.shape_cast %get3A_835 : vector<1x16xf32> to vector<16xf32>
      %sub3A_837 = arith.subf %add3A_832, %get3A_836 : vector<16xf32>
      %get3A_838 = arith.index_cast %min3A_603 : i32 to index
      %get3A_839 = arith.constant 368 : index
      %get3A_840 = tpu.vector_load %arg4[%get3A_838, %get3A_839] {strides = array<i32>} : memref<251x384xf32, #tpu.memory_space<vmem>>, vector<1x16xf32>,
      %get3A_841 = vector.shape_cast %get3A_840 : vector<1x16xf32> to vector<16xf32>
      %add3A_842 = arith.addf %scan3A_475, %get3A_841 : vector<16xf32>
      %get3A_843 = arith.index_cast %max3A_607 : i32 to index
      %get3A_844 = arith.constant 368 : index
      %get3A_845 = tpu.vector_load %arg4[%get3A_843, %get3A_844] {strides = array<i32>} : memref<251x384xf32, #tpu.memory_space<vmem>>, vector<1x16xf32>,
      %get3A_846 = vector.shape_cast %get3A_845 : vector<1x16xf32> to vector<16xf32>
      %sub3A_847 = arith.subf %add3A_842, %get3A_846 : vector<16xf32>
      scf.yield %sub3A_617, %sub3A_627, %sub3A_637, %sub3A_647, %sub3A_657, %sub3A_667, %sub3A_677, %sub3A_687, %sub3A_697, %sub3A_707, %sub3A_717, %sub3A_727, %sub3A_737, %sub3A_747, %sub3A_757, %sub3A_767, %sub3A_777, %sub3A_787, %sub3A_797, %sub3A_807, %sub3A_817, %sub3A_827, %sub3A_837, %sub3A_847 : vector<16xf32>, vector<16xf32>, vector<16xf32>, vector<16xf32>, vector<16xf32>, vector<16xf32>, vector<16xf32>, vector<16xf32>, vector<16xf32>, vector<16xf32>, vector<16xf32>, vector<16xf32>, vector<16xf32>, vector<16xf32>, vector<16xf32>, vector<16xf32>, vector<16xf32>, vector<16xf32>, vector<16xf32>, vector<16xf32>, vector<16xf32>, vector<16xf32>, vector<16xf32>, vector<16xf32>
    }
    %scan3A_448 = arith.constant 32 : i32
    %add3A_449 = arith.constant 96 : i32
    %add3A_450 = arith.addi %mul3A_32, %add3A_449 : i32
    "tpu.region"() ({
      %run_scoped3A = tpu.sem_alloc : memref<!tpu.dma_semaphore, #tpu.memory_space<semaphore_mem>>
      %dma_start3A = tpu.memref_slice %arg3[%add3A_450, %mul3A_34] : memref<2048x768xf32, #tpu.memory_space<hbm>> -> memref<32x384xf32, #tpu.memory_space<hbm>>
      %dma_start3A_451 = tpu.memref_slice %arg3[%add3A_450, %mul3A_34] : memref<2048x768xf32, #tpu.memory_space<hbm>> -> memref<32x384xf32, #tpu.memory_space<hbm>>
      tpu.enqueue_dma source(%arg5 : memref<32x384xf32, #tpu.memory_space<vmem>>) target(%dma_start3A_451 : memref<32x384xf32, #tpu.memory_space<hbm>>) target_semaphore(%run_scoped3A : memref<!tpu.dma_semaphore, #tpu.memory_space<semaphore_mem>>)
      %dma_wait3A = tpu.memref_slice %arg3[%add3A_450, %mul3A_34] : memref<2048x768xf32, #tpu.memory_space<hbm>> -> memref<32x384xf32, #tpu.memory_space<hbm>>
      %dma_wait3A_452 = tpu.memref_slice %arg3[%add3A_450, %mul3A_34] : memref<2048x768xf32, #tpu.memory_space<hbm>> -> memref<32x384xf32, #tpu.memory_space<hbm>>
      tpu.wait_dma2 semaphore(%run_scoped3A : memref<!tpu.dma_semaphore, #tpu.memory_space<semaphore_mem>>) src(%arg5 : memref<32x384xf32, #tpu.memory_space<vmem>>) dst(%dma_wait3A_452 : memref<32x384xf32, #tpu.memory_space<hbm>>)
      tpu.yield
    }) : () -> ()
    return
  }
}

module attributes {stable_mosaic.version = 14 : i64} {
  func.func @_tc_add_body(%arg0: i32, %arg1: memref<2x1024x768xf32, #tpu.memory_space<vmem>>, %arg2: memref<1024x768xf32, #tpu.memory_space<vmem>>, %arg3: memref<2x1024x768xf32, #tpu.memory_space<vmem>>) attributes {dimension_semantics = [#tpu.dimension_semantics<arbitrary>], iteration_bounds = array<i64: 2>, scalar_prefetch = 0 : i64, scratch_operands = 0 : i64, tpu.core_type = #tpu.core_type<tc>, window_params = [{transform_indices = @transform_0, window_bounds = array<i64: 2, 1024, 768>}, {transform_indices = @transform_1, window_bounds = array<i64: 1024, 768>}, {transform_indices = @transform_2, window_bounds = array<i64: 2, 1024, 768>}]} {
    %get3A = arith.constant 0 : index
    %get3A_0 = arith.constant 0 : index
    %get3A_1 = arith.constant 0 : index
    %get3A_2 = vector.load %arg1[%get3A, %get3A_0, %get3A_1] : memref<2x1024x768xf32, #tpu.memory_space<vmem>>, vector<2x1024x768xf32>
    %get3A_3 = arith.constant 0 : index
    %get3A_4 = arith.constant 0 : index
    %get3A_5 = vector.load %arg2[%get3A_3, %get3A_4] : memref<1024x768xf32, #tpu.memory_space<vmem>>, vector<1024x768xf32>
    %broadcast_in_dim3A = vector.shape_cast %get3A_5 : vector<1024x768xf32> to vector<1x1024x768xf32>
    %mul3A = arith.constant 4.8828125E-4 : f32
    %mul3A_6 = vector.broadcast %mul3A : f32 to vector<1x1024x768xf32>
    %mul3A_7 = arith.mulf %broadcast_in_dim3A, %mul3A_6 : vector<1x1024x768xf32>
    %add3A = vector.broadcast %mul3A_7 : vector<1x1024x768xf32> to vector<2x1024x768xf32>
    %add3A_8 = arith.addf %get3A_2, %add3A : vector<2x1024x768xf32>
    %swap3A = arith.constant 0 : index
    %swap3A_9 = arith.constant 0 : index
    %swap3A_10 = arith.constant 0 : index
    %swap3A_11 = vector.load %arg3[%swap3A, %swap3A_9, %swap3A_10] : memref<2x1024x768xf32, #tpu.memory_space<vmem>>, vector<2x1024x768xf32>
    tpu.vector_store %arg3[%swap3A, %swap3A_9, %swap3A_10], %add3A_8 {strides = array<i32>} : memref<2x1024x768xf32, #tpu.memory_space<vmem>>, vector<2x1024x768xf32>,
    return
  }
  func.func @transform_0(%arg0: i32) -> (i32, i32, i32) {
    %c0_i32 = arith.constant 0 : i32
    %c0_i32_0 = arith.constant 0 : i32
    %c0_i32_1 = arith.constant 0 : i32
    return %c0_i32, %arg0, %c0_i32_0 : i32, i32, i32
  }
  func.func @transform_1(%arg0: i32) -> (i32, i32) {
    %c0_i32 = arith.constant 0 : i32
    %c0_i32_0 = arith.constant 0 : i32
    return %arg0, %c0_i32 : i32, i32
  }
  func.func @transform_2(%arg0: i32) -> (i32, i32, i32) {
    %c0_i32 = arith.constant 0 : i32
    %c0_i32_0 = arith.constant 0 : i32
    %c0_i32_1 = arith.constant 0 : i32
    return %c0_i32, %arg0, %c0_i32_0 : i32, i32, i32
  }
}

</mosaic_0001>

<sc_bundles>
// kernel: kernel.4.cloned.1.call-start
scs
__scs_entry_jumppad:
0x0: {  	(pc) =	sbr.rel $0x88, $3  }
0x1: {  	(tag) =	ssettag $0x0;
	lr =	simm.s32 $0x1  }
0x2: {  	[smem:$0x3F9F] =	sst lr;
	_ =	strace $0xD0000000  }
0x3: {  	_ = 	snop  }
0x4: {  	_ = 	snop  }
0x5: {  	_ = 	snop  }
0x6: {  	_ = 	snop  }
0x7: {  	_ = 	snop  }
__scs_overlays_trampoline_lowered:
0x8: {  	[smem:$0x3FAE] =	sst s0  }
0x9: {  	[smem:$0x3FAF] =	sst s1  }
0xa: {  	[smem:$0x3FB0] =	sst s2  }
0xb: {  	[smem:$0x3FB1] =	sst s3  }
0xc: {  	[smem:$0x3FB2] =	sst s4  }
0xd: {  	[smem:$0x3FB3] =	sst s5  }
0xe: {  	[smem:$0x3FB4] =	sst s6  }
0xf: {  	[smem:$0x3FB5] =	sst s7  }
0x10: {  	[smem:$0x3FB6] =	sst s8  }
0x11: {  	[smem:$0x3FB7] =	sst s9;
	s0 =	simm.s32 @!p0 $0x0  }
0x12: {  	s1 =	sld [smem:$0x3F9D];
	s0 =	simm.s32 @p0 $0x1  }
0x13: {  	[smem:$0x3FB8] =	sst s0;
	s0 =	simm.s32 @!p1 $0x0  }
0x14: {  	s2 =	sld [smem:$0x3F9C];
	s0 =	simm.s32 @p1 $0x1  }
0x15: {  	[smem:$0x3FB9] =	sst s0;
	s0 =	simm.s32 @!p2 $0x0  }
0x16: {  	s3 =	sld [smem:$0x3FDB];
	s0 =	simm.s32 @p2 $0x1  }
0x17: {  	s4 =	simm.s32 $0x1BF5;
	[smem:$0x3FBB] =	sst s0  }
0x18: {  	s0 =	sld [smem:$0x3F9E];
	_ =	swait.ge [sflag:s4], $0x0  }
0x19: {  	s7 =	sld [smem:$0x3F9F]  }
0x1a: {  	s8 =	sadd.s32 $0xFFFFE003, lr  }
0x1b: {  	s9 =	sadd.s32 $0xFFFFFEF7, lr;
	s5 =	simm.s32 $0xFFFFFFFF;
	p2 =	slt.u32 s8, $0xFFFFF086  }
0x1c: {  	p1 =	slt.u32 s9, $0xF7A;
	s5 =	simm.s32 @!p2 $0x0  }
0x1d: {  	s5 =	simm.s32 @p1 $0x1;
	p0 =	seq.s32 s7, s2  }
0x1e: {  	s7 =	smul.u32 @!p0 $0xF7A, s2;
	p2 =	seq.s32 @!p0 s5, $0x0  }
0x1f: {  	s9 =	smul.u32 $0xF7A, s1;
	s8 =	simm.s32 @!p0 $0x1BF5;
	p2 =	por !p2, p0  }
0x20: {  	[sflag:s8] =	ssyncset.s32 @!p0 $0xFFFFF086;
	s6 =	sadd.s32 @!p0 s3, s7;
	s7 =	simm.s32 @!p0 $0x108  }
0x21: {  	s3 =	sadd.s32 s3, s9;
	s6 =	sadd.s32 @!p0 $0x88, s6;
	s7 =	simm.s32 @p2 $0x1082  }
0x22: {  	[simem:s7], [sflag:s8] =	dma.local @!p0 [hbm:s6], $0xF7A  }
0x23: {  	s9 =	sor.u32 $0xD0000000, s2;
	s6 =	simm.s32 $0x108;
	_ =	swait.ge @!p0 [sflag:s8], $0x0  }
0x24: {  	s3 =	sadd.s32 $0x88, s3;
	s6 =	simm.s32 @!p1 $0x1082;
	[sflag:s4] =	ssyncset.s32 $0xFFFFF086  }
0x25: {  	[simem:s6], [sflag:s4] =	dma.local [hbm:s3], $0xF7A  }
0x26: {  	[smem:$0x3F9F] =	sst s1;
	(tag) =	ssettag s2;
	_ =	strace s9  }
0x27: {  	s1 =	sld [smem:$0x3FAF]  }
0x28: {  	s2 =	sld [smem:$0x3FB0]  }
0x29: {  	s4 =	sld [smem:$0x3FB2]  }
0x2a: {  	p0 =	seq.s32 s5, $0x0;
	s5 =	sld [smem:$0x3FB3]  }
0x2b: {  	s6 =	sld [smem:$0x3FB4]  }
0x2c: {  	s7 =	sld [smem:$0x3FB5]  }
0x2d: {  	s3 =	simm.s32 $0x108;
	s8 =	sld [smem:$0x3FB6]  }
0x2e: {  	s3 =	simm.s32 @!p0 $0x1082;
	s9 =	sld [smem:$0x3FB7]  }
0x2f: {  	lr =	sadd.s32 s0, s3;
	s0 =	sld [smem:$0x3FAE]  }
0x30: {  	s3 =	sld [smem:$0x3FB1]  }
0x31: {  	[smem:$0x3FBA] =	sst s10  }
0x32: {  	s10 =	sld [smem:$0x3FB8];
	_ =	sdelay $0x3  }
0x33: {  	p0 =	seq.s32 s10, $0x1;
	s10 =	sld [smem:$0x3FBA];
	_ =	sdelay $0x3  }
0x34: {  	[smem:$0x3FBA] =	sst s10  }
0x35: {  	s10 =	sld [smem:$0x3FB9];
	_ =	sdelay $0x3  }
0x36: {  	p1 =	seq.s32 s10, $0x1;
	s10 =	sld [smem:$0x3FBA];
	_ =	sdelay $0x3  }
0x37: {  	[smem:$0x3FBA] =	sst s10  }
0x38: {  	s10 =	sld [smem:$0x3FBB]  }
0x39: {  	_ = 	snop;
	(pc) =	sbr.ind lr, $3  }
0x3a: {  	_ = 	snop  }
0x3b: {  	_ = 	snop  }
0x3c: {  	p2 =	seq.s32 s10, $0x1;
	s10 =	sld [smem:$0x3FBA]  }
0x3d: {  	_ =	shalt  }
0x3e: {  	_ =	shalt  }
0x3f: {  	_ =	shalt  }
0x40: {  	_ =	shalt  }
0x41: {  	_ =	shalt  }
0x42: {  	_ =	shalt  }
0x43: {  	_ =	shalt  }
0x44: {  	_ =	shalt  }
0x45: {  	_ =	shalt  }
0x46: {  	_ =	shalt  }
0x47: {  	_ =	shalt  }
0x48: {  	_ =	shalt  }
0x49: {  	_ =	shalt  }
0x4a: {  	_ =	shalt  }
0x4b: {  	_ =	shalt  }
0x4c: {  	_ =	shalt  }
0x4d: {  	_ =	shalt  }
0x4e: {  	_ =	shalt  }
0x4f: {  	_ =	shalt  }
0x50: {  	_ =	shalt  }
0x51: {  	_ =	shalt  }
0x52: {  	_ =	shalt  }
0x53: {  	_ =	shalt  }
0x54: {  	_ =	shalt  }
0x55: {  	_ =	shalt  }
0x56: {  	_ =	shalt  }
0x57: {  	_ =	shalt  }
0x58: {  	_ =	shalt  }
0x59: {  	_ =	shalt  }
0x5a: {  	_ =	shalt  }
0x5b: {  	_ =	shalt  }
0x5c: {  	_ =	shalt  }
0x5d: {  	_ =	shalt  }
0x5e: {  	_ =	shalt  }
0x5f: {  	_ =	shalt  }
0x60: {  	_ =	shalt  }
0x61: {  	_ =	shalt  }
0x62: {  	_ =	shalt  }
0x63: {  	_ =	shalt  }
0x64: {  	_ =	shalt  }
0x65: {  	_ =	shalt  }
0x66: {  	_ =	shalt  }
0x67: {  	_ =	shalt  }
0x68: {  	_ =	shalt  }
0x69: {  	_ =	shalt  }
0x6a: {  	_ =	shalt  }
0x6b: {  	_ =	shalt  }
0x6c: {  	_ =	shalt  }
0x6d: {  	_ =	shalt  }
0x6e: {  	_ =	shalt  }
0x6f: {  	_ =	shalt  }
0x70: {  	_ =	shalt  }
0x71: {  	_ =	shalt  }
0x72: {  	_ =	shalt  }
0x73: {  	_ =	shalt  }
0x74: {  	_ =	shalt  }
0x75: {  	_ =	shalt  }
0x76: {  	_ =	shalt  }
0x77: {  	_ =	shalt  }
0x78: {  	_ =	shalt  }
0x79: {  	_ =	shalt  }
0x7a: {  	_ =	shalt  }
0x7b: {  	_ =	shalt  }
0x7c: {  	_ =	shalt  }
0x7d: {  	_ =	shalt  }
0x7e: {  	_ =	shalt  }
0x7f: {  	_ =	shalt  }
0x80: {  	_ =	shalt  }
0x81: {  	_ =	shalt  }
0x82: {  	_ =	shalt  }
0x83: {  	_ =	shalt  }
0x84: {  	_ =	shalt  }
0x85: {  	_ =	shalt  }
0x86: {  	_ =	shalt  }
0x87: {  	_ =	shalt  }
.Lfunc_end0:
.L_simem_size_0:
called_computation_lowered:
.L_overlay_start_0:
0x88: {  	s2 =	sld [smem:$0x3FD9]  }
0x89: {  	s3 =	sld [smem:$0x3FFE];
	_ =	sdelay $0x1  }
0x8a: {  	s1 =	srdreg.scid  }
0x8b: {  	s0 =	sand.u32 $0x1, s1  }
0x8c: {  	s18 =	sshll.u32 s0, $0xA;
	s2 =	sadd.s32 s3, s2  }
0x8d: {  	s2 =	sadd.s32 s2, s18  }
0x8e: {  	[smem:$0x3FC6] =	sst s2  }
0x8f: {  	_ = 	snop  }
0x90: {  	s2 =	sld [smem:$0x3FC8]  }
0x91: {  	s19 =	sld [smem:$0x3FD0];
	(tm) =	ssettm $0x1  }
0x92: {  	s4 =	sld [smem:$0x3FFB];
	_ =	sdelay $0x3  }
0x93: {  	_ =	strace s4  }
0x94: {  	s4 =	sld [smem:$0x3FFC];
	_ =	sdelay $0x3  }
0x95: {  	_ =	strace s4  }
0x96: {  	s4 =	sld [smem:$0x3FFD];
	_ =	sdelay $0x3  }
0x97: {  	_ =	strace s4  }
0x98: {  	_ =	strace $0x8FFFFFFF  }
0x99: {  	s20 =	sld [smem:$0x3FDB];
	_ =	sdelay $0x1  }
0x9a: {  	s5 =	simm.s32 $_scs_section_size  }
0x9b: {  	s6 =	simm.s32 $_size__tile_overlayer_lowered;
	s7 =	simm.s32 $_tile_overlayer_lowered  }
0x9c: {  	s23 =	simm.s32 $0x1BFF;
	s22 =	sshll.u32 s7, $0x1;
	s4 =	sadd.s32 s5, s20  }
0x9d: {  	s8 =	simm.s32 $0x0;
	s21 =	sshll.u32 s6, $0x1;
	s6 =	sadd.s32 s22, s4  }
0x9e: {  	[timem:s8], [sflag:s23] =	dma.local [hbm:s6], s21  }
0x9f: {  	_ =	swait.ge [sflag:s23], s21  }
0xa0: {  	s5 =	ssub.s32 $0x0, s21;
	[sflag:s23] =	ssyncset.done $0x0  }
0xa1: {  	[sflag:s23] =	ssyncadd.s32 s5;
	_ =	sdelay $0x1  }
0xa2: {  	s24 =	simm.s32 $0x1B8B  }
0xa3: {  	_ =	swait.ge [sflag:s24], $0x1  }
0xa4: {  	[sflag:s24] =	ssyncset.done $0x0  }
0xa5: {  	s25 =	simm.s32 $0x1B8E;
	[sflag:s24] =	ssyncadd.s32 $0xFFFFFFFF  }
0xa6: {  	s26 =	simm.s32 $execute0_lowered;
	[smem:$0x3FD2] =	sst s25  }
0xa7: {  	s5 =	sshll.u32 s26, $0x1;
	_ =	strace $0x80000046;
	[dreg:$0x1] =	wrdreg $0xFFFFFFFF  }
0xa8: {  	s28 =	simm.s32 $_size_execute0_lowered;
	s4 =	sadd.s32 s4, s5;
	[dreg:$0x0] =	wrdreg $0x0  }
0xa9: {  	s5 =	sshll.u32 s28, $0x1;
	[dreg:$0x2] =	wrdreg s4  }
0xaa: {  	[dreg:$0x3] =	wrdreg s5  }
0xab: {  	[dreg:$0x4] =	wrdreg $0xC0  }
0xac: {  	_ =	task [dreg:s8], $0x5FFFF  }
0xad: {  	[dreg:$0x1] =	wrdreg $0xFFFFFFFF  }
0xae: {  	[dreg:$0x0] =	wrdreg $0x60  }
0xaf: {  	[dreg:$0x2] =	wrdreg s2  }
0xb0: {  	[dreg:$0x3] =	wrdreg s19  }
0xb1: {  	[dreg:$0x4] =	wrdreg $0x9  }
0xb2: {  	_ =	task.clear_ibuf [dreg:s8], $0x5FFFF;
	_ =	strace $0x90000046  }
0xb3: {  	s29 =	simm.s32 $0x9;
	_ =	strace $0x80000048  }
0xb4: {  	_ =	swait.ge [sflag:s29], $0x1  }
0xb5: {  	[sflag:s29] =	ssyncadd.s32 $0xFFFFFFFF  }
0xb6: {  	_ =	strace $0x90000048  }
0xb7: {  	_ =	sfence  }
0xb8: {  	s30 =	sld [smem:$0x0];
	_ =	sdelay $0x2  }
0xb9: {  	s31 =	sshll.u32 s1, $0xD;
	s1 =	sshrl.u32 s1, $0x2  }
0xba: {  	s3 =	sand.u32 $0x4000, s31;
	s1 =	sadd.s32 s1, s30  }
0xbb: {  	s0 =	sor.u32 s3, s0;
	s1 =	sshll.u32 s1, $0x11  }
0xbc: {  	s0 =	sor.u32 s1, s0  }
0xbd: {  	s0 =	sadd.s32 $0x8F2B, s0  }
0xbe: {  	[sflag:s0] =	ssyncadd.remote.s32 $0x1  }
0xbf: {  	_ =	sfence.sel $0xFFFF  }
0xc0: {  	[dreg:$0x0] =	wrdreg $0xFFFFFFFF;
	(pc) =	sbr.abs _section_cstart, $3  }
0xc1: {  	[dreg:$0x1] =	wrdreg $0xFFFFFFFF  }
0xc2: {  	_ =	task.clear_ibuf [dreg:s8], $0x2FFFF;
	_ =	strace $0x9FFFFFFF  }
0xc3: {  	(tm) =	ssettm $0x7FFFFFFF  }
tec
execute0_lowered:
.L_overlay_start_1:
0x0: {  	(tag) =	ssettag $0x1  }
0x1: {  	s4 =	rddreg [dreg:$0x0];
	s0 =	srdreg.scid  }
0x2: {  	s7 =	rddreg [dreg:$0x1];
	s1 =	stileid.u32;
	s2 =	simm.s32 $0x0  }
0x3: {  	s9 =	simm.s32 $0xFFFFFFFF;
	s3 =	sand.u32 $0x1, s0;
	s0 =	rddreg [dreg:$0x2]  }
0x4: {  	[smem:$0x7FF] =	sst s2;
	s31 =	sshll.u32 s1, $0x7;
	s5 =	sor.u32 s3, s1  }
0x5: {  	p1 =	seq.s32 s3, $0x1;
	s3 =	ssub.s32 $0x2, s3;
	p0 =	seq.s32 s5, $0x0  }
0x6: {  	_ =	strace $0x80000047;
	s6 =	sshrl.u32 s3, $0x1;
	p0 =	por !p0, !p1  }
0x7: {  	s5 =	simm.s32 $0x1;
	s11 =	ssub.s32 s3, s6;
	p0 =	por !p0, !p0  }
0x8: {  	s3 =	simm.s32 $0x1;
	s11 =	smax.u32 s11, $0x1;
	s5 =	simm.s32 @!p0 $0x0  }
0x9: {  	s9 =	simm.s32 @!p0 $0x0;
	s12 =	ssub.s32 s1, s5;
	s5 =	simm.s32 $0xC00  }
0xa: {  	s9 =	sshll.u32 s9, $0x7;
	s5 =	simm.s32 @!p1 $0x0;
	s26 =	smul.u32 $0x18000, s12  }
0xb: {  	s10 =	sshll.u32 s12, $0x7;
	s9 =	sadd.s32 s9, s31;
	s8 =	sshrl.u32 s5, $0x3  }
0xc: {  	p0 =	sgt.s32 s10, $0x7C;
	s14 =	sor.u32 $0x7D, s10;
	s5 =	sor.u32 s5, s26  }
0xd: {  	s4 =	sadd.s32 s4, s8;
	s8 =	simm.s32 $0xC00;
	s6 =	sshrl.u32 s5, $0x3  }
0xe: {  	s28 =	sadd.s32 $0xC000, s5;
	s13 =	sadd.s32 $0x12000, s5;
	s5 =	sadd.s32 s7, s6  }
0xf: {  	s29 =	sshrl.u32 s28, $0x3;
	s30 =	sshrl.u32 s13, $0x3;
	s13 =	smov.u32 s10  }
0x10: {  	s10 =	ssub.s32 $0x783, s10;
	s6 =	sadd.s32 s7, s29;
	s13 =	simm.s32 @!p0 $0x7C  }
0x11: {  	s7 =	sadd.s32 s7, s30;
	p0 =	slt.s32 s14, $0xF9;
	s13 =	sadd.s32 $0xFFFFFF84, s13  }
0x12: {  	s15 =	scvt.s32.f32 s10;
	s10 =	sadd.s32 $0xC00, s5;
	s13 =	scvt.s32.f32 s13  }
0x13: {  	s14 =	simm.s32 @!p0 $0xF9;
	p0 =	slt.s32 s12, $0x0;
	s12 =	simm.s32 $0x1800  }
0x14: {  	[dreg:$0x3] =	wrdreg s14;
	v0 =	vmov s15;
	s14 =	simm.s32 $0x0;
	v1 =	vmov s13;
	s13 =	simm.s32 $0x18000  }
.LBB2_1:
0x15: {  	[tilespmem:s2], [sflag:$0x1] =	stream.strided.gather [hbm4b:s4+s8], $0x18000, s12, s8, $0x38;
	[tilespmem:$0x1B000] =	vst v63  }
0x16: {  	_ =	swait.ge [sflag:s3], $0x18000  }
0x17: {  	[sflag:s3] =	ssyncset.done $0x0  }
0x18: {  	[sflag:s3] =	ssyncadd.s32 $0xFFFE8000  }
0x19: {  	v2 =	vld [tilespmem:$0x0]  }
0x1a: {  	v3 =	vld [tilespmem:$0x17500]  }
0x1b: {  	v4 =	vld [tilespmem:$0x10]  }
0x1c: {  	v5 =	vld [tilespmem:$0x17510]  }
0x1d: {  	v6 =	vld [tilespmem:$0x20]  }
0x1e: {  	v7 =	vld [tilespmem:$0x17520]  }
0x1f: {  	v8 =	vld [tilespmem:$0x30]  }
0x20: {  	v9 =	vld [tilespmem:$0x17530]  }
0x21: {  	v10 =	vld [tilespmem:$0x40]  }
0x22: {  	v11 =	vld [tilespmem:$0x17540]  }
0x23: {  	v12 =	vld [tilespmem:$0x50]  }
0x24: {  	v13 =	vld [tilespmem:$0x17550]  }
0x25: {  	v14 =	vld [tilespmem:$0x60]  }
0x26: {  	v15 =	vld [tilespmem:$0x17560]  }
0x27: {  	v16 =	vld [tilespmem:$0x70]  }
0x28: {  	v17 =	vld [tilespmem:$0x17570]  }
0x29: {  	v18 =	vld [tilespmem:$0x400]  }
0x2a: {  	v19 =	vld [tilespmem:$0x17900]  }
0x2b: {  	v20 =	vld [tilespmem:$0x410]  }
0x2c: {  	v21 =	vld [tilespmem:$0x17910]  }
0x2d: {  	v22 =	vld [tilespmem:$0x420]  }
0x2e: {  	v23 =	vld [tilespmem:$0x17920]  }
0x2f: {  	v24 =	vld [tilespmem:$0x430]  }
0x30: {  	v25 =	vld [tilespmem:$0x17930]  }
0x31: {  	v26 =	vld [tilespmem:$0x440]  }
0x32: {  	v27 =	vld [tilespmem:$0x17940]  }
0x33: {  	v30 =	vld [tilespmem:$0x460];
	v2 =	vmul.f32 v2, v0  }
0x34: {  	v31 =	vld [tilespmem:$0x17960];
	v3 =	vmul.f32 v3, v1;
	v4 =	vmul.f32 v4, v0  }
0x35: {  	v33 =	vld [tilespmem:$0x17970];
	v5 =	vmul.f32 v5, v1;
	v6 =	vmul.f32 v6, v0  }
0x36: {  	v54 =	vld [tilespmem:$0x860];
	v7 =	vmul.f32 v7, v1;
	v8 =	vmul.f32 v8, v0  }
0x37: {  	v55 =	vld [tilespmem:$0x17D60];
	v9 =	vmul.f32 v9, v1;
	v10 =	vmul.f32 v10, v0  }
0x38: {  	v56 =	vld [tilespmem:$0x870];
	v11 =	vmul.f32 v11, v1;
	v12 =	vmul.f32 v12, v0  }
0x39: {  	v28 =	vld [tilespmem:$0x450];
	v13 =	vmul.f32 v13, v1;
	v14 =	vmul.f32 v14, v0  }
0x3a: {  	v29 =	vld [tilespmem:$0x17950];
	v15 =	vmul.f32 v15, v1;
	v50 =	vmul.f32 v30, v0  }
0x3b: {  	v32 =	vld [tilespmem:$0x470];
	v51 =	vmul.f32 v31, v1;
	v53 =	vmul.f32 v33, v1  }
0x3c: {  	v34 =	vld [tilespmem:$0x800];
	v60 =	vmul.f32 v54, v0;
	v61 =	vmul.f32 v55, v1  }
0x3d: {  	v35 =	vld [tilespmem:$0x17D00];
	v62 =	vmul.f32 v56, v0;
	v2 =	vadd.f32 v3, v2;
	v3 =	vadd.f32 v5, v4  }
0x3e: {  	v36 =	vld [tilespmem:$0x810];
	v4 =	vadd.f32 v7, v6;
	v5 =	vadd.f32 v9, v8;
	v9 =	vmul.f32 v16, v0  }
0x3f: {  	v37 =	vld [tilespmem:$0x17D10];
	v16 =	vmul.f32 v17, v1;
	v6 =	vadd.f32 v11, v10;
	v10 =	vmul.f32 v18, v0  }
0x40: {  	v49 =	vld [tilespmem:$0x850];
	v11 =	vmul.f32 v19, v1;
	v7 =	vadd.f32 v13, v12;
	v12 =	vmul.f32 v20, v0  }
0x41: {  	v17 =	vld [tilespmem:$0x820];
	v13 =	vmul.f32 v21, v1;
	v8 =	vadd.f32 v15, v14;
	v14 =	vmul.f32 v22, v0  }
0x42: {  	v18 =	vld [tilespmem:$0x17D20];
	v15 =	vmul.f32 v23, v1;
	v21 =	vmul.f32 v25, v1  }
0x43: {  	v19 =	vld [tilespmem:$0x830];
	v23 =	vmul.f32 v26, v0;
	v26 =	vmul.f32 v28, v0  }
0x44: {  	v20 =	vld [tilespmem:$0x17D30];
	v9 =	vadd.f32 v16, v9;
	v16 =	vmul.f32 v24, v0;
	v10 =	vadd.f32 v11, v10  }
0x45: {  	v25 =	vld [tilespmem:$0x17D40];
	v24 =	vmul.f32 v27, v1;
	v11 =	vadd.f32 v13, v12;
	v27 =	vmul.f32 v29, v1  }
0x46: {  	v22 =	vld [tilespmem:$0x840];
	v12 =	vadd.f32 v15, v14;
	v13 =	vadd.f32 v21, v16;
	v21 =	vmul.f32 v32, v0  }
0x47: {  	v52 =	vld [tilespmem:$0x17D50];
	v14 =	vadd.f32 v24, v23;
	v23 =	vmul.f32 v34, v0;
	v24 =	vmul.f32 v35, v1  }
0x48: {  	v59 =	vld [tilespmem:$0x17D70];
	v15 =	vadd.f32 v27, v26;
	v26 =	vmul.f32 v36, v0;
	v27 =	vmul.f32 v37, v1  }
0x49: {  	v16 =	vadd.f32 v51, v50;
	v57 =	vmul.f32 v17, v0;
	v58 =	vmul.f32 v18, v1  }
0x4a: {  	v20 =	vmul.f32 v20, v1;
	v25 =	vmul.f32 v25, v1;
	v17 =	vadd.f32 v53, v21  }
.Ltmp0:
0x4b: {  	v21 =	vmul.f32 v19, v0;
	v18 =	vadd.f32 v24, v23;
	v24 =	vmul.f32 v22, v0;
	(pc) =	sbr.rel @p0 .LBB2_5-.Ltmp0, $4  }
0x4c: {  	v19 =	vadd.f32 v27, v26;
	v26 =	vmul.f32 v49, v0;
	v27 =	vmul.f32 v52, v1  }
0x4d: {  	v63 =	vmul.f32 v59, v1;
	v22 =	vadd.f32 v58, v57;
	v23 =	vadd.f32 v20, v21  }
0x4e: {  	v20 =	vadd.f32 v25, v24;
	v21 =	vadd.f32 v27, v26  }
0x4f: {  	s16 =	simm.s32 $0x80;
	v24 =	vadd.f32 v61, v60;
	v25 =	vadd.f32 v63, v62  }
0x50: {  	s17 =	sadd.s32 $0x1, s2  }
0x51: {  	s15 =	sshrl.u32 s17, $0x3  }
0x52: {  	s15 =	smul.u32 $0x3000, s15;
	_ =	sdelay $0x1  }
0x53: {  	s18 =	sand.u32 $0x380, s16;
	s15 =	sshra.s32 s15, $0x2  }
0x54: {  	s15 =	sor.u32 s18, s15  }
0x55: {  	v26 =	vld [tilespmem:s15+$0x870]  }
0x56: {  	v27 =	vld [tilespmem:s15+$0x0]  }
0x57: {  	v28 =	vld [tilespmem:s15+$0x10]  }
0x58: {  	v29 =	vld [tilespmem:s15+$0x20]  }
0x59: {  	v30 =	vld [tilespmem:s15+$0x30]  }
0x5a: {  	v31 =	vld [tilespmem:s15+$0x40]  }
0x5b: {  	v32 =	vld [tilespmem:s15+$0x50]  }
0x5c: {  	v33 =	vld [tilespmem:s15+$0x60]  }
0x5d: {  	v34 =	vld [tilespmem:s15+$0x70]  }
0x5e: {  	s31 =	rddreg [dreg:$0x3];
	v35 =	vld [tilespmem:s15+$0x400]  }
0x5f: {  	p1 =	sne.s32 s31, s17;
	v36 =	vld [tilespmem:s15+$0x410];
	v25 =	vadd.f32 v26, v25  }
.Ltmp1:
0x60: {  	v2 =	vadd.f32 v27, v2;
	v3 =	vadd.f32 v28, v3;
	v26 =	vld [tilespmem:s15+$0x420];
	(pc) =	sbr.rel @!p1 .LBB2_4-.Ltmp1, $4  }
0x61: {  	v4 =	vadd.f32 v29, v4;
	v5 =	vadd.f32 v30, v5;
	v27 =	vld [tilespmem:s15+$0x430]  }
0x62: {  	v6 =	vadd.f32 v31, v6;
	v7 =	vadd.f32 v32, v7;
	v28 =	vld [tilespmem:s15+$0x440]  }
0x63: {  	v8 =	vadd.f32 v33, v8;
	v9 =	vadd.f32 v34, v9;
	v29 =	vld [tilespmem:s15+$0x450]  }
0x64: {  	v10 =	vadd.f32 v35, v10;
	v11 =	vadd.f32 v36, v11;
	v30 =	vld [tilespmem:s15+$0x460]  }
.LBB2_3:
0x65: {  	v12 =	vadd.f32 v26, v12;
	v26 =	vld [tilespmem:s15+$0x470]  }
0x66: {  	v13 =	vadd.f32 v27, v13;
	v27 =	vld [tilespmem:s15+$0x800]  }
0x67: {  	s17 =	sadd.s32 $0x1, s17;
	v14 =	vadd.f32 v28, v14;
	v28 =	vld [tilespmem:s15+$0x810]  }
0x68: {  	s19 =	sshrl.u32 s17, $0x3;
	v15 =	vadd.f32 v29, v15;
	v29 =	vld [tilespmem:s15+$0x820]  }
0x69: {  	s30 =	smul.u32 $0x3000, s19;
	v16 =	vadd.f32 v30, v16;
	v30 =	vld [tilespmem:s15+$0x830]  }
0x6a: {  	s18 =	rddreg [dreg:$0x3];
	s16 =	sadd.s32 $0x80, s16;
	v17 =	vadd.f32 v26, v17;
	v26 =	vld [tilespmem:s15+$0x840]  }
0x6b: {  	p1 =	sne.s32 s18, s17;
	s31 =	sand.u32 $0x380, s16;
	s18 =	sshra.s32 s30, $0x2;
	v18 =	vadd.f32 v27, v18;
	v27 =	vld [tilespmem:s15+$0x850]  }
0x6c: {  	v19 =	vadd.f32 v28, v19;
	v28 =	vld [tilespmem:s15+$0x860];
	s15 =	sor.u32 s31, s18  }
0x6d: {  	v31 =	vld [tilespmem:s15+$0x870]  }
0x6e: {  	v22 =	vadd.f32 v29, v22;
	v29 =	vld [tilespmem:s15+$0x0]  }
0x6f: {  	v23 =	vadd.f32 v30, v23;
	v30 =	vld [tilespmem:s15+$0x10]  }
0x70: {  	v32 =	vld [tilespmem:s15+$0x400]  }
0x71: {  	v33 =	vld [tilespmem:s15+$0x410]  }
0x72: {  	v20 =	vadd.f32 v26, v20;
	v26 =	vld [tilespmem:s15+$0x20]  }
0x73: {  	v21 =	vadd.f32 v27, v21;
	v27 =	vld [tilespmem:s15+$0x30]  }
0x74: {  	v24 =	vadd.f32 v28, v24;
	v28 =	vld [tilespmem:s15+$0x40]  }
0x75: {  	v2 =	vadd.f32 v29, v2;
	v29 =	vld [tilespmem:s15+$0x50]  }
0x76: {  	v3 =	vadd.f32 v30, v3;
	v30 =	vld [tilespmem:s15+$0x60]  }
0x77: {  	v25 =	vadd.f32 v31, v25;
	v31 =	vld [tilespmem:s15+$0x70]  }
.Ltmp2:
0x78: {  	v4 =	vadd.f32 v26, v4;
	v26 =	vld [tilespmem:s15+$0x420];
	(pc) =	sbr.rel @p1 .LBB2_3-.Ltmp2, $4  }
0x79: {  	v5 =	vadd.f32 v27, v5;
	v27 =	vld [tilespmem:s15+$0x430]  }
0x7a: {  	v10 =	vadd.f32 v32, v10;
	v6 =	vadd.f32 v28, v6;
	v28 =	vld [tilespmem:s15+$0x440]  }
0x7b: {  	v11 =	vadd.f32 v33, v11;
	v7 =	vadd.f32 v29, v7;
	v29 =	vld [tilespmem:s15+$0x450]  }
0x7c: {  	v8 =	vadd.f32 v30, v8;
	v9 =	vadd.f32 v31, v9;
	v30 =	vld [tilespmem:s15+$0x460]  }
.LBB2_4:
0x7d: {  	v31 =	vld [tilespmem:s15+$0x470]  }
0x7e: {  	v32 =	vld [tilespmem:s15+$0x800]  }
0x7f: {  	v33 =	vld [tilespmem:s15+$0x810]  }
0x80: {  	v34 =	vld [tilespmem:s15+$0x820]  }
0x81: {  	v35 =	vld [tilespmem:s15+$0x830]  }
0x82: {  	v36 =	vld [tilespmem:s15+$0x840]  }
0x83: {  	v12 =	vadd.f32 v26, v12;
	v26 =	vld [tilespmem:s15+$0x850]  }
0x84: {  	v13 =	vadd.f32 v27, v13;
	v27 =	vld [tilespmem:s15+$0x860];
	v14 =	vadd.f32 v28, v14  }
0x85: {  	v15 =	vadd.f32 v29, v15;
	v16 =	vadd.f32 v30, v16  }
0x86: {  	v17 =	vadd.f32 v31, v17;
	v18 =	vadd.f32 v32, v18  }
0x87: {  	v19 =	vadd.f32 v33, v19;
	v22 =	vadd.f32 v34, v22  }
0x88: {  	v23 =	vadd.f32 v35, v23;
	v20 =	vadd.f32 v36, v20  }
0x89: {  	v21 =	vadd.f32 v26, v21;
	v24 =	vadd.f32 v27, v24  }
.LBB2_5:
0x8a: {  	s15 =	simm.s32 $0x0;
	s16 =	simm.s32 $0x0  }
.LBB2_6:
0x8b: {  	s17 =	sshrl.u32 s16, $0x3  }
0x8c: {  	s17 =	smul.u32 $0x3000, s17;
	_ =	sdelay $0x1  }
0x8d: {  	s18 =	sand.u32 $0x380, s15;
	s17 =	sshra.s32 s17, $0x2  }
0x8e: {  	s17 =	sor.u32 s18, s17  }
0x8f: {  	s18 =	sadd.s32 $0x18000, s17;
	[tilespmem:s17+$0x18000] =	vst v2  }
0x90: {  	[tilespmem:s18+$0x10] =	vst v3  }
0x91: {  	[tilespmem:s18+$0x20] =	vst v4  }
0x92: {  	[tilespmem:s18+$0x30] =	vst v5  }
0x93: {  	[tilespmem:s18+$0x40] =	vst v6  }
0x94: {  	[tilespmem:s18+$0x50] =	vst v7  }
0x95: {  	[tilespmem:s18+$0x60] =	vst v8  }
0x96: {  	[tilespmem:s18+$0x70] =	vst v9  }
0x97: {  	s28 =	sadd.s32 $0x18400, s17;
	[tilespmem:s17+$0x18400] =	vst v10  }
0x98: {  	[tilespmem:s28+$0x40] =	vst v14  }
0x99: {  	[tilespmem:s28+$0x50] =	vst v15  }
0x9a: {  	[tilespmem:s28+$0x60] =	vst v16  }
0x9b: {  	[tilespmem:s28+$0x70] =	vst v17  }
0x9c: {  	[tilespmem:s28+$0x10] =	vst v11  }
0x9d: {  	[tilespmem:s28+$0x20] =	vst v12  }
0x9e: {  	s18 =	sadd.s32 s16, s9;
	[tilespmem:s28+$0x30] =	vst v13  }
0x9f: {  	s19 =	sadd.s32 $0x18800, s17;
	p1 =	slt.s32 s18, $0x7C;
	[tilespmem:s17+$0x18800] =	vst v18;
	s17 =	smov.u32 s18  }
0xa0: {  	[tilespmem:s19+$0x40] =	vst v20;
	s17 =	simm.s32 @!p1 $0x7C  }
0xa1: {  	[tilespmem:s19+$0x50] =	vst v21;
	s17 =	sadd.s32 $0x7E, s17  }
0xa2: {  	[tilespmem:s19+$0x60] =	vst v24;
	s20 =	sshrl.u32 s17, $0x3  }
0xa3: {  	[tilespmem:s19+$0x70] =	vst v25;
	s20 =	smul.u32 $0x3000, s20  }
0xa4: {  	[tilespmem:s19+$0x10] =	vst v19;
	s17 =	sshll.u32 s17, $0x7  }
0xa5: {  	[tilespmem:s19+$0x20] =	vst v22;
	s17 =	sand.u32 $0x380, s17;
	s20 =	sshra.s32 s20, $0x2  }
0xa6: {  	[tilespmem:s19+$0x30] =	vst v23;
	s29 =	sor.u32 s17, s20  }
0xa7: {  	v26 =	vld [tilespmem:s29+$0x0]  }
0xa8: {  	v28 =	vld [tilespmem:s29+$0x10]  }
0xa9: {  	v30 =	vld [tilespmem:s29+$0x20]  }
0xaa: {  	v32 =	vld [tilespmem:s29+$0x30]  }
0xab: {  	v34 =	vld [tilespmem:s29+$0x40]  }
0xac: {  	v36 =	vld [tilespmem:s29+$0x50]  }
0xad: {  	v38 =	vld [tilespmem:s29+$0x60]  }
0xae: {  	v40 =	vld [tilespmem:s29+$0x70]  }
0xaf: {  	v42 =	vld [tilespmem:s29+$0x400]  }
0xb0: {  	v44 =	vld [tilespmem:s29+$0x410]  }
0xb1: {  	v46 =	vld [tilespmem:s29+$0x420]  }
0xb2: {  	v48 =	vld [tilespmem:s29+$0x430]  }
0xb3: {  	v50 =	vld [tilespmem:s29+$0x440]  }
0xb4: {  	p1 =	sgt.s32 s18, $0x782;
	v52 =	vld [tilespmem:s29+$0x450]  }
0xb5: {  	s18 =	simm.s32 @!p1 $0x782;
	v54 =	vld [tilespmem:s29+$0x460]  }
0xb6: {  	s18 =	sadd.s32 $0xFFFFF87E, s18;
	v61 =	vld [tilespmem:s29+$0x470]  }
0xb7: {  	s21 =	sshrl.u32 s18, $0x3;
	v62 =	vld [tilespmem:s29+$0x810]  }
0xb8: {  	s21 =	smul.u32 $0x3000, s21;
	v63 =	vld [tilespmem:s29+$0x820]  }
0xb9: {  	s22 =	sshll.u32 s18, $0x7;
	v56 =	vld [tilespmem:s29+$0x830]  }
0xba: {  	s30 =	sand.u32 $0x380, s22;
	s31 =	sshra.s32 s21, $0x2;
	v58 =	vld [tilespmem:s29+$0x840]  }
0xbb: {  	s17 =	sor.u32 s30, s31;
	v60 =	vld [tilespmem:s29+$0x850]  }
0xbc: {  	v27 =	vld [tilespmem:s17+$0x0]  }
0xbd: {  	v29 =	vld [tilespmem:s17+$0x10]  }
0xbe: {  	v31 =	vld [tilespmem:s17+$0x20]  }
0xbf: {  	v33 =	vld [tilespmem:s17+$0x30]  }
0xc0: {  	v35 =	vld [tilespmem:s17+$0x40]  }
0xc1: {  	v37 =	vld [tilespmem:s17+$0x50]  }
0xc2: {  	v39 =	vld [tilespmem:s17+$0x60]  }
0xc3: {  	v41 =	vld [tilespmem:s17+$0x70]  }
0xc4: {  	v43 =	vld [tilespmem:s17+$0x400];
	v2 =	vadd.f32 v26, v2;
	v3 =	vadd.f32 v28, v3  }
0xc5: {  	v45 =	vld [tilespmem:s17+$0x410];
	v4 =	vadd.f32 v30, v4;
	v5 =	vadd.f32 v32, v5  }
0xc6: {  	v47 =	vld [tilespmem:s17+$0x420];
	v6 =	vadd.f32 v34, v6;
	v7 =	vadd.f32 v36, v7  }
0xc7: {  	v49 =	vld [tilespmem:s17+$0x430];
	v8 =	vadd.f32 v38, v8;
	v9 =	vadd.f32 v40, v9  }
0xc8: {  	v51 =	vld [tilespmem:s17+$0x440];
	v10 =	vadd.f32 v42, v10;
	v11 =	vadd.f32 v44, v11  }
0xc9: {  	v53 =	vld [tilespmem:s17+$0x450];
	v12 =	vadd.f32 v46, v12;
	v13 =	vadd.f32 v48, v13  }
0xca: {  	v55 =	vld [tilespmem:s17+$0x820];
	v14 =	vadd.f32 v50, v14;
	v15 =	vadd.f32 v52, v15  }
0xcb: {  	v57 =	vld [tilespmem:s17+$0x830];
	v16 =	vadd.f32 v54, v16;
	v17 =	vadd.f32 v61, v17  }
0xcc: {  	v59 =	vld [tilespmem:s17+$0x840];
	v19 =	vadd.f32 v62, v19;
	v22 =	vadd.f32 v63, v22  }
0xcd: {  	v26 =	vld [tilespmem:s17+$0x460];
	v23 =	vadd.f32 v56, v23;
	v20 =	vadd.f32 v58, v20  }
0xce: {  	v30 =	vld [tilespmem:s17+$0x800];
	v21 =	vadd.f32 v60, v21;
	v2 =	vsub.f32 v2, v27  }
0xcf: {  	v3 =	vsub.f32 v3, v29;
	v27 =	vld [tilespmem:s17+$0x470];
	v4 =	vsub.f32 v4, v31  }
0xd0: {  	v32 =	vld [tilespmem:s17+$0x810];
	v5 =	vsub.f32 v5, v33;
	v6 =	vsub.f32 v6, v35  }
0xd1: {  	v61 =	vld [tilespmem:s17+$0x850];
	v7 =	vsub.f32 v7, v37;
	v8 =	vsub.f32 v8, v39  }
0xd2: {  	v29 =	vld [tilespmem:s29+$0x800];
	v9 =	vsub.f32 v9, v41;
	v10 =	vsub.f32 v10, v43  }
0xd3: {  	v11 =	vsub.f32 v11, v45;
	v16 =	vsub.f32 v16, v26;
	v26 =	vld [tilespmem:s29+$0x860]  }
0xd4: {  	v12 =	vsub.f32 v12, v47;
	v17 =	vsub.f32 v17, v27;
	v27 =	vld [tilespmem:s29+$0x870]  }
0xd5: {  	v62 =	vld [tilespmem:s17+$0x860];
	v13 =	vsub.f32 v13, v49;
	v14 =	vsub.f32 v14, v51  }
0xd6: {  	p1 =	sne.s32 s16, $0x1F;
	v63 =	vld [tilespmem:s17+$0x870];
	v15 =	vsub.f32 v15, v53;
	v22 =	vsub.f32 v22, v55  }
.Ltmp3:
0xd7: {  	v23 =	vsub.f32 v23, v57;
	v20 =	vsub.f32 v20, v59;
	(pc) =	sbr.rel @p1 .LBB2_6-.Ltmp3, $4  }
0xd8: {  	v19 =	vsub.f32 v19, v32;
	v18 =	vadd.f32 v29, v18  }
0xd9: {  	v24 =	vadd.f32 v26, v24;
	v25 =	vadd.f32 v27, v25  }
0xda: {  	v21 =	vsub.f32 v21, v61;
	v18 =	vsub.f32 v18, v30  }
0xdb: {  	s15 =	sadd.s32 $0x80, s15;
	s16 =	sadd.s32 $0x1, s16;
	v24 =	vsub.f32 v24, v62;
	v25 =	vsub.f32 v25, v63  }
0xdc: {  	[hbm4b:s5+s8] =	stream.strided.scatter [tilespmem:s13], [sflag:$0x1], $0x3000, s12, s8, $0x38;
	[tilespmem:$0x1B000] =	vst v63  }
0xdd: {  	_ =	swait.ge [sflag:s3], $0x3000  }
0xde: {  	[sflag:s3] =	ssyncset.done $0x0  }
0xdf: {  	s15 =	simm.s32 $0x0;
	s16 =	simm.s32 $0x0;
	[sflag:s3] =	ssyncadd.s32 $0xFFFFD000  }
.LBB2_8:
0xe0: {  	s17 =	sshrl.u32 s16, $0x3  }
0xe1: {  	s17 =	smul.u32 $0x3000, s17;
	_ =	sdelay $0x1  }
0xe2: {  	s18 =	sand.u32 $0x380, s15;
	s17 =	sshra.s32 s17, $0x2  }
0xe3: {  	s17 =	sor.u32 s18, s17  }
0xe4: {  	s18 =	sadd.s32 $0x18000, s17;
	[tilespmem:s17+$0x18000] =	vst v2  }
0xe5: {  	[tilespmem:s18+$0x10] =	vst v3  }
0xe6: {  	[tilespmem:s18+$0x20] =	vst v4  }
0xe7: {  	[tilespmem:s18+$0x30] =	vst v5  }
0xe8: {  	[tilespmem:s18+$0x40] =	vst v6  }
0xe9: {  	[tilespmem:s18+$0x50] =	vst v7  }
0xea: {  	[tilespmem:s18+$0x60] =	vst v8  }
0xeb: {  	[tilespmem:s18+$0x70] =	vst v9  }
0xec: {  	s28 =	sadd.s32 $0x18400, s17;
	[tilespmem:s17+$0x18400] =	vst v10  }
0xed: {  	[tilespmem:s28+$0x40] =	vst v14  }
0xee: {  	[tilespmem:s28+$0x50] =	vst v15  }
0xef: {  	[tilespmem:s28+$0x60] =	vst v16  }
0xf0: {  	[tilespmem:s28+$0x70] =	vst v17  }
0xf1: {  	[tilespmem:s28+$0x10] =	vst v11  }
0xf2: {  	[tilespmem:s28+$0x20] =	vst v12  }
0xf3: {  	s18 =	sadd.s32 s16, s9;
	[tilespmem:s28+$0x30] =	vst v13  }
0xf4: {  	s19 =	sadd.s32 $0x18800, s17;
	p1 =	slt.s32 s18, $0x5C;
	[tilespmem:s17+$0x18800] =	vst v18;
	s17 =	smov.u32 s18  }
0xf5: {  	[tilespmem:s19+$0x40] =	vst v20;
	s17 =	simm.s32 @!p1 $0x5C  }
0xf6: {  	[tilespmem:s19+$0x50] =	vst v21;
	s17 =	sadd.s32 $0x9E, s17  }
0xf7: {  	[tilespmem:s19+$0x60] =	vst v24;
	s20 =	sshrl.u32 s17, $0x3  }
0xf8: {  	[tilespmem:s19+$0x70] =	vst v25;
	s20 =	smul.u32 $0x3000, s20  }
0xf9: {  	[tilespmem:s19+$0x10] =	vst v19;
	s17 =	sshll.u32 s17, $0x7  }
0xfa: {  	[tilespmem:s19+$0x20] =	vst v22;
	s17 =	sand.u32 $0x380, s17;
	s20 =	sshra.s32 s20, $0x2  }
0xfb: {  	[tilespmem:s19+$0x30] =	vst v23;
	s29 =	sor.u32 s17, s20  }
0xfc: {  	v26 =	vld [tilespmem:s29+$0x0]  }
0xfd: {  	v28 =	vld [tilespmem:s29+$0x10]  }
0xfe: {  	v30 =	vld [tilespmem:s29+$0x20]  }
0xff: {  	v32 =	vld [tilespmem:s29+$0x30]  }
0x100: {  	v34 =	vld [tilespmem:s29+$0x40]  }
0x101: {  	v36 =	vld [tilespmem:s29+$0x50]  }
0x102: {  	v38 =	vld [tilespmem:s29+$0x60]  }
0x103: {  	v40 =	vld [tilespmem:s29+$0x70]  }
0x104: {  	v42 =	vld [tilespmem:s29+$0x400]  }
0x105: {  	v44 =	vld [tilespmem:s29+$0x410]  }
0x106: {  	v46 =	vld [tilespmem:s29+$0x420]  }
0x107: {  	v48 =	vld [tilespmem:s29+$0x430]  }
0x108: {  	v50 =	vld [tilespmem:s29+$0x440]  }
0x109: {  	p1 =	sgt.s32 s18, $0x762;
	v52 =	vld [tilespmem:s29+$0x450]  }
0x10a: {  	s18 =	simm.s32 @!p1 $0x762;
	v54 =	vld [tilespmem:s29+$0x460]  }
0x10b: {  	s18 =	sadd.s32 $0xFFFFF89E, s18;
	v61 =	vld [tilespmem:s29+$0x470]  }
0x10c: {  	s21 =	sshrl.u32 s18, $0x3;
	v62 =	vld [tilespmem:s29+$0x810]  }
0x10d: {  	s21 =	smul.u32 $0x3000, s21;
	v63 =	vld [tilespmem:s29+$0x820]  }
0x10e: {  	s22 =	sshll.u32 s18, $0x7;
	v56 =	vld [tilespmem:s29+$0x830]  }
0x10f: {  	s30 =	sand.u32 $0x380, s22;
	s31 =	sshra.s32 s21, $0x2;
	v58 =	vld [tilespmem:s29+$0x840]  }
0x110: {  	s17 =	sor.u32 s30, s31;
	v60 =	vld [tilespmem:s29+$0x850]  }
0x111: {  	v27 =	vld [tilespmem:s17+$0x0]  }
0x112: {  	v29 =	vld [tilespmem:s17+$0x10]  }
0x113: {  	v31 =	vld [tilespmem:s17+$0x20]  }
0x114: {  	v33 =	vld [tilespmem:s17+$0x30]  }
0x115: {  	v35 =	vld [tilespmem:s17+$0x40]  }
0x116: {  	v37 =	vld [tilespmem:s17+$0x50]  }
0x117: {  	v39 =	vld [tilespmem:s17+$0x60]  }
0x118: {  	v41 =	vld [tilespmem:s17+$0x70]  }
0x119: {  	v43 =	vld [tilespmem:s17+$0x400];
	v2 =	vadd.f32 v26, v2;
	v3 =	vadd.f32 v28, v3  }
0x11a: {  	v45 =	vld [tilespmem:s17+$0x410];
	v4 =	vadd.f32 v30, v4;
	v5 =	vadd.f32 v32, v5  }
0x11b: {  	v47 =	vld [tilespmem:s17+$0x420];
	v6 =	vadd.f32 v34, v6;
	v7 =	vadd.f32 v36, v7  }
0x11c: {  	v49 =	vld [tilespmem:s17+$0x430];
	v8 =	vadd.f32 v38, v8;
	v9 =	vadd.f32 v40, v9  }
0x11d: {  	v51 =	vld [tilespmem:s17+$0x440];
	v10 =	vadd.f32 v42, v10;
	v11 =	vadd.f32 v44, v11  }
0x11e: {  	v53 =	vld [tilespmem:s17+$0x450];
	v12 =	vadd.f32 v46, v12;
	v13 =	vadd.f32 v48, v13  }
0x11f: {  	v55 =	vld [tilespmem:s17+$0x820];
	v14 =	vadd.f32 v50, v14;
	v15 =	vadd.f32 v52, v15  }
0x120: {  	v57 =	vld [tilespmem:s17+$0x830];
	v16 =	vadd.f32 v54, v16;
	v17 =	vadd.f32 v61, v17  }
0x121: {  	v59 =	vld [tilespmem:s17+$0x840];
	v19 =	vadd.f32 v62, v19;
	v22 =	vadd.f32 v63, v22  }
0x122: {  	v26 =	vld [tilespmem:s17+$0x460];
	v23 =	vadd.f32 v56, v23;
	v20 =	vadd.f32 v58, v20  }
0x123: {  	v30 =	vld [tilespmem:s17+$0x800];
	v21 =	vadd.f32 v60, v21;
	v2 =	vsub.f32 v2, v27  }
0x124: {  	v3 =	vsub.f32 v3, v29;
	v27 =	vld [tilespmem:s17+$0x470];
	v4 =	vsub.f32 v4, v31  }
0x125: {  	v32 =	vld [tilespmem:s17+$0x810];
	v5 =	vsub.f32 v5, v33;
	v6 =	vsub.f32 v6, v35  }
0x126: {  	v61 =	vld [tilespmem:s17+$0x850];
	v7 =	vsub.f32 v7, v37;
	v8 =	vsub.f32 v8, v39  }
0x127: {  	v29 =	vld [tilespmem:s29+$0x800];
	v9 =	vsub.f32 v9, v41;
	v10 =	vsub.f32 v10, v43  }
0x128: {  	v11 =	vsub.f32 v11, v45;
	v16 =	vsub.f32 v16, v26;
	v26 =	vld [tilespmem:s29+$0x860]  }
0x129: {  	v12 =	vsub.f32 v12, v47;
	v17 =	vsub.f32 v17, v27;
	v27 =	vld [tilespmem:s29+$0x870]  }
0x12a: {  	v62 =	vld [tilespmem:s17+$0x860];
	v13 =	vsub.f32 v13, v49;
	v14 =	vsub.f32 v14, v51  }
0x12b: {  	p1 =	sne.s32 s16, $0x1F;
	v63 =	vld [tilespmem:s17+$0x870];
	v15 =	vsub.f32 v15, v53;
	v22 =	vsub.f32 v22, v55  }
.Ltmp4:
0x12c: {  	v23 =	vsub.f32 v23, v57;
	v20 =	vsub.f32 v20, v59;
	(pc) =	sbr.rel @p1 .LBB2_8-.Ltmp4, $4  }
0x12d: {  	v19 =	vsub.f32 v19, v32;
	v18 =	vadd.f32 v29, v18  }
0x12e: {  	v24 =	vadd.f32 v26, v24;
	v25 =	vadd.f32 v27, v25  }
0x12f: {  	v21 =	vsub.f32 v21, v61;
	v18 =	vsub.f32 v18, v30  }
0x130: {  	s15 =	sadd.s32 $0x80, s15;
	s16 =	sadd.s32 $0x1, s16;
	v24 =	vsub.f32 v24, v62;
	v25 =	vsub.f32 v25, v63  }
0x131: {  	[hbm4b:s10+s8] =	stream.strided.scatter [tilespmem:s13], [sflag:$0x1], $0x3000, s12, s8, $0x38;
	[tilespmem:$0x1B000] =	vst v63  }
0x132: {  	_ =	swait.ge [sflag:s3], $0x3000  }
0x133: {  	[sflag:s3] =	ssyncset.done $0x0  }
0x134: {  	s15 =	simm.s32 $0x0;
	s16 =	simm.s32 $0x0;
	[sflag:s3] =	ssyncadd.s32 $0xFFFFD000  }
.LBB2_10:
0x135: {  	s17 =	sshrl.u32 s16, $0x3  }
0x136: {  	s17 =	smul.u32 $0x3000, s17;
	_ =	sdelay $0x1  }
0x137: {  	s18 =	sand.u32 $0x380, s15;
	s17 =	sshra.s32 s17, $0x2  }
0x138: {  	s17 =	sor.u32 s18, s17  }
0x139: {  	s18 =	sadd.s32 $0x18000, s17;
	[tilespmem:s17+$0x18000] =	vst v2  }
0x13a: {  	[tilespmem:s18+$0x10] =	vst v3  }
0x13b: {  	[tilespmem:s18+$0x20] =	vst v4  }
0x13c: {  	[tilespmem:s18+$0x30] =	vst v5  }
0x13d: {  	[tilespmem:s18+$0x40] =	vst v6  }
0x13e: {  	[tilespmem:s18+$0x50] =	vst v7  }
0x13f: {  	[tilespmem:s18+$0x60] =	vst v8  }
0x140: {  	[tilespmem:s18+$0x70] =	vst v9  }
0x141: {  	s28 =	sadd.s32 $0x18400, s17;
	[tilespmem:s17+$0x18400] =	vst v10  }
0x142: {  	[tilespmem:s28+$0x40] =	vst v14  }
0x143: {  	[tilespmem:s28+$0x50] =	vst v15  }
0x144: {  	[tilespmem:s28+$0x60] =	vst v16  }
0x145: {  	[tilespmem:s28+$0x70] =	vst v17  }
0x146: {  	[tilespmem:s28+$0x10] =	vst v11  }
0x147: {  	[tilespmem:s28+$0x20] =	vst v12  }
0x148: {  	s18 =	sadd.s32 s16, s9;
	[tilespmem:s28+$0x30] =	vst v13  }
0x149: {  	s19 =	sadd.s32 $0x18800, s17;
	p1 =	slt.s32 s18, $0x3C;
	[tilespmem:s17+$0x18800] =	vst v18;
	s17 =	smov.u32 s18  }
0x14a: {  	[tilespmem:s19+$0x40] =	vst v20;
	s17 =	simm.s32 @!p1 $0x3C  }
0x14b: {  	[tilespmem:s19+$0x50] =	vst v21;
	s17 =	sadd.s32 $0xBE, s17  }
0x14c: {  	[tilespmem:s19+$0x60] =	vst v24;
	s20 =	sshrl.u32 s17, $0x3  }
0x14d: {  	[tilespmem:s19+$0x70] =	vst v25;
	s20 =	smul.u32 $0x3000, s20  }
0x14e: {  	[tilespmem:s19+$0x10] =	vst v19;
	s17 =	sshll.u32 s17, $0x7  }
0x14f: {  	[tilespmem:s19+$0x20] =	vst v22;
	s17 =	sand.u32 $0x380, s17;
	s20 =	sshra.s32 s20, $0x2  }
0x150: {  	[tilespmem:s19+$0x30] =	vst v23;
	s29 =	sor.u32 s17, s20  }
0x151: {  	v26 =	vld [tilespmem:s29+$0x0]  }
0x152: {  	v28 =	vld [tilespmem:s29+$0x10]  }
0x153: {  	v30 =	vld [tilespmem:s29+$0x20]  }
0x154: {  	v32 =	vld [tilespmem:s29+$0x30]  }
0x155: {  	v34 =	vld [tilespmem:s29+$0x40]  }
0x156: {  	v36 =	vld [tilespmem:s29+$0x50]  }
0x157: {  	v38 =	vld [tilespmem:s29+$0x60]  }
0x158: {  	v40 =	vld [tilespmem:s29+$0x70]  }
0x159: {  	v42 =	vld [tilespmem:s29+$0x400]  }
0x15a: {  	v44 =	vld [tilespmem:s29+$0x410]  }
0x15b: {  	v46 =	vld [tilespmem:s29+$0x420]  }
0x15c: {  	v48 =	vld [tilespmem:s29+$0x430]  }
0x15d: {  	v50 =	vld [tilespmem:s29+$0x440]  }
0x15e: {  	p1 =	sgt.s32 s18, $0x742;
	v52 =	vld [tilespmem:s29+$0x450]  }
0x15f: {  	s18 =	simm.s32 @!p1 $0x742;
	v54 =	vld [tilespmem:s29+$0x460]  }
0x160: {  	s18 =	sadd.s32 $0xFFFFF8BE, s18;
	v61 =	vld [tilespmem:s29+$0x470]  }
0x161: {  	s21 =	sshrl.u32 s18, $0x3;
	v62 =	vld [tilespmem:s29+$0x810]  }
0x162: {  	s21 =	smul.u32 $0x3000, s21;
	v63 =	vld [tilespmem:s29+$0x820]  }
0x163: {  	s22 =	sshll.u32 s18, $0x7;
	v56 =	vld [tilespmem:s29+$0x830]  }
0x164: {  	s30 =	sand.u32 $0x380, s22;
	s31 =	sshra.s32 s21, $0x2;
	v58 =	vld [tilespmem:s29+$0x840]  }
0x165: {  	s17 =	sor.u32 s30, s31;
	v60 =	vld [tilespmem:s29+$0x850]  }
0x166: {  	v27 =	vld [tilespmem:s17+$0x0]  }
0x167: {  	v29 =	vld [tilespmem:s17+$0x10]  }
0x168: {  	v31 =	vld [tilespmem:s17+$0x20]  }
0x169: {  	v33 =	vld [tilespmem:s17+$0x30]  }
0x16a: {  	v35 =	vld [tilespmem:s17+$0x40]  }
0x16b: {  	v37 =	vld [tilespmem:s17+$0x50]  }
0x16c: {  	v39 =	vld [tilespmem:s17+$0x60]  }
0x16d: {  	v41 =	vld [tilespmem:s17+$0x70]  }
0x16e: {  	v43 =	vld [tilespmem:s17+$0x400];
	v2 =	vadd.f32 v26, v2;
	v3 =	vadd.f32 v28, v3  }
0x16f: {  	v45 =	vld [tilespmem:s17+$0x410];
	v4 =	vadd.f32 v30, v4;
	v5 =	vadd.f32 v32, v5  }
0x170: {  	v47 =	vld [tilespmem:s17+$0x420];
	v6 =	vadd.f32 v34, v6;
	v7 =	vadd.f32 v36, v7  }
0x171: {  	v49 =	vld [tilespmem:s17+$0x430];
	v8 =	vadd.f32 v38, v8;
	v9 =	vadd.f32 v40, v9  }
0x172: {  	v51 =	vld [tilespmem:s17+$0x440];
	v10 =	vadd.f32 v42, v10;
	v11 =	vadd.f32 v44, v11  }
0x173: {  	v53 =	vld [tilespmem:s17+$0x450];
	v12 =	vadd.f32 v46, v12;
	v13 =	vadd.f32 v48, v13  }
0x174: {  	v55 =	vld [tilespmem:s17+$0x820];
	v14 =	vadd.f32 v50, v14;
	v15 =	vadd.f32 v52, v15  }
0x175: {  	v57 =	vld [tilespmem:s17+$0x830];
	v16 =	vadd.f32 v54, v16;
	v17 =	vadd.f32 v61, v17  }
0x176: {  	v59 =	vld [tilespmem:s17+$0x840];
	v19 =	vadd.f32 v62, v19;
	v22 =	vadd.f32 v63, v22  }
0x177: {  	v26 =	vld [tilespmem:s17+$0x460];
	v23 =	vadd.f32 v56, v23;
	v20 =	vadd.f32 v58, v20  }
0x178: {  	v30 =	vld [tilespmem:s17+$0x800];
	v21 =	vadd.f32 v60, v21;
	v2 =	vsub.f32 v2, v27  }
0x179: {  	v3 =	vsub.f32 v3, v29;
	v27 =	vld [tilespmem:s17+$0x470];
	v4 =	vsub.f32 v4, v31  }
0x17a: {  	v32 =	vld [tilespmem:s17+$0x810];
	v5 =	vsub.f32 v5, v33;
	v6 =	vsub.f32 v6, v35  }
0x17b: {  	v61 =	vld [tilespmem:s17+$0x850];
	v7 =	vsub.f32 v7, v37;
	v8 =	vsub.f32 v8, v39  }
0x17c: {  	v29 =	vld [tilespmem:s29+$0x800];
	v9 =	vsub.f32 v9, v41;
	v10 =	vsub.f32 v10, v43  }
0x17d: {  	v11 =	vsub.f32 v11, v45;
	v16 =	vsub.f32 v16, v26;
	v26 =	vld [tilespmem:s29+$0x860]  }
0x17e: {  	v12 =	vsub.f32 v12, v47;
	v17 =	vsub.f32 v17, v27;
	v27 =	vld [tilespmem:s29+$0x870]  }
0x17f: {  	v62 =	vld [tilespmem:s17+$0x860];
	v13 =	vsub.f32 v13, v49;
	v14 =	vsub.f32 v14, v51  }
0x180: {  	p1 =	sne.s32 s16, $0x1F;
	v63 =	vld [tilespmem:s17+$0x870];
	v15 =	vsub.f32 v15, v53;
	v22 =	vsub.f32 v22, v55  }
.Ltmp5:
0x181: {  	v23 =	vsub.f32 v23, v57;
	v20 =	vsub.f32 v20, v59;
	(pc) =	sbr.rel @p1 .LBB2_10-.Ltmp5, $4  }
0x182: {  	v19 =	vsub.f32 v19, v32;
	v18 =	vadd.f32 v29, v18  }
0x183: {  	v24 =	vadd.f32 v26, v24;
	v25 =	vadd.f32 v27, v25  }
0x184: {  	v21 =	vsub.f32 v21, v61;
	v18 =	vsub.f32 v18, v30  }
0x185: {  	s15 =	sadd.s32 $0x80, s15;
	s16 =	sadd.s32 $0x1, s16;
	v24 =	vsub.f32 v24, v62;
	v25 =	vsub.f32 v25, v63  }
0x186: {  	[hbm4b:s6+s8] =	stream.strided.scatter [tilespmem:s13], [sflag:$0x1], $0x3000, s12, s8, $0x38;
	[tilespmem:$0x1B000] =	vst v63  }
0x187: {  	_ =	swait.ge [sflag:s3], $0x3000  }
0x188: {  	[sflag:s3] =	ssyncset.done $0x0  }
0x189: {  	s15 =	simm.s32 $0x0;
	s16 =	simm.s32 $0x0;
	[sflag:s3] =	ssyncadd.s32 $0xFFFFD000  }
.LBB2_12:
0x18a: {  	s17 =	sshrl.u32 s16, $0x3  }
0x18b: {  	s17 =	smul.u32 $0x3000, s17;
	_ =	sdelay $0x1  }
0x18c: {  	s18 =	sand.u32 $0x380, s15;
	s17 =	sshra.s32 s17, $0x2  }
0x18d: {  	s17 =	sor.u32 s18, s17  }
0x18e: {  	s18 =	sadd.s32 $0x18000, s17;
	[tilespmem:s17+$0x18000] =	vst v2  }
0x18f: {  	[tilespmem:s18+$0x10] =	vst v3  }
0x190: {  	[tilespmem:s18+$0x20] =	vst v4  }
0x191: {  	[tilespmem:s18+$0x30] =	vst v5  }
0x192: {  	[tilespmem:s18+$0x40] =	vst v6  }
0x193: {  	[tilespmem:s18+$0x50] =	vst v7  }
0x194: {  	[tilespmem:s18+$0x60] =	vst v8  }
0x195: {  	[tilespmem:s18+$0x70] =	vst v9  }
0x196: {  	s28 =	sadd.s32 $0x18400, s17;
	[tilespmem:s17+$0x18400] =	vst v10  }
0x197: {  	[tilespmem:s28+$0x40] =	vst v14  }
0x198: {  	[tilespmem:s28+$0x50] =	vst v15  }
0x199: {  	[tilespmem:s28+$0x60] =	vst v16  }
0x19a: {  	[tilespmem:s28+$0x70] =	vst v17  }
0x19b: {  	[tilespmem:s28+$0x10] =	vst v11  }
0x19c: {  	[tilespmem:s28+$0x20] =	vst v12  }
0x19d: {  	s18 =	sadd.s32 s16, s9;
	[tilespmem:s28+$0x30] =	vst v13  }
0x19e: {  	s19 =	sadd.s32 $0x18800, s17;
	p1 =	slt.s32 s18, $0x1C;
	[tilespmem:s17+$0x18800] =	vst v18;
	s17 =	smov.u32 s18  }
0x19f: {  	[tilespmem:s19+$0x40] =	vst v20;
	s17 =	simm.s32 @!p1 $0x1C  }
0x1a0: {  	[tilespmem:s19+$0x50] =	vst v21;
	s17 =	sadd.s32 $0xDE, s17  }
0x1a1: {  	[tilespmem:s19+$0x60] =	vst v24;
	s20 =	sshrl.u32 s17, $0x3  }
0x1a2: {  	[tilespmem:s19+$0x70] =	vst v25;
	s20 =	smul.u32 $0x3000, s20  }
0x1a3: {  	[tilespmem:s19+$0x10] =	vst v19;
	s17 =	sshll.u32 s17, $0x7  }
0x1a4: {  	[tilespmem:s19+$0x20] =	vst v22;
	s17 =	sand.u32 $0x380, s17;
	s20 =	sshra.s32 s20, $0x2  }
0x1a5: {  	[tilespmem:s19+$0x30] =	vst v23;
	s29 =	sor.u32 s17, s20  }
0x1a6: {  	v26 =	vld [tilespmem:s29+$0x0]  }
0x1a7: {  	v28 =	vld [tilespmem:s29+$0x10]  }
0x1a8: {  	v30 =	vld [tilespmem:s29+$0x20]  }
0x1a9: {  	v32 =	vld [tilespmem:s29+$0x30]  }
0x1aa: {  	v34 =	vld [tilespmem:s29+$0x40]  }
0x1ab: {  	v36 =	vld [tilespmem:s29+$0x50]  }
0x1ac: {  	v38 =	vld [tilespmem:s29+$0x60]  }
0x1ad: {  	v40 =	vld [tilespmem:s29+$0x70]  }
0x1ae: {  	v42 =	vld [tilespmem:s29+$0x400]  }
0x1af: {  	v44 =	vld [tilespmem:s29+$0x410]  }
0x1b0: {  	v46 =	vld [tilespmem:s29+$0x420]  }
0x1b1: {  	v48 =	vld [tilespmem:s29+$0x430]  }
0x1b2: {  	v50 =	vld [tilespmem:s29+$0x440]  }
0x1b3: {  	p1 =	sgt.s32 s18, $0x722;
	v52 =	vld [tilespmem:s29+$0x450]  }
0x1b4: {  	s18 =	simm.s32 @!p1 $0x722;
	v54 =	vld [tilespmem:s29+$0x460]  }
0x1b5: {  	s18 =	sadd.s32 $0xFFFFF8DE, s18;
	v61 =	vld [tilespmem:s29+$0x470]  }
0x1b6: {  	s21 =	sshrl.u32 s18, $0x3;
	v62 =	vld [tilespmem:s29+$0x810]  }
0x1b7: {  	s21 =	smul.u32 $0x3000, s21;
	v63 =	vld [tilespmem:s29+$0x820]  }
0x1b8: {  	s22 =	sshll.u32 s18, $0x7;
	v56 =	vld [tilespmem:s29+$0x830]  }
0x1b9: {  	s30 =	sand.u32 $0x380, s22;
	s31 =	sshra.s32 s21, $0x2;
	v58 =	vld [tilespmem:s29+$0x840]  }
0x1ba: {  	s17 =	sor.u32 s30, s31;
	v60 =	vld [tilespmem:s29+$0x850]  }
0x1bb: {  	v27 =	vld [tilespmem:s17+$0x0]  }
0x1bc: {  	v29 =	vld [tilespmem:s17+$0x10]  }
0x1bd: {  	v31 =	vld [tilespmem:s17+$0x20]  }
0x1be: {  	v33 =	vld [tilespmem:s17+$0x30]  }
0x1bf: {  	v35 =	vld [tilespmem:s17+$0x40]  }
0x1c0: {  	v37 =	vld [tilespmem:s17+$0x50]  }
0x1c1: {  	v39 =	vld [tilespmem:s17+$0x60]  }
0x1c2: {  	v41 =	vld [tilespmem:s17+$0x70]  }
0x1c3: {  	v43 =	vld [tilespmem:s17+$0x400];
	v2 =	vadd.f32 v26, v2;
	v3 =	vadd.f32 v28, v3  }
0x1c4: {  	v45 =	vld [tilespmem:s17+$0x410];
	v4 =	vadd.f32 v30, v4;
	v5 =	vadd.f32 v32, v5  }
0x1c5: {  	v47 =	vld [tilespmem:s17+$0x420];
	v6 =	vadd.f32 v34, v6;
	v7 =	vadd.f32 v36, v7  }
0x1c6: {  	v49 =	vld [tilespmem:s17+$0x430];
	v8 =	vadd.f32 v38, v8;
	v9 =	vadd.f32 v40, v9  }
0x1c7: {  	v51 =	vld [tilespmem:s17+$0x440];
	v10 =	vadd.f32 v42, v10;
	v11 =	vadd.f32 v44, v11  }
0x1c8: {  	v53 =	vld [tilespmem:s17+$0x450];
	v12 =	vadd.f32 v46, v12;
	v13 =	vadd.f32 v48, v13  }
0x1c9: {  	v55 =	vld [tilespmem:s17+$0x820];
	v14 =	vadd.f32 v50, v14;
	v15 =	vadd.f32 v52, v15  }
0x1ca: {  	v57 =	vld [tilespmem:s17+$0x830];
	v16 =	vadd.f32 v54, v16;
	v17 =	vadd.f32 v61, v17  }
0x1cb: {  	v59 =	vld [tilespmem:s17+$0x840];
	v19 =	vadd.f32 v62, v19;
	v22 =	vadd.f32 v63, v22  }
0x1cc: {  	v26 =	vld [tilespmem:s17+$0x460];
	v23 =	vadd.f32 v56, v23;
	v20 =	vadd.f32 v58, v20  }
0x1cd: {  	v30 =	vld [tilespmem:s17+$0x800];
	v21 =	vadd.f32 v60, v21;
	v2 =	vsub.f32 v2, v27  }
0x1ce: {  	v3 =	vsub.f32 v3, v29;
	v27 =	vld [tilespmem:s17+$0x470];
	v4 =	vsub.f32 v4, v31  }
0x1cf: {  	v32 =	vld [tilespmem:s17+$0x810];
	v5 =	vsub.f32 v5, v33;
	v6 =	vsub.f32 v6, v35  }
0x1d0: {  	v61 =	vld [tilespmem:s17+$0x850];
	v7 =	vsub.f32 v7, v37;
	v8 =	vsub.f32 v8, v39  }
0x1d1: {  	v29 =	vld [tilespmem:s29+$0x800];
	v9 =	vsub.f32 v9, v41;
	v10 =	vsub.f32 v10, v43  }
0x1d2: {  	v11 =	vsub.f32 v11, v45;
	v16 =	vsub.f32 v16, v26;
	v26 =	vld [tilespmem:s29+$0x860]  }
0x1d3: {  	v12 =	vsub.f32 v12, v47;
	v17 =	vsub.f32 v17, v27;
	v27 =	vld [tilespmem:s29+$0x870]  }
0x1d4: {  	v62 =	vld [tilespmem:s17+$0x860];
	v13 =	vsub.f32 v13, v49;
	v14 =	vsub.f32 v14, v51  }
0x1d5: {  	p1 =	sne.s32 s16, $0x1F;
	v63 =	vld [tilespmem:s17+$0x870];
	v15 =	vsub.f32 v15, v53;
	v22 =	vsub.f32 v22, v55  }
.Ltmp6:
0x1d6: {  	v23 =	vsub.f32 v23, v57;
	v20 =	vsub.f32 v20, v59;
	(pc) =	sbr.rel @p1 .LBB2_12-.Ltmp6, $4  }
0x1d7: {  	v19 =	vsub.f32 v19, v32;
	v18 =	vadd.f32 v29, v18  }
0x1d8: {  	v24 =	vadd.f32 v26, v24;
	v25 =	vadd.f32 v27, v25  }
0x1d9: {  	v21 =	vsub.f32 v21, v61;
	v18 =	vsub.f32 v18, v30  }
0x1da: {  	s15 =	sadd.s32 $0x80, s15;
	s16 =	sadd.s32 $0x1, s16;
	v24 =	vsub.f32 v24, v62;
	v25 =	vsub.f32 v25, v63  }
0x1db: {  	s14 =	sadd.s32 $0x1, s14  }
0x1dc: {  	p1 =	sne.s32 s14, s11  }
.Ltmp7:
0x1dd: {  	_ = 	snop;
	(pc) =	sbr.rel @p1 .LBB2_1-.Ltmp7, $4  }
0x1de: {  	[hbm4b:s7+s8] =	stream.strided.scatter [tilespmem:s13], [sflag:$0x1], $0x3000, s12, s8, $0x38;
	[tilespmem:$0x1B000] =	vst v63  }
0x1df: {  	_ =	swait.ge [sflag:s3], $0x3000  }
0x1e0: {  	[sflag:s3] =	ssyncset.done $0x0  }
0x1e1: {  	[sflag:s3] =	ssyncadd.s32 $0xFFFFD000  }
0x1e2: {  	_ =	sfence.sel $0x180000  }
0x1e3: {  	[bflag:$0x0] =	sbarrier.arrive $0xFFFF  }
0x1e4: {  	p0 =	sne.s32 s1, $0x0;
	_ =	strace $0x90000047  }
0x1e5: {  	s0 =	sadd.s32 @!p0 $0x100000, s0;
	[bflag:$0x2] =	sbarrier.arrive $0xFFFF  }
0x1e6: {  	[sflag:s0] =	ssyncadd.tile.s32 @!p0 $0x1;
	_ =	shalt  }
.Lfunc_end2:
_tile_overlayer_lowered:
.L_overlay_start_2:
0x1e7: {  	(tag) =	ssettag $0x2  }
0x1e8: {  	s0 =	rddreg [dreg:$0x0];
	s2 =	stileid.u32  }
0x1e9: {  	s1 =	rddreg [dreg:$0x1];
	p0 =	sne.s32 s2, $0x0  }
0x1ea: {  	s3 =	rddreg [dreg:$0x2];
	[bflag:$0x3] =	sbarrier.arrive $0xFFFF;
	s2 =	simm.s32 @!p0 $0x1C01  }
0x1eb: {  	[timem:s3], [sflag:s2] =	dma.local @!p0 [hbm:s0], s1  }
0x1ec: {  	s0 =	simm.s32 @!p0 $0x1  }
0x1ed: {  	_ =	swait.ge @!p0 [sflag:s0], s1  }
0x1ee: {  	s1 =	ssub.s32 @!p0 $0x0, s1;
	[sflag:s0] =	ssyncset.done @!p0 $0x0  }
0x1ef: {  	[sflag:s0] =	ssyncadd.s32 @!p0 s1  }
0x1f0: {  	[bflag:$0x3] =	sbarrier.arrive $0xFFFF  }
0x1f1: {  	_ =	shalt  }

</sc_bundles>
